<compile_context>
chip_gen: v7x
topology: tpu7x:2x2x1
jax: 0.10.2.dev20260603
libtpu: 0.0.44.dev20260713+nightly
codegen_flags: <defaults>
</compile_context>

<pallas_src>
import jax
import jax.numpy as jnp
from jax import lax
from jax.experimental import pallas as pl
from jax.experimental.pallas import tpu as pltpu
from jax.experimental.pallas import tpu_sc as plsc

N = 10000
E = 320000
D = 128

NC = 2
NS = 16
NW = NC * NS
C = 128
R = E // C
Q, REM = divmod(R, NW)
RW = Q + 1
NR = 80

_mesh = plsc.VectorSubcoreMesh(core_axis_name="c", subcore_axis_name="s")
_params = pltpu.CompilerParams(needs_layout_passes=False)


def _worker_slice(wid):
    start = wid * Q + jnp.minimum(wid, REM)
    nrows = Q + jnp.where(wid < REM, 1, 0)
    return start, nrows


def _seg_sum_body(x_hbm, src_hbm, dst_hbm, agg_out,
                  src_i, dst2, rows2, agg_sh, isem, gsem, dsem, ssem):
    cid = lax.axis_index("c")
    sid = lax.axis_index("s")
    wid = sid * NC + cid

    z16 = jnp.zeros((16,), jnp.float32)

    def zrow(i, _):
        for j in range(D // 16):
            rows2[0, i, pl.ds(16 * j, 16)] = z16
        return 0

    lax.fori_loop(0, C, zrow, 0)

    gq, grem = divmod(N // 8, NS)
    gstart = sid * gq + jnp.minimum(sid, grem)
    ng = gq + jnp.where(sid < grem, 1, 0)

    def zshared(k, _):
        base = (gstart + k) * 8
        pltpu.sync_copy(rows2.at[0, pl.ds(0, 8)], agg_sh.at[pl.ds(base, 8)])
        return 0

    lax.fori_loop(0, ng, zshared, 0)
    plsc.subcore_barrier()

    start, nrows = _worker_slice(wid)
    start_off = start * C

    def fire_src(chunk):
        ph = lax.rem(chunk, 3)
        pltpu.async_copy(src_hbm.at[pl.ds(start_off + chunk * C, C)],
                         src_i.at[ph], isem.at[ph])

    def fire_dst(chunk):
        ph = lax.rem(chunk, 3)
        pltpu.async_copy(dst_hbm.at[pl.ds(start_off + chunk * C, C)],
                         dst2.at[ph], dsem.at[ph])

    def drain_src(chunk):
        ph = lax.rem(chunk, 3)
        pltpu.make_async_copy(src_hbm.at[pl.ds(start_off + chunk * C, C)],
                              src_i.at[ph], isem.at[ph]).wait()

    def fire_gather(chunk):
        ph = lax.rem(chunk, 3)
        pltpu.async_copy(x_hbm.at[src_i.at[ph]], rows2.at[ph], gsem.at[ph])

    def drain_scatter(chunk):
        ph = lax.rem(chunk, 3)
        pltpu.make_async_copy(rows2.at[ph], agg_sh.at[dst2.at[ph]],
                              ssem.at[ph]).wait()

    fire_src(jnp.int32(0))
    fire_src(jnp.int32(1))
    fire_dst(jnp.int32(0))
    drain_src(jnp.int32(0))
    fire_gather(jnp.int32(0))

    def body(i, _):
        ph = lax.rem(i, 3)

        @pl.when(i >= 2)
        def _drain_old_scatter():
            drain_scatter(i - 2)

        @pl.when(i + 2 < nrows)
        def _prefetch_src():
            fire_src(i + 2)

        @pl.when(i + 1 < nrows)
        def _prefetch():
            drain_src(i + 1)
            fire_gather(i + 1)
            fire_dst(i + 1)

        pltpu.make_async_copy(x_hbm.at[src_i.at[ph]], rows2.at[ph],
                              gsem.at[ph]).wait()
        pltpu.make_async_copy(dst_hbm.at[pl.ds(start_off + i * C, C)],
                              dst2.at[ph], dsem.at[ph]).wait()
        pltpu.async_copy(rows2.at[ph], agg_sh.at[dst2.at[ph]], ssem.at[ph],
                         add=True)
        return 0

    lax.fori_loop(0, nrows, body, 0)
    drain_scatter(nrows - 2)
    drain_scatter(nrows - 1)
    plsc.subcore_barrier()

    def wout(k, _):
        base = (gstart + k) * 8
        pltpu.sync_copy(agg_sh.at[pl.ds(base, 8)],
                        agg_out.at[cid, pl.ds(base, 8)])
        return 0

    lax.fori_loop(0, ng, wout, 0)


_seg_sum = pl.kernel(
    _seg_sum_body,
    out_type=jax.ShapeDtypeStruct((NC, N, D), jnp.float32),
    mesh=_mesh,
    scratch_types=[
        pltpu.VMEM((3, C), jnp.int32),
        pltpu.VMEM((3, C), jnp.int32),
        pltpu.VMEM((3, C, D), jnp.float32),
        pltpu.VMEM_SHARED((N, D), jnp.float32),
        pltpu.SemaphoreType.DMA((3,)),
        pltpu.SemaphoreType.DMA((3,)),
        pltpu.SemaphoreType.DMA((3,)),
        pltpu.SemaphoreType.DMA((3,)),
    ],
    compiler_params=_params,
    name="sc_segment_sum",
)


def _deg_body(dst_hbm, deg_out, dst_i, deg_loc, rowidx_v, deg_sh, sem):
    cid = lax.axis_index("c")
    sid = lax.axis_index("s")
    wid = sid * NC + cid

    z16 = jnp.zeros((16,), jnp.float32)

    def zdeg(i, _):
        for j in range(D // 16):
            deg_loc[i, pl.ds(16 * j, 16)] = z16
        return 0

    lax.fori_loop(0, NR, zdeg, 0)

    def fillrow(k, _):
        rowidx_v[pl.ds(16 * k, 16)] = lax.iota(jnp.int32, 16) + 16 * k
        return 0

    lax.fori_loop(0, NR // 16, fillrow, 0)

    @pl.when(sid == 0)
    def _zdegsh():
        pltpu.sync_copy(deg_loc.at[pl.ds(0, NR)], deg_sh.at[pl.ds(0, NR)])

    plsc.subcore_barrier()

    start, nrows = _worker_slice(wid)
    start_off = start * C
    pltpu.sync_copy(dst_hbm.at[pl.ds(start_off, Q * C)],
                    dst_i.at[pl.ds(0, Q * C)])

    @pl.when(nrows == Q + 1)
    def _last_chunk_idx():
        pltpu.sync_copy(dst_hbm.at[pl.ds(start_off + Q * C, C)],
                        dst_i.at[pl.ds(Q * C, C)])

    o16 = jnp.ones((16,), jnp.float32)

    def body(i, _):
        for j in range(C // 16):
            d16 = dst_i[pl.ds(i * C + 16 * j, 16)]
            r16 = lax.shift_right_logical(d16, 7)
            c16 = lax.bitwise_and(d16, 127)
            plsc.addupdate_scatter(deg_loc, [r16, c16], o16)
        return 0

    lax.fori_loop(0, nrows, body, 0)
    pltpu.sync_copy(deg_loc, deg_sh.at[rowidx_v], add=True)
    plsc.subcore_barrier()

    @pl.when(sid < NR // 8)
    def _wdeg():
        pltpu.sync_copy(deg_sh.at[pl.ds(sid * 8, 8)],
                        deg_out.at[cid, pl.ds(sid * 8, 8)])


_deg_kernel = pl.kernel(
    _deg_body,
    out_type=jax.ShapeDtypeStruct((NC, NR, D), jnp.float32),
    mesh=_mesh,
    scratch_types=[
        pltpu.VMEM((RW * C,), jnp.int32),
        pltpu.VMEM((NR, D), jnp.float32),
        pltpu.VMEM((NR,), jnp.int32),
        pltpu.VMEM_SHARED((NR, D), jnp.float32),
        pltpu.SemaphoreType.DMA,
    ],
    compiler_params=_params,
    name="sc_degrees",
)

_BN_S = 1.0 / (1.0 + 1e-5) ** 0.5


def _tc1_body(aggp, deg, x, W1l, W1r, b1, g1, be1, h1_out):
    agg = aggp[0] + aggp[1]
    mean = agg * (1.0 / jnp.maximum(deg[...], 1.0))
    t = lax.dot_general(mean, W1l[...], (((1,), (1,)), ((), ())),
                        preferred_element_type=jnp.float32)
    t = t + lax.dot_general(x[...], W1r[...], (((1,), (1,)), ((), ())),
                            preferred_element_type=jnp.float32)
    t = (t + b1[...]) * (g1[...] * _BN_S) + be1[...]
    h1_out[...] = jnp.maximum(t, 0.0)


def _tc2_body(aggp, deg, h1, W2l, W2r, b2, g2, be2, Wo, bo, out):
    agg = aggp[0] + aggp[1]
    mean = agg * (1.0 / jnp.maximum(deg[...], 1.0))
    t = lax.dot_general(mean, W2l[...], (((1,), (1,)), ((), ())),
                        preferred_element_type=jnp.float32)
    t = t + lax.dot_general(h1[...], W2r[...], (((1,), (1,)), ((), ())),
                            preferred_element_type=jnp.float32)
    t = (t + b2[...]) * (g2[...] * _BN_S) + be2[...]
    h = h1[...] + jnp.maximum(t, 0.0)
    out[...] = lax.dot_general(h, Wo[...], (((1,), (1,)), ((), ())),
                               preferred_element_type=jnp.float32) + bo[...]


_BLK = 2000
_GRID = N // _BLK


def _row_spec(width=D):
    return pl.BlockSpec((_BLK, width), lambda i: (i, 0))


def _part_spec(width):
    return pl.BlockSpec((NC, _BLK, width), lambda i: (0, i, 0))


def _full_spec(shape):
    return pl.BlockSpec(shape, lambda i: tuple(0 for _ in shape))


_tc1 = pl.pallas_call(
    _tc1_body,
    grid=(_GRID,),
    in_specs=[
        _part_spec(D), _row_spec(), _row_spec(),
        _full_spec((D, D)), _full_spec((D, D)),
        _full_spec((1, D)), _full_spec((1, D)), _full_spec((1, D)),
    ],
    out_specs=_row_spec(),
    out_shape=jax.ShapeDtypeStruct((N, D), jnp.float32),
)

_tc2 = pl.pallas_call(
    _tc2_body,
    grid=(_GRID,),
    in_specs=[
        _part_spec(D), _row_spec(), _row_spec(),
        _full_spec((D, D)), _full_spec((D, D)),
        _full_spec((1, D)), _full_spec((1, D)), _full_spec((1, D)),
        _full_spec((D, D)), _full_spec((1, D)),
    ],
    out_specs=_row_spec(),
    out_shape=jax.ShapeDtypeStruct((N, D), jnp.float32),
)


@jax.jit
def kernel(x, edge_index, W1l, W1r, b1, g1, be1, W2l, W2r, b2, g2, be2, Wo, bo):
    src1 = edge_index[0]
    dst1 = edge_index[1]
    degp = _deg_kernel(dst1)
    aggp1 = _seg_sum(x, src1, dst1)
    deg = jnp.broadcast_to(
        (degp[0] + degp[1]).reshape(NR * D)[:N, None], (N, D))
    h1 = _tc1(aggp1, deg, x, W1l, W1r,
              b1.reshape(1, D), g1.reshape(1, D), be1.reshape(1, D))
    aggp2 = _seg_sum(h1, src1, dst1)
    return _tc2(aggp2, deg, h1, W2l, W2r,
                b2.reshape(1, D), g2.reshape(1, D), be2.reshape(1, D),
                Wo, bo.reshape(1, D))

# --- scband reference (transcript-rebuilt; emitter-appended) ---
"""Pipeline reference for scband-graph-sage-111669149883 (READ-ONLY COPY).

The authoritative reference and input builder live on the scoring server;
editing this copy changes nothing except your own understanding.
"""

import jax, jax.numpy as jnp
import numpy as np

N = 10000
E = 320000
D = 128
H = 128
O = 128


def setup_inputs(seed: int = 0) -> dict:
    key = jax.random.key(seed)
    ks = jax.random.split(key, 16)
    x = jax.random.normal(ks[0], (N, D), dtype=jnp.float32)
    edge_index = jax.random.randint(ks[1], (2, E), 0, N, dtype=jnp.int32)
    s = 1.0 / np.sqrt(D)
    sh = 1.0 / np.sqrt(H)
    W1l = jax.random.uniform(ks[2], (H, D), jnp.float32, -s, s)
    W1r = jax.random.uniform(ks[3], (H, D), jnp.float32, -s, s)
    b1 = jnp.zeros((H,), jnp.float32)
    g1 = jnp.ones((H,), jnp.float32)
    be1 = jnp.zeros((H,), jnp.float32)
    W2l = jax.random.uniform(ks[4], (H, H), jnp.float32, -sh, sh)
    W2r = jax.random.uniform(ks[5], (H, H), jnp.float32, -sh, sh)
    b2 = jnp.zeros((H,), jnp.float32)
    g2 = jnp.ones((H,), jnp.float32)
    be2 = jnp.zeros((H,), jnp.float32)
    Wo = jax.random.uniform(ks[6], (O, H), jnp.float32, -sh, sh)
    bo = jnp.zeros((O,), jnp.float32)
    return {"x": x, "edge_index": edge_index, "W1l": W1l, "W1r": W1r, "b1": b1,
            "g1": g1, "be1": be1, "W2l": W2l, "W2r": W2r, "b2": b2,
            "g2": g2, "be2": be2, "Wo": Wo, "bo": bo}


def reference(x, edge_index, W1l, W1r, b1, g1, be1, W2l, W2r, b2, g2, be2, Wo, bo):
    src = edge_index[0]
    dst = edge_index[1]

    def sage_conv(h, Wl, Wr, b):
        # mean aggregation over incoming edges (src -> dst)
        msgs = h[src]
        agg = jax.ops.segment_sum(msgs, dst, num_segments=N)
        deg = jax.ops.segment_sum(jnp.ones((E,), h.dtype), dst, num_segments=N)
        mean = agg / jnp.clip(deg, 1.0)[:, None]
        return mean @ Wl.T + h @ Wr.T + b

    def batch_norm(h, g, be):
        # eval-mode BatchNorm1d with running_mean=0, running_var=1
        eps = 1e-5
        return g * (h / jnp.sqrt(1.0 + eps)) + be

    h1 = sage_conv(x, W1l, W1r, b1)
    h1 = batch_norm(h1, g1, be1)
    h1 = jax.nn.relu(h1)
    # dropout: identity in eval mode
    h2 = sage_conv(h1, W2l, W2r, b2)
    h2 = batch_norm(h2, g2, be2)
    h2 = jax.nn.relu(h2)
    h = h1 + h2
    return h @ Wo.T + bo

if __name__ == "__main__":
    import jax
    _d = setup_inputs()
    print(jax.jit(kernel)(*tuple(_d.values())))

</pallas_src>

<mosaic_0001>
#map = affine_map<(d0, d1) -> (0)>
#map1 = affine_map<(d0, d1) -> (0, 0, 0)>
module attributes {stable_mosaic.version = 14 : i64} {
  func.func @sc_degrees(%arg0: i32, %arg1: i32, %arg2: memref<320000xi32, #tpu.memory_space<hbm>>, %arg3: memref<2x80x128xf32, #tpu.memory_space<hbm>>, %arg4: memref<10112xi32, #tpu.memory_space<vmem>>, %arg5: memref<80x128xf32, #tpu.memory_space<vmem>>, %arg6: memref<80xi32, #tpu.memory_space<vmem>>, %arg7: memref<80x128xf32, #tpu.memory_space<vmem_shared>>, %arg8: memref<!tpu.dma_semaphore, #tpu.memory_space<semaphore_mem>>) attributes {dimension_semantics = [#tpu.dimension_semantics<core_parallel>, #tpu.dimension_semantics<subcore_parallel>], iteration_bounds = array<i64: 2, 16>, scalar_prefetch = 0 : i64, scratch_operands = 5 : i64, tpu.core_type = #tpu.core_type<sc_vector_subcore>, window_params = [{transform_indices = #map}, {transform_indices = #map1}]} {
    %mul3A = arith.constant 2 : i32
    %mul3A_0 = arith.muli %arg1, %mul3A : i32
    %add3A = arith.addi %mul3A_0, %arg0 : i32
    %broadcast_in_dim3A = arith.constant 0.000000e+00 : f32
    %broadcast_in_dim3A_1 = vector.broadcast %broadcast_in_dim3A : f32 to vector<16xf32>
    %scan3A = arith.constant 0 : i32
    %scan3A_2 = arith.constant 0 : i32
    %scan3A_3 = arith.constant 80 : i32
    %scan3A_4 = arith.addi %scan3A_2, %scan3A_3 : i32
    %scan3A_5 = arith.constant 1 : i32
    %scan3A_6 = scf.for %scan3A_51 = %scan3A_2 to %scan3A_4 step %scan3A_5 iter_args(%scan3A_52 = %scan3A) -> (i32)  : i32 {
      %swap3A = arith.index_cast %scan3A_51 : i32 to index
      %swap3A_53 = arith.constant 0 : index
      %swap3A_54 = tpu.vector_load %arg5[%swap3A, %swap3A_53] {strides = array<i32>} : memref<80x128xf32, #tpu.memory_space<vmem>>, vector<16xf32>,
      tpu.vector_store %arg5[%swap3A, %swap3A_53], %broadcast_in_dim3A_1 {strides = array<i32>} : memref<80x128xf32, #tpu.memory_space<vmem>>, vector<16xf32>,
      %swap3A_55 = arith.index_cast %scan3A_51 : i32 to index
      %swap3A_56 = arith.constant 16 : index
      %swap3A_57 = tpu.vector_load %arg5[%swap3A_55, %swap3A_56] {strides = array<i32>} : memref<80x128xf32, #tpu.memory_space<vmem>>, vector<16xf32>,
      tpu.vector_store %arg5[%swap3A_55, %swap3A_56], %broadcast_in_dim3A_1 {strides = array<i32>} : memref<80x128xf32, #tpu.memory_space<vmem>>, vector<16xf32>,
      %swap3A_58 = arith.index_cast %scan3A_51 : i32 to index
      %swap3A_59 = arith.constant 32 : index
      %swap3A_60 = tpu.vector_load %arg5[%swap3A_58, %swap3A_59] {strides = array<i32>} : memref<80x128xf32, #tpu.memory_space<vmem>>, vector<16xf32>,
      tpu.vector_store %arg5[%swap3A_58, %swap3A_59], %broadcast_in_dim3A_1 {strides = array<i32>} : memref<80x128xf32, #tpu.memory_space<vmem>>, vector<16xf32>,
      %swap3A_61 = arith.index_cast %scan3A_51 : i32 to index
      %swap3A_62 = arith.constant 48 : index
      %swap3A_63 = tpu.vector_load %arg5[%swap3A_61, %swap3A_62] {strides = array<i32>} : memref<80x128xf32, #tpu.memory_space<vmem>>, vector<16xf32>,
      tpu.vector_store %arg5[%swap3A_61, %swap3A_62], %broadcast_in_dim3A_1 {strides = array<i32>} : memref<80x128xf32, #tpu.memory_space<vmem>>, vector<16xf32>,
      %swap3A_64 = arith.index_cast %scan3A_51 : i32 to index
      %swap3A_65 = arith.constant 64 : index
      %swap3A_66 = tpu.vector_load %arg5[%swap3A_64, %swap3A_65] {strides = array<i32>} : memref<80x128xf32, #tpu.memory_space<vmem>>, vector<16xf32>,
      tpu.vector_store %arg5[%swap3A_64, %swap3A_65], %broadcast_in_dim3A_1 {strides = array<i32>} : memref<80x128xf32, #tpu.memory_space<vmem>>, vector<16xf32>,
      %swap3A_67 = arith.index_cast %scan3A_51 : i32 to index
      %swap3A_68 = arith.constant 80 : index
      %swap3A_69 = tpu.vector_load %arg5[%swap3A_67, %swap3A_68] {strides = array<i32>} : memref<80x128xf32, #tpu.memory_space<vmem>>, vector<16xf32>,
      tpu.vector_store %arg5[%swap3A_67, %swap3A_68], %broadcast_in_dim3A_1 {strides = array<i32>} : memref<80x128xf32, #tpu.memory_space<vmem>>, vector<16xf32>,
      %swap3A_70 = arith.index_cast %scan3A_51 : i32 to index
      %swap3A_71 = arith.constant 96 : index
      %swap3A_72 = tpu.vector_load %arg5[%swap3A_70, %swap3A_71] {strides = array<i32>} : memref<80x128xf32, #tpu.memory_space<vmem>>, vector<16xf32>,
      tpu.vector_store %arg5[%swap3A_70, %swap3A_71], %broadcast_in_dim3A_1 {strides = array<i32>} : memref<80x128xf32, #tpu.memory_space<vmem>>, vector<16xf32>,
      %swap3A_73 = arith.index_cast %scan3A_51 : i32 to index
      %swap3A_74 = arith.constant 112 : index
      %swap3A_75 = tpu.vector_load %arg5[%swap3A_73, %swap3A_74] {strides = array<i32>} : memref<80x128xf32, #tpu.memory_space<vmem>>, vector<16xf32>,
      tpu.vector_store %arg5[%swap3A_73, %swap3A_74], %broadcast_in_dim3A_1 {strides = array<i32>} : memref<80x128xf32, #tpu.memory_space<vmem>>, vector<16xf32>,
      %scan3A_76 = arith.constant 0 : i32
      scf.yield %scan3A_76 : i32
    }
    %scan3A_7 = arith.constant 80 : i32
    %scan3A_8 = arith.constant 0 : i32
    %scan3A_9 = arith.constant 0 : i32
    %scan3A_10 = arith.constant 5 : i32
    %scan3A_11 = arith.addi %scan3A_9, %scan3A_10 : i32
    %scan3A_12 = arith.constant 1 : i32
    %scan3A_13 = scf.for %scan3A_51 = %scan3A_9 to %scan3A_11 step %scan3A_12 iter_args(%scan3A_52 = %scan3A_8) -> (i32)  : i32 {
      %iota3A = tpu.iota {dimensions = array<i32: 0>} : vector<16xi32>
      %mul3A_53 = arith.constant 16 : i32
      %mul3A_54 = arith.muli %mul3A_53, %scan3A_51 : i32
      %add3A_55 = vector.broadcast %mul3A_54 : i32 to vector<16xi32>
      %add3A_56 = arith.addi %iota3A, %add3A_55 : vector<16xi32>
      %mul3A_57 = arith.constant 16 : i32
      %mul3A_58 = arith.muli %mul3A_57, %scan3A_51 : i32
      %swap3A = arith.index_cast %mul3A_58 : i32 to index
      %swap3A_59 = tpu.vector_load %arg6[%swap3A] {strides = array<i32>} : memref<80xi32, #tpu.memory_space<vmem>>, vector<16xi32>,
      tpu.vector_store %arg6[%swap3A], %add3A_56 {strides = array<i32>} : memref<80xi32, #tpu.memory_space<vmem>>, vector<16xi32>,
      %scan3A_60 = arith.constant 0 : i32
      scf.yield %scan3A_60 : i32
    }
    %scan3A_14 = arith.constant 5 : i32
    %eq3A = arith.constant 0 : i32
    %eq3A_15 = arith.cmpi eq, %arg1, %eq3A : i32
    %convert_element_type3A = arith.extui %eq3A_15 : i1 to i32
    %cond3A = arith.constant 0 : i32
    %cond3A_16 = arith.cmpi ne, %convert_element_type3A, %cond3A : i32
    scf.if %cond3A_16 {
      "tpu.region"() ({
        %run_scoped3A = tpu.sem_alloc : memref<!tpu.dma_semaphore, #tpu.memory_space<semaphore_mem>>
        %dma_start3A = arith.constant 0 : i32
        %dma_start3A_51 = arith.constant 0 : i32
        %dma_start3A_52 = tpu.memref_slice %arg5[%dma_start3A, %dma_start3A_51] : memref<80x128xf32, #tpu.memory_space<vmem>> -> memref<80x128xf32, #tpu.memory_space<vmem>>
        %dma_start3A_53 = arith.constant 0 : i32
        %dma_start3A_54 = arith.constant 0 : i32
        %dma_start3A_55 = tpu.memref_slice %arg7[%dma_start3A_53, %dma_start3A_54] : memref<80x128xf32, #tpu.memory_space<vmem_shared>> -> memref<80x128xf32, #tpu.memory_space<vmem_shared>>
        %dma_start3A_56 = arith.constant 0 : i32
        %dma_start3A_57 = arith.constant 0 : i32
        %dma_start3A_58 = tpu.memref_slice %arg7[%dma_start3A_56, %dma_start3A_57] : memref<80x128xf32, #tpu.memory_space<vmem_shared>> -> memref<80x128xf32, #tpu.memory_space<vmem_shared>>
        %dma_start3A_59 = arith.constant 0 : i32
        %dma_start3A_60 = arith.constant 0 : i32
        %dma_start3A_61 = tpu.memref_slice %arg5[%dma_start3A_59, %dma_start3A_60] : memref<80x128xf32, #tpu.memory_space<vmem>> -> memref<80x128xf32, #tpu.memory_space<vmem>>
        tpu.enqueue_dma source(%dma_start3A_61 : memref<80x128xf32, #tpu.memory_space<vmem>>) target(%dma_start3A_58 : memref<80x128xf32, #tpu.memory_space<vmem_shared>>) target_semaphore(%run_scoped3A : memref<!tpu.dma_semaphore, #tpu.memory_space<semaphore_mem>>)
        %dma_wait3A = arith.constant 0 : i32
        %dma_wait3A_62 = arith.constant 0 : i32
        %dma_wait3A_63 = tpu.memref_slice %arg5[%dma_wait3A, %dma_wait3A_62] : memref<80x128xf32, #tpu.memory_space<vmem>> -> memref<80x128xf32, #tpu.memory_space<vmem>>
        %dma_wait3A_64 = arith.constant 0 : i32
        %dma_wait3A_65 = arith.constant 0 : i32
        %dma_wait3A_66 = tpu.memref_slice %arg7[%dma_wait3A_64, %dma_wait3A_65] : memref<80x128xf32, #tpu.memory_space<vmem_shared>> -> memref<80x128xf32, #tpu.memory_space<vmem_shared>>
        %dma_wait3A_67 = arith.constant 0 : i32
        %dma_wait3A_68 = arith.constant 0 : i32
        %dma_wait3A_69 = tpu.memref_slice %arg7[%dma_wait3A_67, %dma_wait3A_68] : memref<80x128xf32, #tpu.memory_space<vmem_shared>> -> memref<80x128xf32, #tpu.memory_space<vmem_shared>>
        %dma_wait3A_70 = arith.constant 0 : i32
        %dma_wait3A_71 = arith.constant 0 : i32
        %dma_wait3A_72 = tpu.memref_slice %arg5[%dma_wait3A_70, %dma_wait3A_71] : memref<80x128xf32, #tpu.memory_space<vmem>> -> memref<80x128xf32, #tpu.memory_space<vmem>>
        tpu.wait_dma2 semaphore(%run_scoped3A : memref<!tpu.dma_semaphore, #tpu.memory_space<semaphore_mem>>) src(%dma_wait3A_72 : memref<80x128xf32, #tpu.memory_space<vmem>>) dst(%dma_wait3A_69 : memref<80x128xf32, #tpu.memory_space<vmem_shared>>)
        tpu.yield
      }) : () -> ()
    } else {
    }
    %barrier3A = arith.constant 0 : index
    tpu.barrier barrier_id(%barrier3A)
    %mul3A_17 = arith.constant 78 : i32
    %mul3A_18 = arith.muli %add3A, %mul3A_17 : i32
    %min3A = arith.constant 4 : i32
    %min3A_19 = arith.minsi %add3A, %min3A : i32
    %add3A_20 = arith.addi %mul3A_18, %min3A_19 : i32
    %lt3A = arith.constant 4 : i32
    %lt3A_21 = arith.cmpi slt, %add3A, %lt3A : i32
    %jit3A = arith.constant 1 : i32
    %jit3A_22 = arith.constant 0 : i32
    %select_n3A = arith.select %lt3A_21, %jit3A, %jit3A_22 : i32
    %add3A_23 = arith.constant 78 : i32
    %add3A_24 = arith.addi %add3A_23, %select_n3A : i32
    %mul3A_25 = arith.constant 128 : i32
    %mul3A_26 = arith.muli %add3A_20, %mul3A_25 : i32
    "tpu.region"() ({
      %run_scoped3A = tpu.sem_alloc : memref<!tpu.dma_semaphore, #tpu.memory_space<semaphore_mem>>
      %dma_start3A = arith.constant 0 : i32
      %dma_start3A_51 = tpu.memref_slice %arg4[%dma_start3A] : memref<10112xi32, #tpu.memory_space<vmem>> -> memref<9984xi32, #tpu.memory_space<vmem>>
      %dma_start3A_52 = tpu.memref_slice %arg2[%mul3A_26] : memref<320000xi32, #tpu.memory_space<hbm>> -> memref<9984xi32, #tpu.memory_space<hbm>>
      %dma_start3A_53 = arith.constant 0 : i32
      %dma_start3A_54 = tpu.memref_slice %arg4[%dma_start3A_53] : memref<10112xi32, #tpu.memory_space<vmem>> -> memref<9984xi32, #tpu.memory_space<vmem>>
      %dma_start3A_55 = tpu.memref_slice %arg2[%mul3A_26] : memref<320000xi32, #tpu.memory_space<hbm>> -> memref<9984xi32, #tpu.memory_space<hbm>>
      tpu.enqueue_dma source(%dma_start3A_55 : memref<9984xi32, #tpu.memory_space<hbm>>) target(%dma_start3A_54 : memref<9984xi32, #tpu.memory_space<vmem>>) target_semaphore(%run_scoped3A : memref<!tpu.dma_semaphore, #tpu.memory_space<semaphore_mem>>)
      %dma_wait3A = arith.constant 0 : i32
      %dma_wait3A_56 = tpu.memref_slice %arg4[%dma_wait3A] : memref<10112xi32, #tpu.memory_space<vmem>> -> memref<9984xi32, #tpu.memory_space<vmem>>
      %dma_wait3A_57 = tpu.memref_slice %arg2[%mul3A_26] : memref<320000xi32, #tpu.memory_space<hbm>> -> memref<9984xi32, #tpu.memory_space<hbm>>
      %dma_wait3A_58 = arith.constant 0 : i32
      %dma_wait3A_59 = tpu.memref_slice %arg4[%dma_wait3A_58] : memref<10112xi32, #tpu.memory_space<vmem>> -> memref<9984xi32, #tpu.memory_space<vmem>>
      %dma_wait3A_60 = tpu.memref_slice %arg2[%mul3A_26] : memref<320000xi32, #tpu.memory_space<hbm>> -> memref<9984xi32, #tpu.memory_space<hbm>>
      tpu.wait_dma2 semaphore(%run_scoped3A : memref<!tpu.dma_semaphore, #tpu.memory_space<semaphore_mem>>) src(%dma_wait3A_60 : memref<9984xi32, #tpu.memory_space<hbm>>) dst(%dma_wait3A_59 : memref<9984xi32, #tpu.memory_space<vmem>>)
      tpu.yield
    }) : () -> ()
    %eq3A_27 = arith.constant 79 : i32
    %eq3A_28 = arith.cmpi eq, %add3A_24, %eq3A_27 : i32
    %convert_element_type3A_29 = arith.extui %eq3A_28 : i1 to i32
    %cond3A_30 = arith.constant 0 : i32
    %cond3A_31 = arith.cmpi ne, %convert_element_type3A_29, %cond3A_30 : i32
    scf.if %cond3A_31 {
      %add3A_51 = arith.constant 9984 : i32
      %add3A_52 = arith.addi %mul3A_26, %add3A_51 : i32
      "tpu.region"() ({
        %run_scoped3A = tpu.sem_alloc : memref<!tpu.dma_semaphore, #tpu.memory_space<semaphore_mem>>
        %dma_start3A = arith.constant 9984 : i32
        %dma_start3A_53 = tpu.memref_slice %arg4[%dma_start3A] : memref<10112xi32, #tpu.memory_space<vmem>> -> memref<128xi32, #tpu.memory_space<vmem>>
        %dma_start3A_54 = tpu.memref_slice %arg2[%add3A_52] : memref<320000xi32, #tpu.memory_space<hbm>> -> memref<128xi32, #tpu.memory_space<hbm>>
        %dma_start3A_55 = arith.constant 9984 : i32
        %dma_start3A_56 = tpu.memref_slice %arg4[%dma_start3A_55] : memref<10112xi32, #tpu.memory_space<vmem>> -> memref<128xi32, #tpu.memory_space<vmem>>
        %dma_start3A_57 = tpu.memref_slice %arg2[%add3A_52] : memref<320000xi32, #tpu.memory_space<hbm>> -> memref<128xi32, #tpu.memory_space<hbm>>
        tpu.enqueue_dma source(%dma_start3A_57 : memref<128xi32, #tpu.memory_space<hbm>>) target(%dma_start3A_56 : memref<128xi32, #tpu.memory_space<vmem>>) target_semaphore(%run_scoped3A : memref<!tpu.dma_semaphore, #tpu.memory_space<semaphore_mem>>)
        %dma_wait3A = arith.constant 9984 : i32
        %dma_wait3A_58 = tpu.memref_slice %arg4[%dma_wait3A] : memref<10112xi32, #tpu.memory_space<vmem>> -> memref<128xi32, #tpu.memory_space<vmem>>
        %dma_wait3A_59 = tpu.memref_slice %arg2[%add3A_52] : memref<320000xi32, #tpu.memory_space<hbm>> -> memref<128xi32, #tpu.memory_space<hbm>>
        %dma_wait3A_60 = arith.constant 9984 : i32
        %dma_wait3A_61 = tpu.memref_slice %arg4[%dma_wait3A_60] : memref<10112xi32, #tpu.memory_space<vmem>> -> memref<128xi32, #tpu.memory_space<vmem>>
        %dma_wait3A_62 = tpu.memref_slice %arg2[%add3A_52] : memref<320000xi32, #tpu.memory_space<hbm>> -> memref<128xi32, #tpu.memory_space<hbm>>
        tpu.wait_dma2 semaphore(%run_scoped3A : memref<!tpu.dma_semaphore, #tpu.memory_space<semaphore_mem>>) src(%dma_wait3A_62 : memref<128xi32, #tpu.memory_space<hbm>>) dst(%dma_wait3A_61 : memref<128xi32, #tpu.memory_space<vmem>>)
        tpu.yield
      }) : () -> ()
    } else {
    }
    %broadcast_in_dim3A_32 = arith.constant 1.000000e+00 : f32
    %broadcast_in_dim3A_33 = vector.broadcast %broadcast_in_dim3A_32 : f32 to vector<16xf32>
    %while3A = arith.constant 0 : i32
    %while3A_34 = arith.constant 0 : i32
    %while3A_35 = arith.subi %add3A_24, %while3A : i32
    %while3A_36 = arith.addi %while3A, %while3A_35 : i32
    %while3A_37 = arith.constant 1 : i32
    %while3A_38 = arith.divsi %while3A_35, %while3A_37 : i32
    %while3A_39 = arith.muli %while3A_38, %while3A_37 : i32
    %while3A_40 = arith.addi %while3A, %while3A_39 : i32
    %while3A_41 = arith.constant 1 : i32
    %while3A_42 = scf.for %while3A_51 = %while3A to %while3A_40 step %while3A_41 iter_args(%while3A_52 = %while3A_34) -> (i32)  : i32 {
      %mul3A_53 = arith.constant 128 : i32
      %mul3A_54 = arith.muli %while3A_51, %mul3A_53 : i32
      %add3A_55 = arith.constant 0 : i32
      %add3A_56 = arith.addi %mul3A_54, %add3A_55 : i32
      %get3A = arith.index_cast %add3A_56 : i32 to index
      %get3A_57 = tpu.vector_load %arg4[%get3A] {strides = array<i32>} : memref<10112xi32, #tpu.memory_space<vmem>>, vector<16xi32>,
      %shift_right_logical3A = arith.constant 7 : i32
      %shift_right_logical3A_58 = vector.broadcast %shift_right_logical3A : i32 to vector<16xi32>
      %shift_right_logical3A_59 = arith.shrui %get3A_57, %shift_right_logical3A_58 : vector<16xi32>
      %and3A = arith.constant 127 : i32
      %and3A_60 = vector.broadcast %and3A : i32 to vector<16xi32>
      %and3A_61 = arith.andi %get3A_57, %and3A_60 : vector<16xi32>
      tpu.vector_store_idx %arg5[%shift_right_logical3A_59, %and3A_61], %broadcast_in_dim3A_33 {add = true} : memref<80x128xf32, #tpu.memory_space<vmem>>[vector<16xi32>, vector<16xi32>], vector<16xf32>,
      %mul3A_62 = arith.constant 128 : i32
      %mul3A_63 = arith.muli %while3A_51, %mul3A_62 : i32
      %add3A_64 = arith.constant 16 : i32
      %add3A_65 = arith.addi %mul3A_63, %add3A_64 : i32
      %get3A_66 = arith.index_cast %add3A_65 : i32 to index
      %get3A_67 = tpu.vector_load %arg4[%get3A_66] {strides = array<i32>} : memref<10112xi32, #tpu.memory_space<vmem>>, vector<16xi32>,
      %shift_right_logical3A_68 = arith.constant 7 : i32
      %shift_right_logical3A_69 = vector.broadcast %shift_right_logical3A_68 : i32 to vector<16xi32>
      %shift_right_logical3A_70 = arith.shrui %get3A_67, %shift_right_logical3A_69 : vector<16xi32>
      %and3A_71 = arith.constant 127 : i32
      %and3A_72 = vector.broadcast %and3A_71 : i32 to vector<16xi32>
      %and3A_73 = arith.andi %get3A_67, %and3A_72 : vector<16xi32>
      tpu.vector_store_idx %arg5[%shift_right_logical3A_70, %and3A_73], %broadcast_in_dim3A_33 {add = true} : memref<80x128xf32, #tpu.memory_space<vmem>>[vector<16xi32>, vector<16xi32>], vector<16xf32>,
      %mul3A_74 = arith.constant 128 : i32
      %mul3A_75 = arith.muli %while3A_51, %mul3A_74 : i32
      %add3A_76 = arith.constant 32 : i32
      %add3A_77 = arith.addi %mul3A_75, %add3A_76 : i32
      %get3A_78 = arith.index_cast %add3A_77 : i32 to index
      %get3A_79 = tpu.vector_load %arg4[%get3A_78] {strides = array<i32>} : memref<10112xi32, #tpu.memory_space<vmem>>, vector<16xi32>,
      %shift_right_logical3A_80 = arith.constant 7 : i32
      %shift_right_logical3A_81 = vector.broadcast %shift_right_logical3A_80 : i32 to vector<16xi32>
      %shift_right_logical3A_82 = arith.shrui %get3A_79, %shift_right_logical3A_81 : vector<16xi32>
      %and3A_83 = arith.constant 127 : i32
      %and3A_84 = vector.broadcast %and3A_83 : i32 to vector<16xi32>
      %and3A_85 = arith.andi %get3A_79, %and3A_84 : vector<16xi32>
      tpu.vector_store_idx %arg5[%shift_right_logical3A_82, %and3A_85], %broadcast_in_dim3A_33 {add = true} : memref<80x128xf32, #tpu.memory_space<vmem>>[vector<16xi32>, vector<16xi32>], vector<16xf32>,
      %mul3A_86 = arith.constant 128 : i32
      %mul3A_87 = arith.muli %while3A_51, %mul3A_86 : i32
      %add3A_88 = arith.constant 48 : i32
      %add3A_89 = arith.addi %mul3A_87, %add3A_88 : i32
      %get3A_90 = arith.index_cast %add3A_89 : i32 to index
      %get3A_91 = tpu.vector_load %arg4[%get3A_90] {strides = array<i32>} : memref<10112xi32, #tpu.memory_space<vmem>>, vector<16xi32>,
      %shift_right_logical3A_92 = arith.constant 7 : i32
      %shift_right_logical3A_93 = vector.broadcast %shift_right_logical3A_92 : i32 to vector<16xi32>
      %shift_right_logical3A_94 = arith.shrui %get3A_91, %shift_right_logical3A_93 : vector<16xi32>
      %and3A_95 = arith.constant 127 : i32
      %and3A_96 = vector.broadcast %and3A_95 : i32 to vector<16xi32>
      %and3A_97 = arith.andi %get3A_91, %and3A_96 : vector<16xi32>
      tpu.vector_store_idx %arg5[%shift_right_logical3A_94, %and3A_97], %broadcast_in_dim3A_33 {add = true} : memref<80x128xf32, #tpu.memory_space<vmem>>[vector<16xi32>, vector<16xi32>], vector<16xf32>,
      %mul3A_98 = arith.constant 128 : i32
      %mul3A_99 = arith.muli %while3A_51, %mul3A_98 : i32
      %add3A_100 = arith.constant 64 : i32
      %add3A_101 = arith.addi %mul3A_99, %add3A_100 : i32
      %get3A_102 = arith.index_cast %add3A_101 : i32 to index
      %get3A_103 = tpu.vector_load %arg4[%get3A_102] {strides = array<i32>} : memref<10112xi32, #tpu.memory_space<vmem>>, vector<16xi32>,
      %shift_right_logical3A_104 = arith.constant 7 : i32
      %shift_right_logical3A_105 = vector.broadcast %shift_right_logical3A_104 : i32 to vector<16xi32>
      %shift_right_logical3A_106 = arith.shrui %get3A_103, %shift_right_logical3A_105 : vector<16xi32>
      %and3A_107 = arith.constant 127 : i32
      %and3A_108 = vector.broadcast %and3A_107 : i32 to vector<16xi32>
      %and3A_109 = arith.andi %get3A_103, %and3A_108 : vector<16xi32>
      tpu.vector_store_idx %arg5[%shift_right_logical3A_106, %and3A_109], %broadcast_in_dim3A_33 {add = true} : memref<80x128xf32, #tpu.memory_space<vmem>>[vector<16xi32>, vector<16xi32>], vector<16xf32>,
      %mul3A_110 = arith.constant 128 : i32
      %mul3A_111 = arith.muli %while3A_51, %mul3A_110 : i32
      %add3A_112 = arith.constant 80 : i32
      %add3A_113 = arith.addi %mul3A_111, %add3A_112 : i32
      %get3A_114 = arith.index_cast %add3A_113 : i32 to index
      %get3A_115 = tpu.vector_load %arg4[%get3A_114] {strides = array<i32>} : memref<10112xi32, #tpu.memory_space<vmem>>, vector<16xi32>,
      %shift_right_logical3A_116 = arith.constant 7 : i32
      %shift_right_logical3A_117 = vector.broadcast %shift_right_logical3A_116 : i32 to vector<16xi32>
      %shift_right_logical3A_118 = arith.shrui %get3A_115, %shift_right_logical3A_117 : vector<16xi32>
      %and3A_119 = arith.constant 127 : i32
      %and3A_120 = vector.broadcast %and3A_119 : i32 to vector<16xi32>
      %and3A_121 = arith.andi %get3A_115, %and3A_120 : vector<16xi32>
      tpu.vector_store_idx %arg5[%shift_right_logical3A_118, %and3A_121], %broadcast_in_dim3A_33 {add = true} : memref<80x128xf32, #tpu.memory_space<vmem>>[vector<16xi32>, vector<16xi32>], vector<16xf32>,
      %mul3A_122 = arith.constant 128 : i32
      %mul3A_123 = arith.muli %while3A_51, %mul3A_122 : i32
      %add3A_124 = arith.constant 96 : i32
      %add3A_125 = arith.addi %mul3A_123, %add3A_124 : i32
      %get3A_126 = arith.index_cast %add3A_125 : i32 to index
      %get3A_127 = tpu.vector_load %arg4[%get3A_126] {strides = array<i32>} : memref<10112xi32, #tpu.memory_space<vmem>>, vector<16xi32>,
      %shift_right_logical3A_128 = arith.constant 7 : i32
      %shift_right_logical3A_129 = vector.broadcast %shift_right_logical3A_128 : i32 to vector<16xi32>
      %shift_right_logical3A_130 = arith.shrui %get3A_127, %shift_right_logical3A_129 : vector<16xi32>
      %and3A_131 = arith.constant 127 : i32
      %and3A_132 = vector.broadcast %and3A_131 : i32 to vector<16xi32>
      %and3A_133 = arith.andi %get3A_127, %and3A_132 : vector<16xi32>
      tpu.vector_store_idx %arg5[%shift_right_logical3A_130, %and3A_133], %broadcast_in_dim3A_33 {add = true} : memref<80x128xf32, #tpu.memory_space<vmem>>[vector<16xi32>, vector<16xi32>], vector<16xf32>,
      %mul3A_134 = arith.constant 128 : i32
      %mul3A_135 = arith.muli %while3A_51, %mul3A_134 : i32
      %add3A_136 = arith.constant 112 : i32
      %add3A_137 = arith.addi %mul3A_135, %add3A_136 : i32
      %get3A_138 = arith.index_cast %add3A_137 : i32 to index
      %get3A_139 = tpu.vector_load %arg4[%get3A_138] {strides = array<i32>} : memref<10112xi32, #tpu.memory_space<vmem>>, vector<16xi32>,
      %shift_right_logical3A_140 = arith.constant 7 : i32
      %shift_right_logical3A_141 = vector.broadcast %shift_right_logical3A_140 : i32 to vector<16xi32>
      %shift_right_logical3A_142 = arith.shrui %get3A_139, %shift_right_logical3A_141 : vector<16xi32>
      %and3A_143 = arith.constant 127 : i32
      %and3A_144 = vector.broadcast %and3A_143 : i32 to vector<16xi32>
      %and3A_145 = arith.andi %get3A_139, %and3A_144 : vector<16xi32>
      tpu.vector_store_idx %arg5[%shift_right_logical3A_142, %and3A_145], %broadcast_in_dim3A_33 {add = true} : memref<80x128xf32, #tpu.memory_space<vmem>>[vector<16xi32>, vector<16xi32>], vector<16xf32>,
      %while3A_146 = arith.constant 0 : i32
      scf.yield %while3A_146 : i32
    }
    %while3A_43 = arith.constant 1 : i32
    %while3A_44 = scf.for %while3A_51 = %while3A_40 to %while3A_36 step %while3A_43 iter_args(%while3A_52 = %while3A_42) -> (i32)  : i32 {
      %mul3A_53 = arith.constant 128 : i32
      %mul3A_54 = arith.muli %while3A_51, %mul3A_53 : i32
      %add3A_55 = arith.constant 0 : i32
      %add3A_56 = arith.addi %mul3A_54, %add3A_55 : i32
      %get3A = arith.index_cast %add3A_56 : i32 to index
      %get3A_57 = tpu.vector_load %arg4[%get3A] {strides = array<i32>} : memref<10112xi32, #tpu.memory_space<vmem>>, vector<16xi32>,
      %shift_right_logical3A = arith.constant 7 : i32
      %shift_right_logical3A_58 = vector.broadcast %shift_right_logical3A : i32 to vector<16xi32>
      %shift_right_logical3A_59 = arith.shrui %get3A_57, %shift_right_logical3A_58 : vector<16xi32>
      %and3A = arith.constant 127 : i32
      %and3A_60 = vector.broadcast %and3A : i32 to vector<16xi32>
      %and3A_61 = arith.andi %get3A_57, %and3A_60 : vector<16xi32>
      tpu.vector_store_idx %arg5[%shift_right_logical3A_59, %and3A_61], %broadcast_in_dim3A_33 {add = true} : memref<80x128xf32, #tpu.memory_space<vmem>>[vector<16xi32>, vector<16xi32>], vector<16xf32>,
      %mul3A_62 = arith.constant 128 : i32
      %mul3A_63 = arith.muli %while3A_51, %mul3A_62 : i32
      %add3A_64 = arith.constant 16 : i32
      %add3A_65 = arith.addi %mul3A_63, %add3A_64 : i32
      %get3A_66 = arith.index_cast %add3A_65 : i32 to index
      %get3A_67 = tpu.vector_load %arg4[%get3A_66] {strides = array<i32>} : memref<10112xi32, #tpu.memory_space<vmem>>, vector<16xi32>,
      %shift_right_logical3A_68 = arith.constant 7 : i32
      %shift_right_logical3A_69 = vector.broadcast %shift_right_logical3A_68 : i32 to vector<16xi32>
      %shift_right_logical3A_70 = arith.shrui %get3A_67, %shift_right_logical3A_69 : vector<16xi32>
      %and3A_71 = arith.constant 127 : i32
      %and3A_72 = vector.broadcast %and3A_71 : i32 to vector<16xi32>
      %and3A_73 = arith.andi %get3A_67, %and3A_72 : vector<16xi32>
      tpu.vector_store_idx %arg5[%shift_right_logical3A_70, %and3A_73], %broadcast_in_dim3A_33 {add = true} : memref<80x128xf32, #tpu.memory_space<vmem>>[vector<16xi32>, vector<16xi32>], vector<16xf32>,
      %mul3A_74 = arith.constant 128 : i32
      %mul3A_75 = arith.muli %while3A_51, %mul3A_74 : i32
      %add3A_76 = arith.constant 32 : i32
      %add3A_77 = arith.addi %mul3A_75, %add3A_76 : i32
      %get3A_78 = arith.index_cast %add3A_77 : i32 to index
      %get3A_79 = tpu.vector_load %arg4[%get3A_78] {strides = array<i32>} : memref<10112xi32, #tpu.memory_space<vmem>>, vector<16xi32>,
      %shift_right_logical3A_80 = arith.constant 7 : i32
      %shift_right_logical3A_81 = vector.broadcast %shift_right_logical3A_80 : i32 to vector<16xi32>
      %shift_right_logical3A_82 = arith.shrui %get3A_79, %shift_right_logical3A_81 : vector<16xi32>
      %and3A_83 = arith.constant 127 : i32
      %and3A_84 = vector.broadcast %and3A_83 : i32 to vector<16xi32>
      %and3A_85 = arith.andi %get3A_79, %and3A_84 : vector<16xi32>
      tpu.vector_store_idx %arg5[%shift_right_logical3A_82, %and3A_85], %broadcast_in_dim3A_33 {add = true} : memref<80x128xf32, #tpu.memory_space<vmem>>[vector<16xi32>, vector<16xi32>], vector<16xf32>,
      %mul3A_86 = arith.constant 128 : i32
      %mul3A_87 = arith.muli %while3A_51, %mul3A_86 : i32
      %add3A_88 = arith.constant 48 : i32
      %add3A_89 = arith.addi %mul3A_87, %add3A_88 : i32
      %get3A_90 = arith.index_cast %add3A_89 : i32 to index
      %get3A_91 = tpu.vector_load %arg4[%get3A_90] {strides = array<i32>} : memref<10112xi32, #tpu.memory_space<vmem>>, vector<16xi32>,
      %shift_right_logical3A_92 = arith.constant 7 : i32
      %shift_right_logical3A_93 = vector.broadcast %shift_right_logical3A_92 : i32 to vector<16xi32>
      %shift_right_logical3A_94 = arith.shrui %get3A_91, %shift_right_logical3A_93 : vector<16xi32>
      %and3A_95 = arith.constant 127 : i32
      %and3A_96 = vector.broadcast %and3A_95 : i32 to vector<16xi32>
      %and3A_97 = arith.andi %get3A_91, %and3A_96 : vector<16xi32>
      tpu.vector_store_idx %arg5[%shift_right_logical3A_94, %and3A_97], %broadcast_in_dim3A_33 {add = true} : memref<80x128xf32, #tpu.memory_space<vmem>>[vector<16xi32>, vector<16xi32>], vector<16xf32>,
      %mul3A_98 = arith.constant 128 : i32
      %mul3A_99 = arith.muli %while3A_51, %mul3A_98 : i32
      %add3A_100 = arith.constant 64 : i32
      %add3A_101 = arith.addi %mul3A_99, %add3A_100 : i32
      %get3A_102 = arith.index_cast %add3A_101 : i32 to index
      %get3A_103 = tpu.vector_load %arg4[%get3A_102] {strides = array<i32>} : memref<10112xi32, #tpu.memory_space<vmem>>, vector<16xi32>,
      %shift_right_logical3A_104 = arith.constant 7 : i32
      %shift_right_logical3A_105 = vector.broadcast %shift_right_logical3A_104 : i32 to vector<16xi32>
      %shift_right_logical3A_106 = arith.shrui %get3A_103, %shift_right_logical3A_105 : vector<16xi32>
      %and3A_107 = arith.constant 127 : i32
      %and3A_108 = vector.broadcast %and3A_107 : i32 to vector<16xi32>
      %and3A_109 = arith.andi %get3A_103, %and3A_108 : vector<16xi32>
      tpu.vector_store_idx %arg5[%shift_right_logical3A_106, %and3A_109], %broadcast_in_dim3A_33 {add = true} : memref<80x128xf32, #tpu.memory_space<vmem>>[vector<16xi32>, vector<16xi32>], vector<16xf32>,
      %mul3A_110 = arith.constant 128 : i32
      %mul3A_111 = arith.muli %while3A_51, %mul3A_110 : i32
      %add3A_112 = arith.constant 80 : i32
      %add3A_113 = arith.addi %mul3A_111, %add3A_112 : i32
      %get3A_114 = arith.index_cast %add3A_113 : i32 to index
      %get3A_115 = tpu.vector_load %arg4[%get3A_114] {strides = array<i32>} : memref<10112xi32, #tpu.memory_space<vmem>>, vector<16xi32>,
      %shift_right_logical3A_116 = arith.constant 7 : i32
      %shift_right_logical3A_117 = vector.broadcast %shift_right_logical3A_116 : i32 to vector<16xi32>
      %shift_right_logical3A_118 = arith.shrui %get3A_115, %shift_right_logical3A_117 : vector<16xi32>
      %and3A_119 = arith.constant 127 : i32
      %and3A_120 = vector.broadcast %and3A_119 : i32 to vector<16xi32>
      %and3A_121 = arith.andi %get3A_115, %and3A_120 : vector<16xi32>
      tpu.vector_store_idx %arg5[%shift_right_logical3A_118, %and3A_121], %broadcast_in_dim3A_33 {add = true} : memref<80x128xf32, #tpu.memory_space<vmem>>[vector<16xi32>, vector<16xi32>], vector<16xf32>,
      %mul3A_122 = arith.constant 128 : i32
      %mul3A_123 = arith.muli %while3A_51, %mul3A_122 : i32
      %add3A_124 = arith.constant 96 : i32
      %add3A_125 = arith.addi %mul3A_123, %add3A_124 : i32
      %get3A_126 = arith.index_cast %add3A_125 : i32 to index
      %get3A_127 = tpu.vector_load %arg4[%get3A_126] {strides = array<i32>} : memref<10112xi32, #tpu.memory_space<vmem>>, vector<16xi32>,
      %shift_right_logical3A_128 = arith.constant 7 : i32
      %shift_right_logical3A_129 = vector.broadcast %shift_right_logical3A_128 : i32 to vector<16xi32>
      %shift_right_logical3A_130 = arith.shrui %get3A_127, %shift_right_logical3A_129 : vector<16xi32>
      %and3A_131 = arith.constant 127 : i32
      %and3A_132 = vector.broadcast %and3A_131 : i32 to vector<16xi32>
      %and3A_133 = arith.andi %get3A_127, %and3A_132 : vector<16xi32>
      tpu.vector_store_idx %arg5[%shift_right_logical3A_130, %and3A_133], %broadcast_in_dim3A_33 {add = true} : memref<80x128xf32, #tpu.memory_space<vmem>>[vector<16xi32>, vector<16xi32>], vector<16xf32>,
      %mul3A_134 = arith.constant 128 : i32
      %mul3A_135 = arith.muli %while3A_51, %mul3A_134 : i32
      %add3A_136 = arith.constant 112 : i32
      %add3A_137 = arith.addi %mul3A_135, %add3A_136 : i32
      %get3A_138 = arith.index_cast %add3A_137 : i32 to index
      %get3A_139 = tpu.vector_load %arg4[%get3A_138] {strides = array<i32>} : memref<10112xi32, #tpu.memory_space<vmem>>, vector<16xi32>,
      %shift_right_logical3A_140 = arith.constant 7 : i32
      %shift_right_logical3A_141 = vector.broadcast %shift_right_logical3A_140 : i32 to vector<16xi32>
      %shift_right_logical3A_142 = arith.shrui %get3A_139, %shift_right_logical3A_141 : vector<16xi32>
      %and3A_143 = arith.constant 127 : i32
      %and3A_144 = vector.broadcast %and3A_143 : i32 to vector<16xi32>
      %and3A_145 = arith.andi %get3A_139, %and3A_144 : vector<16xi32>
      tpu.vector_store_idx %arg5[%shift_right_logical3A_142, %and3A_145], %broadcast_in_dim3A_33 {add = true} : memref<80x128xf32, #tpu.memory_space<vmem>>[vector<16xi32>, vector<16xi32>], vector<16xf32>,
      %while3A_146 = arith.constant 0 : i32
      scf.yield %while3A_146 : i32
    }
    "tpu.region"() ({
      %run_scoped3A = tpu.sem_alloc : memref<!tpu.dma_semaphore, #tpu.memory_space<semaphore_mem>>
      %dma_start3A = arith.constant 0 : i32
      %dma_start3A_51 = arith.constant 0 : i32
      %dma_start3A_52 = tpu.memref_slice %arg7[%dma_start3A, %dma_start3A_51] : memref<80x128xf32, #tpu.memory_space<vmem_shared>> -> memref<80x128xf32, #tpu.memory_space<vmem_shared>>
      tpu.enqueue_indirect_dma source(%arg5 : memref<80x128xf32, #tpu.memory_space<vmem>>) target(%dma_start3A_52 : memref<80x128xf32, #tpu.memory_space<vmem_shared>>) offsets(%arg6 : memref<80xi32, #tpu.memory_space<vmem>>) semaphore(%run_scoped3A : memref<!tpu.dma_semaphore, #tpu.memory_space<semaphore_mem>>) {add = true}
      %dma_wait3A = arith.constant 0 : i32
      %dma_wait3A_53 = arith.constant 0 : i32
      %dma_wait3A_54 = tpu.memref_slice %arg7[%dma_wait3A, %dma_wait3A_53] : memref<80x128xf32, #tpu.memory_space<vmem_shared>> -> memref<80x128xf32, #tpu.memory_space<vmem_shared>>
      tpu.wait_indirect_dma semaphore(%run_scoped3A : memref<!tpu.dma_semaphore, #tpu.memory_space<semaphore_mem>>) src(%arg5 : memref<80x128xf32, #tpu.memory_space<vmem>>) dst(%dma_wait3A_54 : memref<80x128xf32, #tpu.memory_space<vmem_shared>>)
      tpu.yield
    }) : () -> ()
    %barrier3A_45 = arith.constant 0 : index
    tpu.barrier barrier_id(%barrier3A_45)
    %lt3A_46 = arith.constant 10 : i32
    %lt3A_47 = arith.cmpi slt, %arg1, %lt3A_46 : i32
    %convert_element_type3A_48 = arith.extui %lt3A_47 : i1 to i32
    %cond3A_49 = arith.constant 0 : i32
    %cond3A_50 = arith.cmpi ne, %convert_element_type3A_48, %cond3A_49 : i32
    scf.if %cond3A_50 {
      %mul3A_51 = arith.constant 8 : i32
      %mul3A_52 = arith.muli %arg1, %mul3A_51 : i32
      %mul3A_53 = arith.constant 8 : i32
      %mul3A_54 = arith.muli %arg1, %mul3A_53 : i32
      "tpu.region"() ({
        %run_scoped3A = tpu.sem_alloc : memref<!tpu.dma_semaphore, #tpu.memory_space<semaphore_mem>>
        %dma_start3A = arith.constant 0 : i32
        %dma_start3A_55 = tpu.memref_slice %arg3[%arg0, %mul3A_54, %dma_start3A] : memref<2x80x128xf32, #tpu.memory_space<hbm>> -> memref<1x8x128xf32, #tpu.memory_space<hbm>>
        %dma_start3A_56 = tpu.memref_squeeze %dma_start3A_55 : memref<1x8x128xf32, #tpu.memory_space<hbm>> -> memref<8x128xf32, #tpu.memory_space<hbm>>
        %dma_start3A_57 = arith.constant 0 : i32
        %dma_start3A_58 = tpu.memref_slice %arg7[%mul3A_52, %dma_start3A_57] : memref<80x128xf32, #tpu.memory_space<vmem_shared>> -> memref<8x128xf32, #tpu.memory_space<vmem_shared>>
        tpu.enqueue_dma source(%dma_start3A_58 : memref<8x128xf32, #tpu.memory_space<vmem_shared>>) target(%dma_start3A_56 : memref<8x128xf32, #tpu.memory_space<hbm>>) target_semaphore(%run_scoped3A : memref<!tpu.dma_semaphore, #tpu.memory_space<semaphore_mem>>)
        %dma_wait3A = arith.constant 0 : i32
        %dma_wait3A_59 = tpu.memref_slice %arg3[%arg0, %mul3A_54, %dma_wait3A] : memref<2x80x128xf32, #tpu.memory_space<hbm>> -> memref<1x8x128xf32, #tpu.memory_space<hbm>>
        %dma_wait3A_60 = tpu.memref_squeeze %dma_wait3A_59 : memref<1x8x128xf32, #tpu.memory_space<hbm>> -> memref<8x128xf32, #tpu.memory_space<hbm>>
        %dma_wait3A_61 = arith.constant 0 : i32
        %dma_wait3A_62 = tpu.memref_slice %arg7[%mul3A_52, %dma_wait3A_61] : memref<80x128xf32, #tpu.memory_space<vmem_shared>> -> memref<8x128xf32, #tpu.memory_space<vmem_shared>>
        tpu.wait_dma2 semaphore(%run_scoped3A : memref<!tpu.dma_semaphore, #tpu.memory_space<semaphore_mem>>) src(%dma_wait3A_62 : memref<8x128xf32, #tpu.memory_space<vmem_shared>>) dst(%dma_wait3A_60 : memref<8x128xf32, #tpu.memory_space<hbm>>)
        tpu.yield
      }) : () -> ()
    } else {
    }
    return
  }
}

#map = affine_map<(d0, d1) -> (0, 0)>
#map1 = affine_map<(d0, d1) -> (0)>
#map2 = affine_map<(d0, d1) -> (0, 0, 0)>
module attributes {stable_mosaic.version = 14 : i64} {
  func.func @sc_segment_sum(%arg0: i32, %arg1: i32, %arg2: memref<10000x128xf32, #tpu.memory_space<hbm>>, %arg3: memref<320000xi32, #tpu.memory_space<hbm>>, %arg4: memref<320000xi32, #tpu.memory_space<hbm>>, %arg5: memref<2x10000x128xf32, #tpu.memory_space<hbm>>, %arg6: memref<3x128xi32, #tpu.memory_space<vmem>>, %arg7: memref<3x128xi32, #tpu.memory_space<vmem>>, %arg8: memref<3x128x128xf32, #tpu.memory_space<vmem>>, %arg9: memref<10000x128xf32, #tpu.memory_space<vmem_shared>>, %arg10: memref<3x!tpu.dma_semaphore, #tpu.memory_space<semaphore_mem>>, %arg11: memref<3x!tpu.dma_semaphore, #tpu.memory_space<semaphore_mem>>, %arg12: memref<3x!tpu.dma_semaphore, #tpu.memory_space<semaphore_mem>>, %arg13: memref<3x!tpu.dma_semaphore, #tpu.memory_space<semaphore_mem>>) attributes {dimension_semantics = [#tpu.dimension_semantics<core_parallel>, #tpu.dimension_semantics<subcore_parallel>], iteration_bounds = array<i64: 2, 16>, scalar_prefetch = 0 : i64, scratch_operands = 8 : i64, tpu.core_type = #tpu.core_type<sc_vector_subcore>, window_params = [{transform_indices = #map}, {transform_indices = #map1}, {transform_indices = #map1}, {transform_indices = #map2}]} {
    %mul3A = arith.constant 2 : i32
    %mul3A_0 = arith.muli %arg1, %mul3A : i32
    %add3A = arith.addi %mul3A_0, %arg0 : i32
    %broadcast_in_dim3A = arith.constant 0.000000e+00 : f32
    %broadcast_in_dim3A_1 = vector.broadcast %broadcast_in_dim3A : f32 to vector<16xf32>
    %scan3A = arith.constant 0 : i32
    %scan3A_2 = arith.constant 0 : i32
    %scan3A_3 = arith.constant 128 : i32
    %scan3A_4 = arith.addi %scan3A_2, %scan3A_3 : i32
    %scan3A_5 = arith.constant 1 : i32
    %scan3A_6 = scf.for %scan3A_177 = %scan3A_2 to %scan3A_4 step %scan3A_5 iter_args(%scan3A_178 = %scan3A) -> (i32)  : i32 {
      %swap3A = arith.constant 0 : i32
      %swap3A_179 = arith.index_cast %swap3A : i32 to index
      %swap3A_180 = arith.index_cast %scan3A_177 : i32 to index
      %swap3A_181 = arith.constant 0 : index
      %swap3A_182 = tpu.vector_load %arg8[%swap3A_179, %swap3A_180, %swap3A_181] {strides = array<i32>} : memref<3x128x128xf32, #tpu.memory_space<vmem>>, vector<16xf32>,
      tpu.vector_store %arg8[%swap3A_179, %swap3A_180, %swap3A_181], %broadcast_in_dim3A_1 {strides = array<i32>} : memref<3x128x128xf32, #tpu.memory_space<vmem>>, vector<16xf32>,
      %swap3A_183 = arith.constant 0 : i32
      %swap3A_184 = arith.index_cast %swap3A_183 : i32 to index
      %swap3A_185 = arith.index_cast %scan3A_177 : i32 to index
      %swap3A_186 = arith.constant 16 : index
      %swap3A_187 = tpu.vector_load %arg8[%swap3A_184, %swap3A_185, %swap3A_186] {strides = array<i32>} : memref<3x128x128xf32, #tpu.memory_space<vmem>>, vector<16xf32>,
      tpu.vector_store %arg8[%swap3A_184, %swap3A_185, %swap3A_186], %broadcast_in_dim3A_1 {strides = array<i32>} : memref<3x128x128xf32, #tpu.memory_space<vmem>>, vector<16xf32>,
      %swap3A_188 = arith.constant 0 : i32
      %swap3A_189 = arith.index_cast %swap3A_188 : i32 to index
      %swap3A_190 = arith.index_cast %scan3A_177 : i32 to index
      %swap3A_191 = arith.constant 32 : index
      %swap3A_192 = tpu.vector_load %arg8[%swap3A_189, %swap3A_190, %swap3A_191] {strides = array<i32>} : memref<3x128x128xf32, #tpu.memory_space<vmem>>, vector<16xf32>,
      tpu.vector_store %arg8[%swap3A_189, %swap3A_190, %swap3A_191], %broadcast_in_dim3A_1 {strides = array<i32>} : memref<3x128x128xf32, #tpu.memory_space<vmem>>, vector<16xf32>,
      %swap3A_193 = arith.constant 0 : i32
      %swap3A_194 = arith.index_cast %swap3A_193 : i32 to index
      %swap3A_195 = arith.index_cast %scan3A_177 : i32 to index
      %swap3A_196 = arith.constant 48 : index
      %swap3A_197 = tpu.vector_load %arg8[%swap3A_194, %swap3A_195, %swap3A_196] {strides = array<i32>} : memref<3x128x128xf32, #tpu.memory_space<vmem>>, vector<16xf32>,
      tpu.vector_store %arg8[%swap3A_194, %swap3A_195, %swap3A_196], %broadcast_in_dim3A_1 {strides = array<i32>} : memref<3x128x128xf32, #tpu.memory_space<vmem>>, vector<16xf32>,
      %swap3A_198 = arith.constant 0 : i32
      %swap3A_199 = arith.index_cast %swap3A_198 : i32 to index
      %swap3A_200 = arith.index_cast %scan3A_177 : i32 to index
      %swap3A_201 = arith.constant 64 : index
      %swap3A_202 = tpu.vector_load %arg8[%swap3A_199, %swap3A_200, %swap3A_201] {strides = array<i32>} : memref<3x128x128xf32, #tpu.memory_space<vmem>>, vector<16xf32>,
      tpu.vector_store %arg8[%swap3A_199, %swap3A_200, %swap3A_201], %broadcast_in_dim3A_1 {strides = array<i32>} : memref<3x128x128xf32, #tpu.memory_space<vmem>>, vector<16xf32>,
      %swap3A_203 = arith.constant 0 : i32
      %swap3A_204 = arith.index_cast %swap3A_203 : i32 to index
      %swap3A_205 = arith.index_cast %scan3A_177 : i32 to index
      %swap3A_206 = arith.constant 80 : index
      %swap3A_207 = tpu.vector_load %arg8[%swap3A_204, %swap3A_205, %swap3A_206] {strides = array<i32>} : memref<3x128x128xf32, #tpu.memory_space<vmem>>, vector<16xf32>,
      tpu.vector_store %arg8[%swap3A_204, %swap3A_205, %swap3A_206], %broadcast_in_dim3A_1 {strides = array<i32>} : memref<3x128x128xf32, #tpu.memory_space<vmem>>, vector<16xf32>,
      %swap3A_208 = arith.constant 0 : i32
      %swap3A_209 = arith.index_cast %swap3A_208 : i32 to index
      %swap3A_210 = arith.index_cast %scan3A_177 : i32 to index
      %swap3A_211 = arith.constant 96 : index
      %swap3A_212 = tpu.vector_load %arg8[%swap3A_209, %swap3A_210, %swap3A_211] {strides = array<i32>} : memref<3x128x128xf32, #tpu.memory_space<vmem>>, vector<16xf32>,
      tpu.vector_store %arg8[%swap3A_209, %swap3A_210, %swap3A_211], %broadcast_in_dim3A_1 {strides = array<i32>} : memref<3x128x128xf32, #tpu.memory_space<vmem>>, vector<16xf32>,
      %swap3A_213 = arith.constant 0 : i32
      %swap3A_214 = arith.index_cast %swap3A_213 : i32 to index
      %swap3A_215 = arith.index_cast %scan3A_177 : i32 to index
      %swap3A_216 = arith.constant 112 : index
      %swap3A_217 = tpu.vector_load %arg8[%swap3A_214, %swap3A_215, %swap3A_216] {strides = array<i32>} : memref<3x128x128xf32, #tpu.memory_space<vmem>>, vector<16xf32>,
      tpu.vector_store %arg8[%swap3A_214, %swap3A_215, %swap3A_216], %broadcast_in_dim3A_1 {strides = array<i32>} : memref<3x128x128xf32, #tpu.memory_space<vmem>>, vector<16xf32>,
      %scan3A_218 = arith.constant 0 : i32
      scf.yield %scan3A_218 : i32
    }
    %scan3A_7 = arith.constant 128 : i32
    %mul3A_8 = arith.constant 78 : i32
    %mul3A_9 = arith.muli %arg1, %mul3A_8 : i32
    %min3A = arith.constant 2 : i32
    %min3A_10 = arith.minsi %arg1, %min3A : i32
    %add3A_11 = arith.addi %mul3A_9, %min3A_10 : i32
    %lt3A = arith.constant 2 : i32
    %lt3A_12 = arith.cmpi slt, %arg1, %lt3A : i32
    %jit3A = arith.constant 1 : i32
    %jit3A_13 = arith.constant 0 : i32
    %select_n3A = arith.select %lt3A_12, %jit3A, %jit3A_13 : i32
    %add3A_14 = arith.constant 78 : i32
    %add3A_15 = arith.addi %add3A_14, %select_n3A : i32
    %while3A = arith.constant 0 : i32
    %while3A_16 = arith.constant 0 : i32
    %while3A_17 = arith.subi %add3A_15, %while3A : i32
    %while3A_18 = arith.addi %while3A, %while3A_17 : i32
    %while3A_19 = arith.constant 1 : i32
    %while3A_20 = arith.divsi %while3A_17, %while3A_19 : i32
    %while3A_21 = arith.muli %while3A_20, %while3A_19 : i32
    %while3A_22 = arith.addi %while3A, %while3A_21 : i32
    %while3A_23 = arith.constant 1 : i32
    %while3A_24 = scf.for %while3A_177 = %while3A to %while3A_22 step %while3A_23 iter_args(%while3A_178 = %while3A_16) -> (i32)  : i32 {
      %add3A_179 = arith.addi %add3A_11, %while3A_177 : i32
      %mul3A_180 = arith.constant 8 : i32
      %mul3A_181 = arith.muli %add3A_179, %mul3A_180 : i32
      %run_scoped3A = arith.constant 0 : i32
      "tpu.region"() ({
        %run_scoped3A_183 = tpu.sem_alloc : memref<!tpu.dma_semaphore, #tpu.memory_space<semaphore_mem>>
        %dma_start3A_184 = arith.constant 0 : i32
        %dma_start3A_185 = arith.constant 0 : i32
        %dma_start3A_186 = tpu.memref_slice %arg8[%run_scoped3A, %dma_start3A_184, %dma_start3A_185] : memref<3x128x128xf32, #tpu.memory_space<vmem>> -> memref<1x8x128xf32, #tpu.memory_space<vmem>>
        %dma_start3A_187 = tpu.memref_squeeze %dma_start3A_186 : memref<1x8x128xf32, #tpu.memory_space<vmem>> -> memref<8x128xf32, #tpu.memory_space<vmem>>
        %dma_start3A_188 = arith.constant 0 : i32
        %dma_start3A_189 = tpu.memref_slice %arg9[%mul3A_181, %dma_start3A_188] : memref<10000x128xf32, #tpu.memory_space<vmem_shared>> -> memref<8x128xf32, #tpu.memory_space<vmem_shared>>
        %dma_start3A_190 = arith.constant 0 : i32
        %dma_start3A_191 = tpu.memref_slice %arg9[%mul3A_181, %dma_start3A_190] : memref<10000x128xf32, #tpu.memory_space<vmem_shared>> -> memref<8x128xf32, #tpu.memory_space<vmem_shared>>
        %dma_start3A_192 = arith.constant 0 : i32
        %dma_start3A_193 = arith.constant 0 : i32
        %dma_start3A_194 = tpu.memref_slice %arg8[%run_scoped3A, %dma_start3A_192, %dma_start3A_193] : memref<3x128x128xf32, #tpu.memory_space<vmem>> -> memref<1x8x128xf32, #tpu.memory_space<vmem>>
        %dma_start3A_195 = tpu.memref_squeeze %dma_start3A_194 : memref<1x8x128xf32, #tpu.memory_space<vmem>> -> memref<8x128xf32, #tpu.memory_space<vmem>>
        tpu.enqueue_dma source(%dma_start3A_195 : memref<8x128xf32, #tpu.memory_space<vmem>>) target(%dma_start3A_191 : memref<8x128xf32, #tpu.memory_space<vmem_shared>>) target_semaphore(%run_scoped3A_183 : memref<!tpu.dma_semaphore, #tpu.memory_space<semaphore_mem>>)
        %dma_wait3A_196 = arith.constant 0 : i32
        %dma_wait3A_197 = arith.constant 0 : i32
        %dma_wait3A_198 = tpu.memref_slice %arg8[%run_scoped3A, %dma_wait3A_196, %dma_wait3A_197] : memref<3x128x128xf32, #tpu.memory_space<vmem>> -> memref<1x8x128xf32, #tpu.memory_space<vmem>>
        %dma_wait3A_199 = tpu.memref_squeeze %dma_wait3A_198 : memref<1x8x128xf32, #tpu.memory_space<vmem>> -> memref<8x128xf32, #tpu.memory_space<vmem>>
        %dma_wait3A_200 = arith.constant 0 : i32
        %dma_wait3A_201 = tpu.memref_slice %arg9[%mul3A_181, %dma_wait3A_200] : memref<10000x128xf32, #tpu.memory_space<vmem_shared>> -> memref<8x128xf32, #tpu.memory_space<vmem_shared>>
        %dma_wait3A_202 = arith.constant 0 : i32
        %dma_wait3A_203 = tpu.memref_slice %arg9[%mul3A_181, %dma_wait3A_202] : memref<10000x128xf32, #tpu.memory_space<vmem_shared>> -> memref<8x128xf32, #tpu.memory_space<vmem_shared>>
        %dma_wait3A_204 = arith.constant 0 : i32
        %dma_wait3A_205 = arith.constant 0 : i32
        %dma_wait3A_206 = tpu.memref_slice %arg8[%run_scoped3A, %dma_wait3A_204, %dma_wait3A_205] : memref<3x128x128xf32, #tpu.memory_space<vmem>> -> memref<1x8x128xf32, #tpu.memory_space<vmem>>
        %dma_wait3A_207 = tpu.memref_squeeze %dma_wait3A_206 : memref<1x8x128xf32, #tpu.memory_space<vmem>> -> memref<8x128xf32, #tpu.memory_space<vmem>>
        tpu.wait_dma2 semaphore(%run_scoped3A_183 : memref<!tpu.dma_semaphore, #tpu.memory_space<semaphore_mem>>) src(%dma_wait3A_207 : memref<8x128xf32, #tpu.memory_space<vmem>>) dst(%dma_wait3A_203 : memref<8x128xf32, #tpu.memory_space<vmem_shared>>)
        tpu.yield
      }) : () -> ()
      %while3A_182 = arith.constant 0 : i32
      scf.yield %while3A_182 : i32
    }
    %while3A_25 = arith.constant 1 : i32
    %while3A_26 = scf.for %while3A_177 = %while3A_22 to %while3A_18 step %while3A_25 iter_args(%while3A_178 = %while3A_24) -> (i32)  : i32 {
      %add3A_179 = arith.addi %add3A_11, %while3A_177 : i32
      %mul3A_180 = arith.constant 8 : i32
      %mul3A_181 = arith.muli %add3A_179, %mul3A_180 : i32
      %run_scoped3A = arith.constant 0 : i32
      "tpu.region"() ({
        %run_scoped3A_183 = tpu.sem_alloc : memref<!tpu.dma_semaphore, #tpu.memory_space<semaphore_mem>>
        %dma_start3A_184 = arith.constant 0 : i32
        %dma_start3A_185 = arith.constant 0 : i32
        %dma_start3A_186 = tpu.memref_slice %arg8[%run_scoped3A, %dma_start3A_184, %dma_start3A_185] : memref<3x128x128xf32, #tpu.memory_space<vmem>> -> memref<1x8x128xf32, #tpu.memory_space<vmem>>
        %dma_start3A_187 = tpu.memref_squeeze %dma_start3A_186 : memref<1x8x128xf32, #tpu.memory_space<vmem>> -> memref<8x128xf32, #tpu.memory_space<vmem>>
        %dma_start3A_188 = arith.constant 0 : i32
        %dma_start3A_189 = tpu.memref_slice %arg9[%mul3A_181, %dma_start3A_188] : memref<10000x128xf32, #tpu.memory_space<vmem_shared>> -> memref<8x128xf32, #tpu.memory_space<vmem_shared>>
        %dma_start3A_190 = arith.constant 0 : i32
        %dma_start3A_191 = tpu.memref_slice %arg9[%mul3A_181, %dma_start3A_190] : memref<10000x128xf32, #tpu.memory_space<vmem_shared>> -> memref<8x128xf32, #tpu.memory_space<vmem_shared>>
        %dma_start3A_192 = arith.constant 0 : i32
        %dma_start3A_193 = arith.constant 0 : i32
        %dma_start3A_194 = tpu.memref_slice %arg8[%run_scoped3A, %dma_start3A_192, %dma_start3A_193] : memref<3x128x128xf32, #tpu.memory_space<vmem>> -> memref<1x8x128xf32, #tpu.memory_space<vmem>>
        %dma_start3A_195 = tpu.memref_squeeze %dma_start3A_194 : memref<1x8x128xf32, #tpu.memory_space<vmem>> -> memref<8x128xf32, #tpu.memory_space<vmem>>
        tpu.enqueue_dma source(%dma_start3A_195 : memref<8x128xf32, #tpu.memory_space<vmem>>) target(%dma_start3A_191 : memref<8x128xf32, #tpu.memory_space<vmem_shared>>) target_semaphore(%run_scoped3A_183 : memref<!tpu.dma_semaphore, #tpu.memory_space<semaphore_mem>>)
        %dma_wait3A_196 = arith.constant 0 : i32
        %dma_wait3A_197 = arith.constant 0 : i32
        %dma_wait3A_198 = tpu.memref_slice %arg8[%run_scoped3A, %dma_wait3A_196, %dma_wait3A_197] : memref<3x128x128xf32, #tpu.memory_space<vmem>> -> memref<1x8x128xf32, #tpu.memory_space<vmem>>
        %dma_wait3A_199 = tpu.memref_squeeze %dma_wait3A_198 : memref<1x8x128xf32, #tpu.memory_space<vmem>> -> memref<8x128xf32, #tpu.memory_space<vmem>>
        %dma_wait3A_200 = arith.constant 0 : i32
        %dma_wait3A_201 = tpu.memref_slice %arg9[%mul3A_181, %dma_wait3A_200] : memref<10000x128xf32, #tpu.memory_space<vmem_shared>> -> memref<8x128xf32, #tpu.memory_space<vmem_shared>>
        %dma_wait3A_202 = arith.constant 0 : i32
        %dma_wait3A_203 = tpu.memref_slice %arg9[%mul3A_181, %dma_wait3A_202] : memref<10000x128xf32, #tpu.memory_space<vmem_shared>> -> memref<8x128xf32, #tpu.memory_space<vmem_shared>>
        %dma_wait3A_204 = arith.constant 0 : i32
        %dma_wait3A_205 = arith.constant 0 : i32
        %dma_wait3A_206 = tpu.memref_slice %arg8[%run_scoped3A, %dma_wait3A_204, %dma_wait3A_205] : memref<3x128x128xf32, #tpu.memory_space<vmem>> -> memref<1x8x128xf32, #tpu.memory_space<vmem>>
        %dma_wait3A_207 = tpu.memref_squeeze %dma_wait3A_206 : memref<1x8x128xf32, #tpu.memory_space<vmem>> -> memref<8x128xf32, #tpu.memory_space<vmem>>
        tpu.wait_dma2 semaphore(%run_scoped3A_183 : memref<!tpu.dma_semaphore, #tpu.memory_space<semaphore_mem>>) src(%dma_wait3A_207 : memref<8x128xf32, #tpu.memory_space<vmem>>) dst(%dma_wait3A_203 : memref<8x128xf32, #tpu.memory_space<vmem_shared>>)
        tpu.yield
      }) : () -> ()
      %while3A_182 = arith.constant 0 : i32
      scf.yield %while3A_182 : i32
    }
    %barrier3A = arith.constant 0 : index
    tpu.barrier barrier_id(%barrier3A)
    %mul3A_27 = arith.constant 78 : i32
    %mul3A_28 = arith.muli %add3A, %mul3A_27 : i32
    %min3A_29 = arith.constant 4 : i32
    %min3A_30 = arith.minsi %add3A, %min3A_29 : i32
    %add3A_31 = arith.addi %mul3A_28, %min3A_30 : i32
    %lt3A_32 = arith.constant 4 : i32
    %lt3A_33 = arith.cmpi slt, %add3A, %lt3A_32 : i32
    %jit3A_34 = arith.constant 1 : i32
    %jit3A_35 = arith.constant 0 : i32
    %select_n3A_36 = arith.select %lt3A_33, %jit3A_34, %jit3A_35 : i32
    %add3A_37 = arith.constant 78 : i32
    %add3A_38 = arith.addi %add3A_37, %select_n3A_36 : i32
    %mul3A_39 = arith.constant 128 : i32
    %mul3A_40 = arith.muli %add3A_31, %mul3A_39 : i32
    %rem3A = arith.constant 0 : i32
    %rem3A_41 = arith.constant 3 : i32
    %rem3A_42 = arith.remsi %rem3A, %rem3A_41 : i32
    %mul3A_43 = arith.constant 0 : i32
    %mul3A_44 = arith.constant 128 : i32
    %mul3A_45 = arith.muli %mul3A_43, %mul3A_44 : i32
    %add3A_46 = arith.addi %mul3A_40, %mul3A_45 : i32
    %dma_start3A = arith.constant 0 : i32
    %dma_start3A_47 = tpu.memref_slice %arg6[%rem3A_42, %dma_start3A] : memref<3x128xi32, #tpu.memory_space<vmem>> -> memref<1x128xi32, #tpu.memory_space<vmem>>
    %dma_start3A_48 = tpu.memref_squeeze %dma_start3A_47 : memref<1x128xi32, #tpu.memory_space<vmem>> -> memref<128xi32, #tpu.memory_space<vmem>>
    %dma_start3A_49 = tpu.memref_slice %arg3[%add3A_46] : memref<320000xi32, #tpu.memory_space<hbm>> -> memref<128xi32, #tpu.memory_space<hbm>>
    %dma_start3A_50 = tpu.memref_slice %arg10[%rem3A_42] : memref<3x!tpu.dma_semaphore, #tpu.memory_space<semaphore_mem>> -> memref<1x!tpu.dma_semaphore, #tpu.memory_space<semaphore_mem>>
    %dma_start3A_51 = tpu.memref_squeeze %dma_start3A_50 : memref<1x!tpu.dma_semaphore, #tpu.memory_space<semaphore_mem>> -> memref<!tpu.dma_semaphore, #tpu.memory_space<semaphore_mem>>
    %dma_start3A_52 = arith.constant 0 : i32
    %dma_start3A_53 = tpu.memref_slice %arg6[%rem3A_42, %dma_start3A_52] : memref<3x128xi32, #tpu.memory_space<vmem>> -> memref<1x128xi32, #tpu.memory_space<vmem>>
    %dma_start3A_54 = tpu.memref_squeeze %dma_start3A_53 : memref<1x128xi32, #tpu.memory_space<vmem>> -> memref<128xi32, #tpu.memory_space<vmem>>
    %dma_start3A_55 = tpu.memref_slice %arg3[%add3A_46] : memref<320000xi32, #tpu.memory_space<hbm>> -> memref<128xi32, #tpu.memory_space<hbm>>
    tpu.enqueue_dma source(%dma_start3A_55 : memref<128xi32, #tpu.memory_space<hbm>>) target(%dma_start3A_54 : memref<128xi32, #tpu.memory_space<vmem>>) target_semaphore(%dma_start3A_51 : memref<!tpu.dma_semaphore, #tpu.memory_space<semaphore_mem>>)
    %rem3A_56 = arith.constant 1 : i32
    %rem3A_57 = arith.constant 3 : i32
    %rem3A_58 = arith.remsi %rem3A_56, %rem3A_57 : i32
    %mul3A_59 = arith.constant 1 : i32
    %mul3A_60 = arith.constant 128 : i32
    %mul3A_61 = arith.muli %mul3A_59, %mul3A_60 : i32
    %add3A_62 = arith.addi %mul3A_40, %mul3A_61 : i32
    %dma_start3A_63 = arith.constant 0 : i32
    %dma_start3A_64 = tpu.memref_slice %arg6[%rem3A_58, %dma_start3A_63] : memref<3x128xi32, #tpu.memory_space<vmem>> -> memref<1x128xi32, #tpu.memory_space<vmem>>
    %dma_start3A_65 = tpu.memref_squeeze %dma_start3A_64 : memref<1x128xi32, #tpu.memory_space<vmem>> -> memref<128xi32, #tpu.memory_space<vmem>>
    %dma_start3A_66 = tpu.memref_slice %arg3[%add3A_62] : memref<320000xi32, #tpu.memory_space<hbm>> -> memref<128xi32, #tpu.memory_space<hbm>>
    %dma_start3A_67 = tpu.memref_slice %arg10[%rem3A_58] : memref<3x!tpu.dma_semaphore, #tpu.memory_space<semaphore_mem>> -> memref<1x!tpu.dma_semaphore, #tpu.memory_space<semaphore_mem>>
    %dma_start3A_68 = tpu.memref_squeeze %dma_start3A_67 : memref<1x!tpu.dma_semaphore, #tpu.memory_space<semaphore_mem>> -> memref<!tpu.dma_semaphore, #tpu.memory_space<semaphore_mem>>
    %dma_start3A_69 = arith.constant 0 : i32
    %dma_start3A_70 = tpu.memref_slice %arg6[%rem3A_58, %dma_start3A_69] : memref<3x128xi32, #tpu.memory_space<vmem>> -> memref<1x128xi32, #tpu.memory_space<vmem>>
    %dma_start3A_71 = tpu.memref_squeeze %dma_start3A_70 : memref<1x128xi32, #tpu.memory_space<vmem>> -> memref<128xi32, #tpu.memory_space<vmem>>
    %dma_start3A_72 = tpu.memref_slice %arg3[%add3A_62] : memref<320000xi32, #tpu.memory_space<hbm>> -> memref<128xi32, #tpu.memory_space<hbm>>
    tpu.enqueue_dma source(%dma_start3A_72 : memref<128xi32, #tpu.memory_space<hbm>>) target(%dma_start3A_71 : memref<128xi32, #tpu.memory_space<vmem>>) target_semaphore(%dma_start3A_68 : memref<!tpu.dma_semaphore, #tpu.memory_space<semaphore_mem>>)
    %rem3A_73 = arith.constant 0 : i32
    %rem3A_74 = arith.constant 3 : i32
    %rem3A_75 = arith.remsi %rem3A_73, %rem3A_74 : i32
    %mul3A_76 = arith.constant 0 : i32
    %mul3A_77 = arith.constant 128 : i32
    %mul3A_78 = arith.muli %mul3A_76, %mul3A_77 : i32
    %add3A_79 = arith.addi %mul3A_40, %mul3A_78 : i32
    %dma_start3A_80 = arith.constant 0 : i32
    %dma_start3A_81 = tpu.memref_slice %arg7[%rem3A_75, %dma_start3A_80] : memref<3x128xi32, #tpu.memory_space<vmem>> -> memref<1x128xi32, #tpu.memory_space<vmem>>
    %dma_start3A_82 = tpu.memref_squeeze %dma_start3A_81 : memref<1x128xi32, #tpu.memory_space<vmem>> -> memref<128xi32, #tpu.memory_space<vmem>>
    %dma_start3A_83 = tpu.memref_slice %arg4[%add3A_79] : memref<320000xi32, #tpu.memory_space<hbm>> -> memref<128xi32, #tpu.memory_space<hbm>>
    %dma_start3A_84 = tpu.memref_slice %arg12[%rem3A_75] : memref<3x!tpu.dma_semaphore, #tpu.memory_space<semaphore_mem>> -> memref<1x!tpu.dma_semaphore, #tpu.memory_space<semaphore_mem>>
    %dma_start3A_85 = tpu.memref_squeeze %dma_start3A_84 : memref<1x!tpu.dma_semaphore, #tpu.memory_space<semaphore_mem>> -> memref<!tpu.dma_semaphore, #tpu.memory_space<semaphore_mem>>
    %dma_start3A_86 = arith.constant 0 : i32
    %dma_start3A_87 = tpu.memref_slice %arg7[%rem3A_75, %dma_start3A_86] : memref<3x128xi32, #tpu.memory_space<vmem>> -> memref<1x128xi32, #tpu.memory_space<vmem>>
    %dma_start3A_88 = tpu.memref_squeeze %dma_start3A_87 : memref<1x128xi32, #tpu.memory_space<vmem>> -> memref<128xi32, #tpu.memory_space<vmem>>
    %dma_start3A_89 = tpu.memref_slice %arg4[%add3A_79] : memref<320000xi32, #tpu.memory_space<hbm>> -> memref<128xi32, #tpu.memory_space<hbm>>
    tpu.enqueue_dma source(%dma_start3A_89 : memref<128xi32, #tpu.memory_space<hbm>>) target(%dma_start3A_88 : memref<128xi32, #tpu.memory_space<vmem>>) target_semaphore(%dma_start3A_85 : memref<!tpu.dma_semaphore, #tpu.memory_space<semaphore_mem>>)
    %rem3A_90 = arith.constant 0 : i32
    %rem3A_91 = arith.constant 3 : i32
    %rem3A_92 = arith.remsi %rem3A_90, %rem3A_91 : i32
    %mul3A_93 = arith.constant 0 : i32
    %mul3A_94 = arith.constant 128 : i32
    %mul3A_95 = arith.muli %mul3A_93, %mul3A_94 : i32
    %add3A_96 = arith.addi %mul3A_40, %mul3A_95 : i32
    %dma_wait3A = arith.constant 0 : i32
    %dma_wait3A_97 = tpu.memref_slice %arg6[%rem3A_92, %dma_wait3A] : memref<3x128xi32, #tpu.memory_space<vmem>> -> memref<1x128xi32, #tpu.memory_space<vmem>>
    %dma_wait3A_98 = tpu.memref_squeeze %dma_wait3A_97 : memref<1x128xi32, #tpu.memory_space<vmem>> -> memref<128xi32, #tpu.memory_space<vmem>>
    %dma_wait3A_99 = tpu.memref_slice %arg3[%add3A_96] : memref<320000xi32, #tpu.memory_space<hbm>> -> memref<128xi32, #tpu.memory_space<hbm>>
    %dma_wait3A_100 = tpu.memref_slice %arg10[%rem3A_92] : memref<3x!tpu.dma_semaphore, #tpu.memory_space<semaphore_mem>> -> memref<1x!tpu.dma_semaphore, #tpu.memory_space<semaphore_mem>>
    %dma_wait3A_101 = tpu.memref_squeeze %dma_wait3A_100 : memref<1x!tpu.dma_semaphore, #tpu.memory_space<semaphore_mem>> -> memref<!tpu.dma_semaphore, #tpu.memory_space<semaphore_mem>>
    %dma_wait3A_102 = arith.constant 0 : i32
    %dma_wait3A_103 = tpu.memref_slice %arg6[%rem3A_92, %dma_wait3A_102] : memref<3x128xi32, #tpu.memory_space<vmem>> -> memref<1x128xi32, #tpu.memory_space<vmem>>
    %dma_wait3A_104 = tpu.memref_squeeze %dma_wait3A_103 : memref<1x128xi32, #tpu.memory_space<vmem>> -> memref<128xi32, #tpu.memory_space<vmem>>
    %dma_wait3A_105 = tpu.memref_slice %arg3[%add3A_96] : memref<320000xi32, #tpu.memory_space<hbm>> -> memref<128xi32, #tpu.memory_space<hbm>>
    tpu.wait_dma2 semaphore(%dma_wait3A_101 : memref<!tpu.dma_semaphore, #tpu.memory_space<semaphore_mem>>) src(%dma_wait3A_105 : memref<128xi32, #tpu.memory_space<hbm>>) dst(%dma_wait3A_104 : memref<128xi32, #tpu.memory_space<vmem>>)
    %rem3A_106 = arith.constant 0 : i32
    %rem3A_107 = arith.constant 3 : i32
    %rem3A_108 = arith.remsi %rem3A_106, %rem3A_107 : i32
    %dma_start3A_109 = arith.constant 0 : i32
    %dma_start3A_110 = arith.constant 0 : i32
    %dma_start3A_111 = tpu.memref_slice %arg8[%rem3A_108, %dma_start3A_109, %dma_start3A_110] : memref<3x128x128xf32, #tpu.memory_space<vmem>> -> memref<1x128x128xf32, #tpu.memory_space<vmem>>
    %dma_start3A_112 = tpu.memref_squeeze %dma_start3A_111 : memref<1x128x128xf32, #tpu.memory_space<vmem>> -> memref<128x128xf32, #tpu.memory_space<vmem>>
    %dma_start3A_113 = arith.constant 0 : i32
    %dma_start3A_114 = tpu.memref_slice %arg6[%rem3A_108, %dma_start3A_113] : memref<3x128xi32, #tpu.memory_space<vmem>> -> memref<1x128xi32, #tpu.memory_space<vmem>>
    %dma_start3A_115 = tpu.memref_squeeze %dma_start3A_114 : memref<1x128xi32, #tpu.memory_space<vmem>> -> memref<128xi32, #tpu.memory_space<vmem>>
    %dma_start3A_116 = arith.constant 0 : i32
    %dma_start3A_117 = arith.constant 0 : i32
    %dma_start3A_118 = tpu.memref_slice %arg2[%dma_start3A_116, %dma_start3A_117] : memref<10000x128xf32, #tpu.memory_space<hbm>> -> memref<10000x128xf32, #tpu.memory_space<hbm>>
    %dma_start3A_119 = tpu.memref_slice %arg11[%rem3A_108] : memref<3x!tpu.dma_semaphore, #tpu.memory_space<semaphore_mem>> -> memref<1x!tpu.dma_semaphore, #tpu.memory_space<semaphore_mem>>
    %dma_start3A_120 = tpu.memref_squeeze %dma_start3A_119 : memref<1x!tpu.dma_semaphore, #tpu.memory_space<semaphore_mem>> -> memref<!tpu.dma_semaphore, #tpu.memory_space<semaphore_mem>>
    tpu.enqueue_indirect_dma source(%dma_start3A_118 : memref<10000x128xf32, #tpu.memory_space<hbm>>) target(%dma_start3A_112 : memref<128x128xf32, #tpu.memory_space<vmem>>) offsets(%dma_start3A_115 : memref<128xi32, #tpu.memory_space<vmem>>) semaphore(%dma_start3A_120 : memref<!tpu.dma_semaphore, #tpu.memory_space<semaphore_mem>>)
    %while3A_121 = arith.constant 0 : i32
    %while3A_122 = arith.constant 0 : i32
    %while3A_123 = arith.subi %add3A_38, %while3A_121 : i32
    %while3A_124 = arith.addi %while3A_121, %while3A_123 : i32
    %while3A_125 = arith.constant 1 : i32
    %while3A_126 = arith.divsi %while3A_123, %while3A_125 : i32
    %while3A_127 = arith.muli %while3A_126, %while3A_125 : i32
    %while3A_128 = arith.addi %while3A_121, %while3A_127 : i32
    %while3A_129 = arith.constant 1 : i32
    %while3A_130 = scf.for %while3A_177 = %while3A_121 to %while3A_128 step %while3A_129 iter_args(%while3A_178 = %while3A_122) -> (i32)  : i32 {
      %rem3A_179 = arith.constant 3 : i32
      %rem3A_180 = arith.remsi %while3A_177, %rem3A_179 : i32
      %ge3A = arith.constant 2 : i32
      %ge3A_181 = arith.cmpi sge, %while3A_177, %ge3A : i32
      %convert_element_type3A = arith.extui %ge3A_181 : i1 to i32
      %cond3A = arith.constant 0 : i32
      %cond3A_182 = arith.cmpi ne, %convert_element_type3A, %cond3A : i32
      scf.if %cond3A_182 {
        %sub3A_233 = arith.constant 2 : i32
        %sub3A_234 = arith.subi %while3A_177, %sub3A_233 : i32
        %rem3A_235 = arith.constant 3 : i32
        %rem3A_236 = arith.remsi %sub3A_234, %rem3A_235 : i32
        %dma_wait3A_237 = arith.constant 0 : i32
        %dma_wait3A_238 = arith.constant 0 : i32
        %dma_wait3A_239 = tpu.memref_slice %arg8[%rem3A_236, %dma_wait3A_237, %dma_wait3A_238] : memref<3x128x128xf32, #tpu.memory_space<vmem>> -> memref<1x128x128xf32, #tpu.memory_space<vmem>>
        %dma_wait3A_240 = tpu.memref_squeeze %dma_wait3A_239 : memref<1x128x128xf32, #tpu.memory_space<vmem>> -> memref<128x128xf32, #tpu.memory_space<vmem>>
        %dma_wait3A_241 = arith.constant 0 : i32
        %dma_wait3A_242 = tpu.memref_slice %arg7[%rem3A_236, %dma_wait3A_241] : memref<3x128xi32, #tpu.memory_space<vmem>> -> memref<1x128xi32, #tpu.memory_space<vmem>>
        %dma_wait3A_243 = tpu.memref_squeeze %dma_wait3A_242 : memref<1x128xi32, #tpu.memory_space<vmem>> -> memref<128xi32, #tpu.memory_space<vmem>>
        %dma_wait3A_244 = arith.constant 0 : i32
        %dma_wait3A_245 = arith.constant 0 : i32
        %dma_wait3A_246 = tpu.memref_slice %arg9[%dma_wait3A_244, %dma_wait3A_245] : memref<10000x128xf32, #tpu.memory_space<vmem_shared>> -> memref<10000x128xf32, #tpu.memory_space<vmem_shared>>
        %dma_wait3A_247 = tpu.memref_slice %arg13[%rem3A_236] : memref<3x!tpu.dma_semaphore, #tpu.memory_space<semaphore_mem>> -> memref<1x!tpu.dma_semaphore, #tpu.memory_space<semaphore_mem>>
        %dma_wait3A_248 = tpu.memref_squeeze %dma_wait3A_247 : memref<1x!tpu.dma_semaphore, #tpu.memory_space<semaphore_mem>> -> memref<!tpu.dma_semaphore, #tpu.memory_space<semaphore_mem>>
        tpu.wait_indirect_dma semaphore(%dma_wait3A_248 : memref<!tpu.dma_semaphore, #tpu.memory_space<semaphore_mem>>) src(%dma_wait3A_240 : memref<128x128xf32, #tpu.memory_space<vmem>>) dst(%dma_wait3A_246 : memref<10000x128xf32, #tpu.memory_space<vmem_shared>>)
      } else {
      }
      %add3A_183 = arith.constant 2 : i32
      %add3A_184 = arith.addi %while3A_177, %add3A_183 : i32
      %lt3A_185 = arith.cmpi slt, %add3A_184, %add3A_38 : i32
      %convert_element_type3A_186 = arith.extui %lt3A_185 : i1 to i32
      %cond3A_187 = arith.constant 0 : i32
      %cond3A_188 = arith.cmpi ne, %convert_element_type3A_186, %cond3A_187 : i32
      scf.if %cond3A_188 {
        %add3A_233 = arith.constant 2 : i32
        %add3A_234 = arith.addi %while3A_177, %add3A_233 : i32
        %rem3A_235 = arith.constant 3 : i32
        %rem3A_236 = arith.remsi %add3A_234, %rem3A_235 : i32
        %mul3A_237 = arith.constant 128 : i32
        %mul3A_238 = arith.muli %add3A_234, %mul3A_237 : i32
        %add3A_239 = arith.addi %mul3A_40, %mul3A_238 : i32
        %dma_start3A_240 = arith.constant 0 : i32
        %dma_start3A_241 = tpu.memref_slice %arg6[%rem3A_236, %dma_start3A_240] : memref<3x128xi32, #tpu.memory_space<vmem>> -> memref<1x128xi32, #tpu.memory_space<vmem>>
        %dma_start3A_242 = tpu.memref_squeeze %dma_start3A_241 : memref<1x128xi32, #tpu.memory_space<vmem>> -> memref<128xi32, #tpu.memory_space<vmem>>
        %dma_start3A_243 = tpu.memref_slice %arg3[%add3A_239] : memref<320000xi32, #tpu.memory_space<hbm>> -> memref<128xi32, #tpu.memory_space<hbm>>
        %dma_start3A_244 = tpu.memref_slice %arg10[%rem3A_236] : memref<3x!tpu.dma_semaphore, #tpu.memory_space<semaphore_mem>> -> memref<1x!tpu.dma_semaphore, #tpu.memory_space<semaphore_mem>>
        %dma_start3A_245 = tpu.memref_squeeze %dma_start3A_244 : memref<1x!tpu.dma_semaphore, #tpu.memory_space<semaphore_mem>> -> memref<!tpu.dma_semaphore, #tpu.memory_space<semaphore_mem>>
        %dma_start3A_246 = arith.constant 0 : i32
        %dma_start3A_247 = tpu.memref_slice %arg6[%rem3A_236, %dma_start3A_246] : memref<3x128xi32, #tpu.memory_space<vmem>> -> memref<1x128xi32, #tpu.memory_space<vmem>>
        %dma_start3A_248 = tpu.memref_squeeze %dma_start3A_247 : memref<1x128xi32, #tpu.memory_space<vmem>> -> memref<128xi32, #tpu.memory_space<vmem>>
        %dma_start3A_249 = tpu.memref_slice %arg3[%add3A_239] : memref<320000xi32, #tpu.memory_space<hbm>> -> memref<128xi32, #tpu.memory_space<hbm>>
        tpu.enqueue_dma source(%dma_start3A_249 : memref<128xi32, #tpu.memory_space<hbm>>) target(%dma_start3A_248 : memref<128xi32, #tpu.memory_space<vmem>>) target_semaphore(%dma_start3A_245 : memref<!tpu.dma_semaphore, #tpu.memory_space<semaphore_mem>>)
      } else {
      }
      %add3A_189 = arith.constant 1 : i32
      %add3A_190 = arith.addi %while3A_177, %add3A_189 : i32
      %lt3A_191 = arith.cmpi slt, %add3A_190, %add3A_38 : i32
      %convert_element_type3A_192 = arith.extui %lt3A_191 : i1 to i32
      %cond3A_193 = arith.constant 0 : i32
      %cond3A_194 = arith.cmpi ne, %convert_element_type3A_192, %cond3A_193 : i32
      scf.if %cond3A_194 {
        %add3A_233 = arith.constant 1 : i32
        %add3A_234 = arith.addi %while3A_177, %add3A_233 : i32
        %rem3A_235 = arith.constant 3 : i32
        %rem3A_236 = arith.remsi %add3A_234, %rem3A_235 : i32
        %mul3A_237 = arith.constant 128 : i32
        %mul3A_238 = arith.muli %add3A_234, %mul3A_237 : i32
        %add3A_239 = arith.addi %mul3A_40, %mul3A_238 : i32
        %dma_wait3A_240 = arith.constant 0 : i32
        %dma_wait3A_241 = tpu.memref_slice %arg6[%rem3A_236, %dma_wait3A_240] : memref<3x128xi32, #tpu.memory_space<vmem>> -> memref<1x128xi32, #tpu.memory_space<vmem>>
        %dma_wait3A_242 = tpu.memref_squeeze %dma_wait3A_241 : memref<1x128xi32, #tpu.memory_space<vmem>> -> memref<128xi32, #tpu.memory_space<vmem>>
        %dma_wait3A_243 = tpu.memref_slice %arg3[%add3A_239] : memref<320000xi32, #tpu.memory_space<hbm>> -> memref<128xi32, #tpu.memory_space<hbm>>
        %dma_wait3A_244 = tpu.memref_slice %arg10[%rem3A_236] : memref<3x!tpu.dma_semaphore, #tpu.memory_space<semaphore_mem>> -> memref<1x!tpu.dma_semaphore, #tpu.memory_space<semaphore_mem>>
        %dma_wait3A_245 = tpu.memref_squeeze %dma_wait3A_244 : memref<1x!tpu.dma_semaphore, #tpu.memory_space<semaphore_mem>> -> memref<!tpu.dma_semaphore, #tpu.memory_space<semaphore_mem>>
        %dma_wait3A_246 = arith.constant 0 : i32
        %dma_wait3A_247 = tpu.memref_slice %arg6[%rem3A_236, %dma_wait3A_246] : memref<3x128xi32, #tpu.memory_space<vmem>> -> memref<1x128xi32, #tpu.memory_space<vmem>>
        %dma_wait3A_248 = tpu.memref_squeeze %dma_wait3A_247 : memref<1x128xi32, #tpu.memory_space<vmem>> -> memref<128xi32, #tpu.memory_space<vmem>>
        %dma_wait3A_249 = tpu.memref_slice %arg3[%add3A_239] : memref<320000xi32, #tpu.memory_space<hbm>> -> memref<128xi32, #tpu.memory_space<hbm>>
        tpu.wait_dma2 semaphore(%dma_wait3A_245 : memref<!tpu.dma_semaphore, #tpu.memory_space<semaphore_mem>>) src(%dma_wait3A_249 : memref<128xi32, #tpu.memory_space<hbm>>) dst(%dma_wait3A_248 : memref<128xi32, #tpu.memory_space<vmem>>)
        %add3A_250 = arith.constant 1 : i32
        %add3A_251 = arith.addi %while3A_177, %add3A_250 : i32
        %rem3A_252 = arith.constant 3 : i32
        %rem3A_253 = arith.remsi %add3A_251, %rem3A_252 : i32
        %dma_start3A_254 = arith.constant 0 : i32
        %dma_start3A_255 = arith.constant 0 : i32
        %dma_start3A_256 = tpu.memref_slice %arg8[%rem3A_253, %dma_start3A_254, %dma_start3A_255] : memref<3x128x128xf32, #tpu.memory_space<vmem>> -> memref<1x128x128xf32, #tpu.memory_space<vmem>>
        %dma_start3A_257 = tpu.memref_squeeze %dma_start3A_256 : memref<1x128x128xf32, #tpu.memory_space<vmem>> -> memref<128x128xf32, #tpu.memory_space<vmem>>
        %dma_start3A_258 = arith.constant 0 : i32
        %dma_start3A_259 = tpu.memref_slice %arg6[%rem3A_253, %dma_start3A_258] : memref<3x128xi32, #tpu.memory_space<vmem>> -> memref<1x128xi32, #tpu.memory_space<vmem>>
        %dma_start3A_260 = tpu.memref_squeeze %dma_start3A_259 : memref<1x128xi32, #tpu.memory_space<vmem>> -> memref<128xi32, #tpu.memory_space<vmem>>
        %dma_start3A_261 = arith.constant 0 : i32
        %dma_start3A_262 = arith.constant 0 : i32
        %dma_start3A_263 = tpu.memref_slice %arg2[%dma_start3A_261, %dma_start3A_262] : memref<10000x128xf32, #tpu.memory_space<hbm>> -> memref<10000x128xf32, #tpu.memory_space<hbm>>
        %dma_start3A_264 = tpu.memref_slice %arg11[%rem3A_253] : memref<3x!tpu.dma_semaphore, #tpu.memory_space<semaphore_mem>> -> memref<1x!tpu.dma_semaphore, #tpu.memory_space<semaphore_mem>>
        %dma_start3A_265 = tpu.memref_squeeze %dma_start3A_264 : memref<1x!tpu.dma_semaphore, #tpu.memory_space<semaphore_mem>> -> memref<!tpu.dma_semaphore, #tpu.memory_space<semaphore_mem>>
        tpu.enqueue_indirect_dma source(%dma_start3A_263 : memref<10000x128xf32, #tpu.memory_space<hbm>>) target(%dma_start3A_257 : memref<128x128xf32, #tpu.memory_space<vmem>>) offsets(%dma_start3A_260 : memref<128xi32, #tpu.memory_space<vmem>>) semaphore(%dma_start3A_265 : memref<!tpu.dma_semaphore, #tpu.memory_space<semaphore_mem>>)
        %add3A_266 = arith.constant 1 : i32
        %add3A_267 = arith.addi %while3A_177, %add3A_266 : i32
        %rem3A_268 = arith.constant 3 : i32
        %rem3A_269 = arith.remsi %add3A_267, %rem3A_268 : i32
        %mul3A_270 = arith.constant 128 : i32
        %mul3A_271 = arith.muli %add3A_267, %mul3A_270 : i32
        %add3A_272 = arith.addi %mul3A_40, %mul3A_271 : i32
        %dma_start3A_273 = arith.constant 0 : i32
        %dma_start3A_274 = tpu.memref_slice %arg7[%rem3A_269, %dma_start3A_273] : memref<3x128xi32, #tpu.memory_space<vmem>> -> memref<1x128xi32, #tpu.memory_space<vmem>>
        %dma_start3A_275 = tpu.memref_squeeze %dma_start3A_274 : memref<1x128xi32, #tpu.memory_space<vmem>> -> memref<128xi32, #tpu.memory_space<vmem>>
        %dma_start3A_276 = tpu.memref_slice %arg4[%add3A_272] : memref<320000xi32, #tpu.memory_space<hbm>> -> memref<128xi32, #tpu.memory_space<hbm>>
        %dma_start3A_277 = tpu.memref_slice %arg12[%rem3A_269] : memref<3x!tpu.dma_semaphore, #tpu.memory_space<semaphore_mem>> -> memref<1x!tpu.dma_semaphore, #tpu.memory_space<semaphore_mem>>
        %dma_start3A_278 = tpu.memref_squeeze %dma_start3A_277 : memref<1x!tpu.dma_semaphore, #tpu.memory_space<semaphore_mem>> -> memref<!tpu.dma_semaphore, #tpu.memory_space<semaphore_mem>>
        %dma_start3A_279 = arith.constant 0 : i32
        %dma_start3A_280 = tpu.memref_slice %arg7[%rem3A_269, %dma_start3A_279] : memref<3x128xi32, #tpu.memory_space<vmem>> -> memref<1x128xi32, #tpu.memory_space<vmem>>
        %dma_start3A_281 = tpu.memref_squeeze %dma_start3A_280 : memref<1x128xi32, #tpu.memory_space<vmem>> -> memref<128xi32, #tpu.memory_space<vmem>>
        %dma_start3A_282 = tpu.memref_slice %arg4[%add3A_272] : memref<320000xi32, #tpu.memory_space<hbm>> -> memref<128xi32, #tpu.memory_space<hbm>>
        tpu.enqueue_dma source(%dma_start3A_282 : memref<128xi32, #tpu.memory_space<hbm>>) target(%dma_start3A_281 : memref<128xi32, #tpu.memory_space<vmem>>) target_semaphore(%dma_start3A_278 : memref<!tpu.dma_semaphore, #tpu.memory_space<semaphore_mem>>)
      } else {
      }
      %dma_wait3A_195 = arith.constant 0 : i32
      %dma_wait3A_196 = arith.constant 0 : i32
      %dma_wait3A_197 = tpu.memref_slice %arg8[%rem3A_180, %dma_wait3A_195, %dma_wait3A_196] : memref<3x128x128xf32, #tpu.memory_space<vmem>> -> memref<1x128x128xf32, #tpu.memory_space<vmem>>
      %dma_wait3A_198 = tpu.memref_squeeze %dma_wait3A_197 : memref<1x128x128xf32, #tpu.memory_space<vmem>> -> memref<128x128xf32, #tpu.memory_space<vmem>>
      %dma_wait3A_199 = arith.constant 0 : i32
      %dma_wait3A_200 = tpu.memref_slice %arg6[%rem3A_180, %dma_wait3A_199] : memref<3x128xi32, #tpu.memory_space<vmem>> -> memref<1x128xi32, #tpu.memory_space<vmem>>
      %dma_wait3A_201 = tpu.memref_squeeze %dma_wait3A_200 : memref<1x128xi32, #tpu.memory_space<vmem>> -> memref<128xi32, #tpu.memory_space<vmem>>
      %dma_wait3A_202 = arith.constant 0 : i32
      %dma_wait3A_203 = arith.constant 0 : i32
      %dma_wait3A_204 = tpu.memref_slice %arg2[%dma_wait3A_202, %dma_wait3A_203] : memref<10000x128xf32, #tpu.memory_space<hbm>> -> memref<10000x128xf32, #tpu.memory_space<hbm>>
      %dma_wait3A_205 = tpu.memref_slice %arg11[%rem3A_180] : memref<3x!tpu.dma_semaphore, #tpu.memory_space<semaphore_mem>> -> memref<1x!tpu.dma_semaphore, #tpu.memory_space<semaphore_mem>>
      %dma_wait3A_206 = tpu.memref_squeeze %dma_wait3A_205 : memref<1x!tpu.dma_semaphore, #tpu.memory_space<semaphore_mem>> -> memref<!tpu.dma_semaphore, #tpu.memory_space<semaphore_mem>>
      tpu.wait_indirect_dma semaphore(%dma_wait3A_206 : memref<!tpu.dma_semaphore, #tpu.memory_space<semaphore_mem>>) src(%dma_wait3A_204 : memref<10000x128xf32, #tpu.memory_space<hbm>>) dst(%dma_wait3A_198 : memref<128x128xf32, #tpu.memory_space<vmem>>)
      %mul3A_207 = arith.constant 128 : i32
      %mul3A_208 = arith.muli %while3A_177, %mul3A_207 : i32
      %add3A_209 = arith.addi %mul3A_40, %mul3A_208 : i32
      %dma_wait3A_210 = arith.constant 0 : i32
      %dma_wait3A_211 = tpu.memref_slice %arg7[%rem3A_180, %dma_wait3A_210] : memref<3x128xi32, #tpu.memory_space<vmem>> -> memref<1x128xi32, #tpu.memory_space<vmem>>
      %dma_wait3A_212 = tpu.memref_squeeze %dma_wait3A_211 : memref<1x128xi32, #tpu.memory_space<vmem>> -> memref<128xi32, #tpu.memory_space<vmem>>
      %dma_wait3A_213 = tpu.memref_slice %arg4[%add3A_209] : memref<320000xi32, #tpu.memory_space<hbm>> -> memref<128xi32, #tpu.memory_space<hbm>>
      %dma_wait3A_214 = tpu.memref_slice %arg12[%rem3A_180] : memref<3x!tpu.dma_semaphore, #tpu.memory_space<semaphore_mem>> -> memref<1x!tpu.dma_semaphore, #tpu.memory_space<semaphore_mem>>
      %dma_wait3A_215 = tpu.memref_squeeze %dma_wait3A_214 : memref<1x!tpu.dma_semaphore, #tpu.memory_space<semaphore_mem>> -> memref<!tpu.dma_semaphore, #tpu.memory_space<semaphore_mem>>
      %dma_wait3A_216 = arith.constant 0 : i32
      %dma_wait3A_217 = tpu.memref_slice %arg7[%rem3A_180, %dma_wait3A_216] : memref<3x128xi32, #tpu.memory_space<vmem>> -> memref<1x128xi32, #tpu.memory_space<vmem>>
      %dma_wait3A_218 = tpu.memref_squeeze %dma_wait3A_217 : memref<1x128xi32, #tpu.memory_space<vmem>> -> memref<128xi32, #tpu.memory_space<vmem>>
      %dma_wait3A_219 = tpu.memref_slice %arg4[%add3A_209] : memref<320000xi32, #tpu.memory_space<hbm>> -> memref<128xi32, #tpu.memory_space<hbm>>
      tpu.wait_dma2 semaphore(%dma_wait3A_215 : memref<!tpu.dma_semaphore, #tpu.memory_space<semaphore_mem>>) src(%dma_wait3A_219 : memref<128xi32, #tpu.memory_space<hbm>>) dst(%dma_wait3A_218 : memref<128xi32, #tpu.memory_space<vmem>>)
      %dma_start3A_220 = arith.constant 0 : i32
      %dma_start3A_221 = arith.constant 0 : i32
      %dma_start3A_222 = tpu.memref_slice %arg8[%rem3A_180, %dma_start3A_220, %dma_start3A_221] : memref<3x128x128xf32, #tpu.memory_space<vmem>> -> memref<1x128x128xf32, #tpu.memory_space<vmem>>
      %dma_start3A_223 = tpu.memref_squeeze %dma_start3A_222 : memref<1x128x128xf32, #tpu.memory_space<vmem>> -> memref<128x128xf32, #tpu.memory_space<vmem>>
      %dma_start3A_224 = arith.constant 0 : i32
      %dma_start3A_225 = tpu.memref_slice %arg7[%rem3A_180, %dma_start3A_224] : memref<3x128xi32, #tpu.memory_space<vmem>> -> memref<1x128xi32, #tpu.memory_space<vmem>>
      %dma_start3A_226 = tpu.memref_squeeze %dma_start3A_225 : memref<1x128xi32, #tpu.memory_space<vmem>> -> memref<128xi32, #tpu.memory_space<vmem>>
      %dma_start3A_227 = arith.constant 0 : i32
      %dma_start3A_228 = arith.constant 0 : i32
      %dma_start3A_229 = tpu.memref_slice %arg9[%dma_start3A_227, %dma_start3A_228] : memref<10000x128xf32, #tpu.memory_space<vmem_shared>> -> memref<10000x128xf32, #tpu.memory_space<vmem_shared>>
      %dma_start3A_230 = tpu.memref_slice %arg13[%rem3A_180] : memref<3x!tpu.dma_semaphore, #tpu.memory_space<semaphore_mem>> -> memref<1x!tpu.dma_semaphore, #tpu.memory_space<semaphore_mem>>
      %dma_start3A_231 = tpu.memref_squeeze %dma_start3A_230 : memref<1x!tpu.dma_semaphore, #tpu.memory_space<semaphore_mem>> -> memref<!tpu.dma_semaphore, #tpu.memory_space<semaphore_mem>>
      tpu.enqueue_indirect_dma source(%dma_start3A_223 : memref<128x128xf32, #tpu.memory_space<vmem>>) target(%dma_start3A_229 : memref<10000x128xf32, #tpu.memory_space<vmem_shared>>) offsets(%dma_start3A_226 : memref<128xi32, #tpu.memory_space<vmem>>) semaphore(%dma_start3A_231 : memref<!tpu.dma_semaphore, #tpu.memory_space<semaphore_mem>>) {add = true}
      %while3A_232 = arith.constant 0 : i32
      scf.yield %while3A_232 : i32
    }
    %while3A_131 = arith.constant 1 : i32
    %while3A_132 = scf.for %while3A_177 = %while3A_128 to %while3A_124 step %while3A_131 iter_args(%while3A_178 = %while3A_130) -> (i32)  : i32 {
      %rem3A_179 = arith.constant 3 : i32
      %rem3A_180 = arith.remsi %while3A_177, %rem3A_179 : i32
      %ge3A = arith.constant 2 : i32
      %ge3A_181 = arith.cmpi sge, %while3A_177, %ge3A : i32
      %convert_element_type3A = arith.extui %ge3A_181 : i1 to i32
      %cond3A = arith.constant 0 : i32
      %cond3A_182 = arith.cmpi ne, %convert_element_type3A, %cond3A : i32
      scf.if %cond3A_182 {
        %sub3A_233 = arith.constant 2 : i32
        %sub3A_234 = arith.subi %while3A_177, %sub3A_233 : i32
        %rem3A_235 = arith.constant 3 : i32
        %rem3A_236 = arith.remsi %sub3A_234, %rem3A_235 : i32
        %dma_wait3A_237 = arith.constant 0 : i32
        %dma_wait3A_238 = arith.constant 0 : i32
        %dma_wait3A_239 = tpu.memref_slice %arg8[%rem3A_236, %dma_wait3A_237, %dma_wait3A_238] : memref<3x128x128xf32, #tpu.memory_space<vmem>> -> memref<1x128x128xf32, #tpu.memory_space<vmem>>
        %dma_wait3A_240 = tpu.memref_squeeze %dma_wait3A_239 : memref<1x128x128xf32, #tpu.memory_space<vmem>> -> memref<128x128xf32, #tpu.memory_space<vmem>>
        %dma_wait3A_241 = arith.constant 0 : i32
        %dma_wait3A_242 = tpu.memref_slice %arg7[%rem3A_236, %dma_wait3A_241] : memref<3x128xi32, #tpu.memory_space<vmem>> -> memref<1x128xi32, #tpu.memory_space<vmem>>
        %dma_wait3A_243 = tpu.memref_squeeze %dma_wait3A_242 : memref<1x128xi32, #tpu.memory_space<vmem>> -> memref<128xi32, #tpu.memory_space<vmem>>
        %dma_wait3A_244 = arith.constant 0 : i32
        %dma_wait3A_245 = arith.constant 0 : i32
        %dma_wait3A_246 = tpu.memref_slice %arg9[%dma_wait3A_244, %dma_wait3A_245] : memref<10000x128xf32, #tpu.memory_space<vmem_shared>> -> memref<10000x128xf32, #tpu.memory_space<vmem_shared>>
        %dma_wait3A_247 = tpu.memref_slice %arg13[%rem3A_236] : memref<3x!tpu.dma_semaphore, #tpu.memory_space<semaphore_mem>> -> memref<1x!tpu.dma_semaphore, #tpu.memory_space<semaphore_mem>>
        %dma_wait3A_248 = tpu.memref_squeeze %dma_wait3A_247 : memref<1x!tpu.dma_semaphore, #tpu.memory_space<semaphore_mem>> -> memref<!tpu.dma_semaphore, #tpu.memory_space<semaphore_mem>>
        tpu.wait_indirect_dma semaphore(%dma_wait3A_248 : memref<!tpu.dma_semaphore, #tpu.memory_space<semaphore_mem>>) src(%dma_wait3A_240 : memref<128x128xf32, #tpu.memory_space<vmem>>) dst(%dma_wait3A_246 : memref<10000x128xf32, #tpu.memory_space<vmem_shared>>)
      } else {
      }
      %add3A_183 = arith.constant 2 : i32
      %add3A_184 = arith.addi %while3A_177, %add3A_183 : i32
      %lt3A_185 = arith.cmpi slt, %add3A_184, %add3A_38 : i32
      %convert_element_type3A_186 = arith.extui %lt3A_185 : i1 to i32
      %cond3A_187 = arith.constant 0 : i32
      %cond3A_188 = arith.cmpi ne, %convert_element_type3A_186, %cond3A_187 : i32
      scf.if %cond3A_188 {
        %add3A_233 = arith.constant 2 : i32
        %add3A_234 = arith.addi %while3A_177, %add3A_233 : i32
        %rem3A_235 = arith.constant 3 : i32
        %rem3A_236 = arith.remsi %add3A_234, %rem3A_235 : i32
        %mul3A_237 = arith.constant 128 : i32
        %mul3A_238 = arith.muli %add3A_234, %mul3A_237 : i32
        %add3A_239 = arith.addi %mul3A_40, %mul3A_238 : i32
        %dma_start3A_240 = arith.constant 0 : i32
        %dma_start3A_241 = tpu.memref_slice %arg6[%rem3A_236, %dma_start3A_240] : memref<3x128xi32, #tpu.memory_space<vmem>> -> memref<1x128xi32, #tpu.memory_space<vmem>>
        %dma_start3A_242 = tpu.memref_squeeze %dma_start3A_241 : memref<1x128xi32, #tpu.memory_space<vmem>> -> memref<128xi32, #tpu.memory_space<vmem>>
        %dma_start3A_243 = tpu.memref_slice %arg3[%add3A_239] : memref<320000xi32, #tpu.memory_space<hbm>> -> memref<128xi32, #tpu.memory_space<hbm>>
        %dma_start3A_244 = tpu.memref_slice %arg10[%rem3A_236] : memref<3x!tpu.dma_semaphore, #tpu.memory_space<semaphore_mem>> -> memref<1x!tpu.dma_semaphore, #tpu.memory_space<semaphore_mem>>
        %dma_start3A_245 = tpu.memref_squeeze %dma_start3A_244 : memref<1x!tpu.dma_semaphore, #tpu.memory_space<semaphore_mem>> -> memref<!tpu.dma_semaphore, #tpu.memory_space<semaphore_mem>>
        %dma_start3A_246 = arith.constant 0 : i32
        %dma_start3A_247 = tpu.memref_slice %arg6[%rem3A_236, %dma_start3A_246] : memref<3x128xi32, #tpu.memory_space<vmem>> -> memref<1x128xi32, #tpu.memory_space<vmem>>
        %dma_start3A_248 = tpu.memref_squeeze %dma_start3A_247 : memref<1x128xi32, #tpu.memory_space<vmem>> -> memref<128xi32, #tpu.memory_space<vmem>>
        %dma_start3A_249 = tpu.memref_slice %arg3[%add3A_239] : memref<320000xi32, #tpu.memory_space<hbm>> -> memref<128xi32, #tpu.memory_space<hbm>>
        tpu.enqueue_dma source(%dma_start3A_249 : memref<128xi32, #tpu.memory_space<hbm>>) target(%dma_start3A_248 : memref<128xi32, #tpu.memory_space<vmem>>) target_semaphore(%dma_start3A_245 : memref<!tpu.dma_semaphore, #tpu.memory_space<semaphore_mem>>)
      } else {
      }
      %add3A_189 = arith.constant 1 : i32
      %add3A_190 = arith.addi %while3A_177, %add3A_189 : i32
      %lt3A_191 = arith.cmpi slt, %add3A_190, %add3A_38 : i32
      %convert_element_type3A_192 = arith.extui %lt3A_191 : i1 to i32
      %cond3A_193 = arith.constant 0 : i32
      %cond3A_194 = arith.cmpi ne, %convert_element_type3A_192, %cond3A_193 : i32
      scf.if %cond3A_194 {
        %add3A_233 = arith.constant 1 : i32
        %add3A_234 = arith.addi %while3A_177, %add3A_233 : i32
        %rem3A_235 = arith.constant 3 : i32
        %rem3A_236 = arith.remsi %add3A_234, %rem3A_235 : i32
        %mul3A_237 = arith.constant 128 : i32
        %mul3A_238 = arith.muli %add3A_234, %mul3A_237 : i32
        %add3A_239 = arith.addi %mul3A_40, %mul3A_238 : i32
        %dma_wait3A_240 = arith.constant 0 : i32
        %dma_wait3A_241 = tpu.memref_slice %arg6[%rem3A_236, %dma_wait3A_240] : memref<3x128xi32, #tpu.memory_space<vmem>> -> memref<1x128xi32, #tpu.memory_space<vmem>>
        %dma_wait3A_242 = tpu.memref_squeeze %dma_wait3A_241 : memref<1x128xi32, #tpu.memory_space<vmem>> -> memref<128xi32, #tpu.memory_space<vmem>>
        %dma_wait3A_243 = tpu.memref_slice %arg3[%add3A_239] : memref<320000xi32, #tpu.memory_space<hbm>> -> memref<128xi32, #tpu.memory_space<hbm>>
        %dma_wait3A_244 = tpu.memref_slice %arg10[%rem3A_236] : memref<3x!tpu.dma_semaphore, #tpu.memory_space<semaphore_mem>> -> memref<1x!tpu.dma_semaphore, #tpu.memory_space<semaphore_mem>>
        %dma_wait3A_245 = tpu.memref_squeeze %dma_wait3A_244 : memref<1x!tpu.dma_semaphore, #tpu.memory_space<semaphore_mem>> -> memref<!tpu.dma_semaphore, #tpu.memory_space<semaphore_mem>>
        %dma_wait3A_246 = arith.constant 0 : i32
        %dma_wait3A_247 = tpu.memref_slice %arg6[%rem3A_236, %dma_wait3A_246] : memref<3x128xi32, #tpu.memory_space<vmem>> -> memref<1x128xi32, #tpu.memory_space<vmem>>
        %dma_wait3A_248 = tpu.memref_squeeze %dma_wait3A_247 : memref<1x128xi32, #tpu.memory_space<vmem>> -> memref<128xi32, #tpu.memory_space<vmem>>
        %dma_wait3A_249 = tpu.memref_slice %arg3[%add3A_239] : memref<320000xi32, #tpu.memory_space<hbm>> -> memref<128xi32, #tpu.memory_space<hbm>>
        tpu.wait_dma2 semaphore(%dma_wait3A_245 : memref<!tpu.dma_semaphore, #tpu.memory_space<semaphore_mem>>) src(%dma_wait3A_249 : memref<128xi32, #tpu.memory_space<hbm>>) dst(%dma_wait3A_248 : memref<128xi32, #tpu.memory_space<vmem>>)
        %add3A_250 = arith.constant 1 : i32
        %add3A_251 = arith.addi %while3A_177, %add3A_250 : i32
        %rem3A_252 = arith.constant 3 : i32
        %rem3A_253 = arith.remsi %add3A_251, %rem3A_252 : i32
        %dma_start3A_254 = arith.constant 0 : i32
        %dma_start3A_255 = arith.constant 0 : i32
        %dma_start3A_256 = tpu.memref_slice %arg8[%rem3A_253, %dma_start3A_254, %dma_start3A_255] : memref<3x128x128xf32, #tpu.memory_space<vmem>> -> memref<1x128x128xf32, #tpu.memory_space<vmem>>
        %dma_start3A_257 = tpu.memref_squeeze %dma_start3A_256 : memref<1x128x128xf32, #tpu.memory_space<vmem>> -> memref<128x128xf32, #tpu.memory_space<vmem>>
        %dma_start3A_258 = arith.constant 0 : i32
        %dma_start3A_259 = tpu.memref_slice %arg6[%rem3A_253, %dma_start3A_258] : memref<3x128xi32, #tpu.memory_space<vmem>> -> memref<1x128xi32, #tpu.memory_space<vmem>>
        %dma_start3A_260 = tpu.memref_squeeze %dma_start3A_259 : memref<1x128xi32, #tpu.memory_space<vmem>> -> memref<128xi32, #tpu.memory_space<vmem>>
        %dma_start3A_261 = arith.constant 0 : i32
        %dma_start3A_262 = arith.constant 0 : i32
        %dma_start3A_263 = tpu.memref_slice %arg2[%dma_start3A_261, %dma_start3A_262] : memref<10000x128xf32, #tpu.memory_space<hbm>> -> memref<10000x128xf32, #tpu.memory_space<hbm>>
        %dma_start3A_264 = tpu.memref_slice %arg11[%rem3A_253] : memref<3x!tpu.dma_semaphore, #tpu.memory_space<semaphore_mem>> -> memref<1x!tpu.dma_semaphore, #tpu.memory_space<semaphore_mem>>
        %dma_start3A_265 = tpu.memref_squeeze %dma_start3A_264 : memref<1x!tpu.dma_semaphore, #tpu.memory_space<semaphore_mem>> -> memref<!tpu.dma_semaphore, #tpu.memory_space<semaphore_mem>>
        tpu.enqueue_indirect_dma source(%dma_start3A_263 : memref<10000x128xf32, #tpu.memory_space<hbm>>) target(%dma_start3A_257 : memref<128x128xf32, #tpu.memory_space<vmem>>) offsets(%dma_start3A_260 : memref<128xi32, #tpu.memory_space<vmem>>) semaphore(%dma_start3A_265 : memref<!tpu.dma_semaphore, #tpu.memory_space<semaphore_mem>>)
        %add3A_266 = arith.constant 1 : i32
        %add3A_267 = arith.addi %while3A_177, %add3A_266 : i32
        %rem3A_268 = arith.constant 3 : i32
        %rem3A_269 = arith.remsi %add3A_267, %rem3A_268 : i32
        %mul3A_270 = arith.constant 128 : i32
        %mul3A_271 = arith.muli %add3A_267, %mul3A_270 : i32
        %add3A_272 = arith.addi %mul3A_40, %mul3A_271 : i32
        %dma_start3A_273 = arith.constant 0 : i32
        %dma_start3A_274 = tpu.memref_slice %arg7[%rem3A_269, %dma_start3A_273] : memref<3x128xi32, #tpu.memory_space<vmem>> -> memref<1x128xi32, #tpu.memory_space<vmem>>
        %dma_start3A_275 = tpu.memref_squeeze %dma_start3A_274 : memref<1x128xi32, #tpu.memory_space<vmem>> -> memref<128xi32, #tpu.memory_space<vmem>>
        %dma_start3A_276 = tpu.memref_slice %arg4[%add3A_272] : memref<320000xi32, #tpu.memory_space<hbm>> -> memref<128xi32, #tpu.memory_space<hbm>>
        %dma_start3A_277 = tpu.memref_slice %arg12[%rem3A_269] : memref<3x!tpu.dma_semaphore, #tpu.memory_space<semaphore_mem>> -> memref<1x!tpu.dma_semaphore, #tpu.memory_space<semaphore_mem>>
        %dma_start3A_278 = tpu.memref_squeeze %dma_start3A_277 : memref<1x!tpu.dma_semaphore, #tpu.memory_space<semaphore_mem>> -> memref<!tpu.dma_semaphore, #tpu.memory_space<semaphore_mem>>
        %dma_start3A_279 = arith.constant 0 : i32
        %dma_start3A_280 = tpu.memref_slice %arg7[%rem3A_269, %dma_start3A_279] : memref<3x128xi32, #tpu.memory_space<vmem>> -> memref<1x128xi32, #tpu.memory_space<vmem>>
        %dma_start3A_281 = tpu.memref_squeeze %dma_start3A_280 : memref<1x128xi32, #tpu.memory_space<vmem>> -> memref<128xi32, #tpu.memory_space<vmem>>
        %dma_start3A_282 = tpu.memref_slice %arg4[%add3A_272] : memref<320000xi32, #tpu.memory_space<hbm>> -> memref<128xi32, #tpu.memory_space<hbm>>
        tpu.enqueue_dma source(%dma_start3A_282 : memref<128xi32, #tpu.memory_space<hbm>>) target(%dma_start3A_281 : memref<128xi32, #tpu.memory_space<vmem>>) target_semaphore(%dma_start3A_278 : memref<!tpu.dma_semaphore, #tpu.memory_space<semaphore_mem>>)
      } else {
      }
      %dma_wait3A_195 = arith.constant 0 : i32
      %dma_wait3A_196 = arith.constant 0 : i32
      %dma_wait3A_197 = tpu.memref_slice %arg8[%rem3A_180, %dma_wait3A_195, %dma_wait3A_196] : memref<3x128x128xf32, #tpu.memory_space<vmem>> -> memref<1x128x128xf32, #tpu.memory_space<vmem>>
      %dma_wait3A_198 = tpu.memref_squeeze %dma_wait3A_197 : memref<1x128x128xf32, #tpu.memory_space<vmem>> -> memref<128x128xf32, #tpu.memory_space<vmem>>
      %dma_wait3A_199 = arith.constant 0 : i32
      %dma_wait3A_200 = tpu.memref_slice %arg6[%rem3A_180, %dma_wait3A_199] : memref<3x128xi32, #tpu.memory_space<vmem>> -> memref<1x128xi32, #tpu.memory_space<vmem>>
      %dma_wait3A_201 = tpu.memref_squeeze %dma_wait3A_200 : memref<1x128xi32, #tpu.memory_space<vmem>> -> memref<128xi32, #tpu.memory_space<vmem>>
      %dma_wait3A_202 = arith.constant 0 : i32
      %dma_wait3A_203 = arith.constant 0 : i32
      %dma_wait3A_204 = tpu.memref_slice %arg2[%dma_wait3A_202, %dma_wait3A_203] : memref<10000x128xf32, #tpu.memory_space<hbm>> -> memref<10000x128xf32, #tpu.memory_space<hbm>>
      %dma_wait3A_205 = tpu.memref_slice %arg11[%rem3A_180] : memref<3x!tpu.dma_semaphore, #tpu.memory_space<semaphore_mem>> -> memref<1x!tpu.dma_semaphore, #tpu.memory_space<semaphore_mem>>
      %dma_wait3A_206 = tpu.memref_squeeze %dma_wait3A_205 : memref<1x!tpu.dma_semaphore, #tpu.memory_space<semaphore_mem>> -> memref<!tpu.dma_semaphore, #tpu.memory_space<semaphore_mem>>
      tpu.wait_indirect_dma semaphore(%dma_wait3A_206 : memref<!tpu.dma_semaphore, #tpu.memory_space<semaphore_mem>>) src(%dma_wait3A_204 : memref<10000x128xf32, #tpu.memory_space<hbm>>) dst(%dma_wait3A_198 : memref<128x128xf32, #tpu.memory_space<vmem>>)
      %mul3A_207 = arith.constant 128 : i32
      %mul3A_208 = arith.muli %while3A_177, %mul3A_207 : i32
      %add3A_209 = arith.addi %mul3A_40, %mul3A_208 : i32
      %dma_wait3A_210 = arith.constant 0 : i32
      %dma_wait3A_211 = tpu.memref_slice %arg7[%rem3A_180, %dma_wait3A_210] : memref<3x128xi32, #tpu.memory_space<vmem>> -> memref<1x128xi32, #tpu.memory_space<vmem>>
      %dma_wait3A_212 = tpu.memref_squeeze %dma_wait3A_211 : memref<1x128xi32, #tpu.memory_space<vmem>> -> memref<128xi32, #tpu.memory_space<vmem>>
      %dma_wait3A_213 = tpu.memref_slice %arg4[%add3A_209] : memref<320000xi32, #tpu.memory_space<hbm>> -> memref<128xi32, #tpu.memory_space<hbm>>
      %dma_wait3A_214 = tpu.memref_slice %arg12[%rem3A_180] : memref<3x!tpu.dma_semaphore, #tpu.memory_space<semaphore_mem>> -> memref<1x!tpu.dma_semaphore, #tpu.memory_space<semaphore_mem>>
      %dma_wait3A_215 = tpu.memref_squeeze %dma_wait3A_214 : memref<1x!tpu.dma_semaphore, #tpu.memory_space<semaphore_mem>> -> memref<!tpu.dma_semaphore, #tpu.memory_space<semaphore_mem>>
      %dma_wait3A_216 = arith.constant 0 : i32
      %dma_wait3A_217 = tpu.memref_slice %arg7[%rem3A_180, %dma_wait3A_216] : memref<3x128xi32, #tpu.memory_space<vmem>> -> memref<1x128xi32, #tpu.memory_space<vmem>>
      %dma_wait3A_218 = tpu.memref_squeeze %dma_wait3A_217 : memref<1x128xi32, #tpu.memory_space<vmem>> -> memref<128xi32, #tpu.memory_space<vmem>>
      %dma_wait3A_219 = tpu.memref_slice %arg4[%add3A_209] : memref<320000xi32, #tpu.memory_space<hbm>> -> memref<128xi32, #tpu.memory_space<hbm>>
      tpu.wait_dma2 semaphore(%dma_wait3A_215 : memref<!tpu.dma_semaphore, #tpu.memory_space<semaphore_mem>>) src(%dma_wait3A_219 : memref<128xi32, #tpu.memory_space<hbm>>) dst(%dma_wait3A_218 : memref<128xi32, #tpu.memory_space<vmem>>)
      %dma_start3A_220 = arith.constant 0 : i32
      %dma_start3A_221 = arith.constant 0 : i32
      %dma_start3A_222 = tpu.memref_slice %arg8[%rem3A_180, %dma_start3A_220, %dma_start3A_221] : memref<3x128x128xf32, #tpu.memory_space<vmem>> -> memref<1x128x128xf32, #tpu.memory_space<vmem>>
      %dma_start3A_223 = tpu.memref_squeeze %dma_start3A_222 : memref<1x128x128xf32, #tpu.memory_space<vmem>> -> memref<128x128xf32, #tpu.memory_space<vmem>>
      %dma_start3A_224 = arith.constant 0 : i32
      %dma_start3A_225 = tpu.memref_slice %arg7[%rem3A_180, %dma_start3A_224] : memref<3x128xi32, #tpu.memory_space<vmem>> -> memref<1x128xi32, #tpu.memory_space<vmem>>
      %dma_start3A_226 = tpu.memref_squeeze %dma_start3A_225 : memref<1x128xi32, #tpu.memory_space<vmem>> -> memref<128xi32, #tpu.memory_space<vmem>>
      %dma_start3A_227 = arith.constant 0 : i32
      %dma_start3A_228 = arith.constant 0 : i32
      %dma_start3A_229 = tpu.memref_slice %arg9[%dma_start3A_227, %dma_start3A_228] : memref<10000x128xf32, #tpu.memory_space<vmem_shared>> -> memref<10000x128xf32, #tpu.memory_space<vmem_shared>>
      %dma_start3A_230 = tpu.memref_slice %arg13[%rem3A_180] : memref<3x!tpu.dma_semaphore, #tpu.memory_space<semaphore_mem>> -> memref<1x!tpu.dma_semaphore, #tpu.memory_space<semaphore_mem>>
      %dma_start3A_231 = tpu.memref_squeeze %dma_start3A_230 : memref<1x!tpu.dma_semaphore, #tpu.memory_space<semaphore_mem>> -> memref<!tpu.dma_semaphore, #tpu.memory_space<semaphore_mem>>
      tpu.enqueue_indirect_dma source(%dma_start3A_223 : memref<128x128xf32, #tpu.memory_space<vmem>>) target(%dma_start3A_229 : memref<10000x128xf32, #tpu.memory_space<vmem_shared>>) offsets(%dma_start3A_226 : memref<128xi32, #tpu.memory_space<vmem>>) semaphore(%dma_start3A_231 : memref<!tpu.dma_semaphore, #tpu.memory_space<semaphore_mem>>) {add = true}
      %while3A_232 = arith.constant 0 : i32
      scf.yield %while3A_232 : i32
    }
    %sub3A = arith.constant 2 : i32
    %sub3A_133 = arith.subi %add3A_38, %sub3A : i32
    %rem3A_134 = arith.constant 3 : i32
    %rem3A_135 = arith.remsi %sub3A_133, %rem3A_134 : i32
    %dma_wait3A_136 = arith.constant 0 : i32
    %dma_wait3A_137 = arith.constant 0 : i32
    %dma_wait3A_138 = tpu.memref_slice %arg8[%rem3A_135, %dma_wait3A_136, %dma_wait3A_137] : memref<3x128x128xf32, #tpu.memory_space<vmem>> -> memref<1x128x128xf32, #tpu.memory_space<vmem>>
    %dma_wait3A_139 = tpu.memref_squeeze %dma_wait3A_138 : memref<1x128x128xf32, #tpu.memory_space<vmem>> -> memref<128x128xf32, #tpu.memory_space<vmem>>
    %dma_wait3A_140 = arith.constant 0 : i32
    %dma_wait3A_141 = tpu.memref_slice %arg7[%rem3A_135, %dma_wait3A_140] : memref<3x128xi32, #tpu.memory_space<vmem>> -> memref<1x128xi32, #tpu.memory_space<vmem>>
    %dma_wait3A_142 = tpu.memref_squeeze %dma_wait3A_141 : memref<1x128xi32, #tpu.memory_space<vmem>> -> memref<128xi32, #tpu.memory_space<vmem>>
    %dma_wait3A_143 = arith.constant 0 : i32
    %dma_wait3A_144 = arith.constant 0 : i32
    %dma_wait3A_145 = tpu.memref_slice %arg9[%dma_wait3A_143, %dma_wait3A_144] : memref<10000x128xf32, #tpu.memory_space<vmem_shared>> -> memref<10000x128xf32, #tpu.memory_space<vmem_shared>>
    %dma_wait3A_146 = tpu.memref_slice %arg13[%rem3A_135] : memref<3x!tpu.dma_semaphore, #tpu.memory_space<semaphore_mem>> -> memref<1x!tpu.dma_semaphore, #tpu.memory_space<semaphore_mem>>
    %dma_wait3A_147 = tpu.memref_squeeze %dma_wait3A_146 : memref<1x!tpu.dma_semaphore, #tpu.memory_space<semaphore_mem>> -> memref<!tpu.dma_semaphore, #tpu.memory_space<semaphore_mem>>
    tpu.wait_indirect_dma semaphore(%dma_wait3A_147 : memref<!tpu.dma_semaphore, #tpu.memory_space<semaphore_mem>>) src(%dma_wait3A_139 : memref<128x128xf32, #tpu.memory_space<vmem>>) dst(%dma_wait3A_145 : memref<10000x128xf32, #tpu.memory_space<vmem_shared>>)
    %sub3A_148 = arith.constant 1 : i32
    %sub3A_149 = arith.subi %add3A_38, %sub3A_148 : i32
    %rem3A_150 = arith.constant 3 : i32
    %rem3A_151 = arith.remsi %sub3A_149, %rem3A_150 : i32
    %dma_wait3A_152 = arith.constant 0 : i32
    %dma_wait3A_153 = arith.constant 0 : i32
    %dma_wait3A_154 = tpu.memref_slice %arg8[%rem3A_151, %dma_wait3A_152, %dma_wait3A_153] : memref<3x128x128xf32, #tpu.memory_space<vmem>> -> memref<1x128x128xf32, #tpu.memory_space<vmem>>
    %dma_wait3A_155 = tpu.memref_squeeze %dma_wait3A_154 : memref<1x128x128xf32, #tpu.memory_space<vmem>> -> memref<128x128xf32, #tpu.memory_space<vmem>>
    %dma_wait3A_156 = arith.constant 0 : i32
    %dma_wait3A_157 = tpu.memref_slice %arg7[%rem3A_151, %dma_wait3A_156] : memref<3x128xi32, #tpu.memory_space<vmem>> -> memref<1x128xi32, #tpu.memory_space<vmem>>
    %dma_wait3A_158 = tpu.memref_squeeze %dma_wait3A_157 : memref<1x128xi32, #tpu.memory_space<vmem>> -> memref<128xi32, #tpu.memory_space<vmem>>
    %dma_wait3A_159 = arith.constant 0 : i32
    %dma_wait3A_160 = arith.constant 0 : i32
    %dma_wait3A_161 = tpu.memref_slice %arg9[%dma_wait3A_159, %dma_wait3A_160] : memref<10000x128xf32, #tpu.memory_space<vmem_shared>> -> memref<10000x128xf32, #tpu.memory_space<vmem_shared>>
    %dma_wait3A_162 = tpu.memref_slice %arg13[%rem3A_151] : memref<3x!tpu.dma_semaphore, #tpu.memory_space<semaphore_mem>> -> memref<1x!tpu.dma_semaphore, #tpu.memory_space<semaphore_mem>>
    %dma_wait3A_163 = tpu.memref_squeeze %dma_wait3A_162 : memref<1x!tpu.dma_semaphore, #tpu.memory_space<semaphore_mem>> -> memref<!tpu.dma_semaphore, #tpu.memory_space<semaphore_mem>>
    tpu.wait_indirect_dma semaphore(%dma_wait3A_163 : memref<!tpu.dma_semaphore, #tpu.memory_space<semaphore_mem>>) src(%dma_wait3A_155 : memref<128x128xf32, #tpu.memory_space<vmem>>) dst(%dma_wait3A_161 : memref<10000x128xf32, #tpu.memory_space<vmem_shared>>)
    %barrier3A_164 = arith.constant 0 : index
    tpu.barrier barrier_id(%barrier3A_164)
    %while3A_165 = arith.constant 0 : i32
    %while3A_166 = arith.constant 0 : i32
    %while3A_167 = arith.subi %add3A_15, %while3A_165 : i32
    %while3A_168 = arith.addi %while3A_165, %while3A_167 : i32
    %while3A_169 = arith.constant 1 : i32
    %while3A_170 = arith.divsi %while3A_167, %while3A_169 : i32
    %while3A_171 = arith.muli %while3A_170, %while3A_169 : i32
    %while3A_172 = arith.addi %while3A_165, %while3A_171 : i32
    %while3A_173 = arith.constant 1 : i32
    %while3A_174 = scf.for %while3A_177 = %while3A_165 to %while3A_172 step %while3A_173 iter_args(%while3A_178 = %while3A_166) -> (i32)  : i32 {
      %add3A_179 = arith.addi %add3A_11, %while3A_177 : i32
      %mul3A_180 = arith.constant 8 : i32
      %mul3A_181 = arith.muli %add3A_179, %mul3A_180 : i32
      "tpu.region"() ({
        %run_scoped3A = tpu.sem_alloc : memref<!tpu.dma_semaphore, #tpu.memory_space<semaphore_mem>>
        %dma_start3A_183 = arith.constant 0 : i32
        %dma_start3A_184 = tpu.memref_slice %arg5[%arg0, %mul3A_181, %dma_start3A_183] : memref<2x10000x128xf32, #tpu.memory_space<hbm>> -> memref<1x8x128xf32, #tpu.memory_space<hbm>>
        %dma_start3A_185 = tpu.memref_squeeze %dma_start3A_184 : memref<1x8x128xf32, #tpu.memory_space<hbm>> -> memref<8x128xf32, #tpu.memory_space<hbm>>
        %dma_start3A_186 = arith.constant 0 : i32
        %dma_start3A_187 = tpu.memref_slice %arg9[%mul3A_181, %dma_start3A_186] : memref<10000x128xf32, #tpu.memory_space<vmem_shared>> -> memref<8x128xf32, #tpu.memory_space<vmem_shared>>
        tpu.enqueue_dma source(%dma_start3A_187 : memref<8x128xf32, #tpu.memory_space<vmem_shared>>) target(%dma_start3A_185 : memref<8x128xf32, #tpu.memory_space<hbm>>) target_semaphore(%run_scoped3A : memref<!tpu.dma_semaphore, #tpu.memory_space<semaphore_mem>>)
        %dma_wait3A_188 = arith.constant 0 : i32
        %dma_wait3A_189 = tpu.memref_slice %arg5[%arg0, %mul3A_181, %dma_wait3A_188] : memref<2x10000x128xf32, #tpu.memory_space<hbm>> -> memref<1x8x128xf32, #tpu.memory_space<hbm>>
        %dma_wait3A_190 = tpu.memref_squeeze %dma_wait3A_189 : memref<1x8x128xf32, #tpu.memory_space<hbm>> -> memref<8x128xf32, #tpu.memory_space<hbm>>
        %dma_wait3A_191 = arith.constant 0 : i32
        %dma_wait3A_192 = tpu.memref_slice %arg9[%mul3A_181, %dma_wait3A_191] : memref<10000x128xf32, #tpu.memory_space<vmem_shared>> -> memref<8x128xf32, #tpu.memory_space<vmem_shared>>
        tpu.wait_dma2 semaphore(%run_scoped3A : memref<!tpu.dma_semaphore, #tpu.memory_space<semaphore_mem>>) src(%dma_wait3A_192 : memref<8x128xf32, #tpu.memory_space<vmem_shared>>) dst(%dma_wait3A_190 : memref<8x128xf32, #tpu.memory_space<hbm>>)
        tpu.yield
      }) : () -> ()
      %while3A_182 = arith.constant 0 : i32
      scf.yield %while3A_182 : i32
    }
    %while3A_175 = arith.constant 1 : i32
    %while3A_176 = scf.for %while3A_177 = %while3A_172 to %while3A_168 step %while3A_175 iter_args(%while3A_178 = %while3A_174) -> (i32)  : i32 {
      %add3A_179 = arith.addi %add3A_11, %while3A_177 : i32
      %mul3A_180 = arith.constant 8 : i32
      %mul3A_181 = arith.muli %add3A_179, %mul3A_180 : i32
      "tpu.region"() ({
        %run_scoped3A = tpu.sem_alloc : memref<!tpu.dma_semaphore, #tpu.memory_space<semaphore_mem>>
        %dma_start3A_183 = arith.constant 0 : i32
        %dma_start3A_184 = tpu.memref_slice %arg5[%arg0, %mul3A_181, %dma_start3A_183] : memref<2x10000x128xf32, #tpu.memory_space<hbm>> -> memref<1x8x128xf32, #tpu.memory_space<hbm>>
        %dma_start3A_185 = tpu.memref_squeeze %dma_start3A_184 : memref<1x8x128xf32, #tpu.memory_space<hbm>> -> memref<8x128xf32, #tpu.memory_space<hbm>>
        %dma_start3A_186 = arith.constant 0 : i32
        %dma_start3A_187 = tpu.memref_slice %arg9[%mul3A_181, %dma_start3A_186] : memref<10000x128xf32, #tpu.memory_space<vmem_shared>> -> memref<8x128xf32, #tpu.memory_space<vmem_shared>>
        tpu.enqueue_dma source(%dma_start3A_187 : memref<8x128xf32, #tpu.memory_space<vmem_shared>>) target(%dma_start3A_185 : memref<8x128xf32, #tpu.memory_space<hbm>>) target_semaphore(%run_scoped3A : memref<!tpu.dma_semaphore, #tpu.memory_space<semaphore_mem>>)
        %dma_wait3A_188 = arith.constant 0 : i32
        %dma_wait3A_189 = tpu.memref_slice %arg5[%arg0, %mul3A_181, %dma_wait3A_188] : memref<2x10000x128xf32, #tpu.memory_space<hbm>> -> memref<1x8x128xf32, #tpu.memory_space<hbm>>
        %dma_wait3A_190 = tpu.memref_squeeze %dma_wait3A_189 : memref<1x8x128xf32, #tpu.memory_space<hbm>> -> memref<8x128xf32, #tpu.memory_space<hbm>>
        %dma_wait3A_191 = arith.constant 0 : i32
        %dma_wait3A_192 = tpu.memref_slice %arg9[%mul3A_181, %dma_wait3A_191] : memref<10000x128xf32, #tpu.memory_space<vmem_shared>> -> memref<8x128xf32, #tpu.memory_space<vmem_shared>>
        tpu.wait_dma2 semaphore(%run_scoped3A : memref<!tpu.dma_semaphore, #tpu.memory_space<semaphore_mem>>) src(%dma_wait3A_192 : memref<8x128xf32, #tpu.memory_space<vmem_shared>>) dst(%dma_wait3A_190 : memref<8x128xf32, #tpu.memory_space<hbm>>)
        tpu.yield
      }) : () -> ()
      %while3A_182 = arith.constant 0 : i32
      scf.yield %while3A_182 : i32
    }
    return
  }
}

#map = affine_map<(d0, d1) -> (0, 0)>
#map1 = affine_map<(d0, d1) -> (0)>
#map2 = affine_map<(d0, d1) -> (0, 0, 0)>
module attributes {stable_mosaic.version = 14 : i64} {
  func.func @sc_segment_sum(%arg0: i32, %arg1: i32, %arg2: memref<10000x128xf32, #tpu.memory_space<hbm>>, %arg3: memref<320000xi32, #tpu.memory_space<hbm>>, %arg4: memref<320000xi32, #tpu.memory_space<hbm>>, %arg5: memref<2x10000x128xf32, #tpu.memory_space<hbm>>, %arg6: memref<3x128xi32, #tpu.memory_space<vmem>>, %arg7: memref<3x128xi32, #tpu.memory_space<vmem>>, %arg8: memref<3x128x128xf32, #tpu.memory_space<vmem>>, %arg9: memref<10000x128xf32, #tpu.memory_space<vmem_shared>>, %arg10: memref<3x!tpu.dma_semaphore, #tpu.memory_space<semaphore_mem>>, %arg11: memref<3x!tpu.dma_semaphore, #tpu.memory_space<semaphore_mem>>, %arg12: memref<3x!tpu.dma_semaphore, #tpu.memory_space<semaphore_mem>>, %arg13: memref<3x!tpu.dma_semaphore, #tpu.memory_space<semaphore_mem>>) attributes {dimension_semantics = [#tpu.dimension_semantics<core_parallel>, #tpu.dimension_semantics<subcore_parallel>], iteration_bounds = array<i64: 2, 16>, scalar_prefetch = 0 : i64, scratch_operands = 8 : i64, tpu.core_type = #tpu.core_type<sc_vector_subcore>, window_params = [{transform_indices = #map}, {transform_indices = #map1}, {transform_indices = #map1}, {transform_indices = #map2}]} {
    %mul3A = arith.constant 2 : i32
    %mul3A_0 = arith.muli %arg1, %mul3A : i32
    %add3A = arith.addi %mul3A_0, %arg0 : i32
    %broadcast_in_dim3A = arith.constant 0.000000e+00 : f32
    %broadcast_in_dim3A_1 = vector.broadcast %broadcast_in_dim3A : f32 to vector<16xf32>
    %scan3A = arith.constant 0 : i32
    %scan3A_2 = arith.constant 0 : i32
    %scan3A_3 = arith.constant 128 : i32
    %scan3A_4 = arith.addi %scan3A_2, %scan3A_3 : i32
    %scan3A_5 = arith.constant 1 : i32
    %scan3A_6 = scf.for %scan3A_177 = %scan3A_2 to %scan3A_4 step %scan3A_5 iter_args(%scan3A_178 = %scan3A) -> (i32)  : i32 {
      %swap3A = arith.constant 0 : i32
      %swap3A_179 = arith.index_cast %swap3A : i32 to index
      %swap3A_180 = arith.index_cast %scan3A_177 : i32 to index
      %swap3A_181 = arith.constant 0 : index
      %swap3A_182 = tpu.vector_load %arg8[%swap3A_179, %swap3A_180, %swap3A_181] {strides = array<i32>} : memref<3x128x128xf32, #tpu.memory_space<vmem>>, vector<16xf32>,
      tpu.vector_store %arg8[%swap3A_179, %swap3A_180, %swap3A_181], %broadcast_in_dim3A_1 {strides = array<i32>} : memref<3x128x128xf32, #tpu.memory_space<vmem>>, vector<16xf32>,
      %swap3A_183 = arith.constant 0 : i32
      %swap3A_184 = arith.index_cast %swap3A_183 : i32 to index
      %swap3A_185 = arith.index_cast %scan3A_177 : i32 to index
      %swap3A_186 = arith.constant 16 : index
      %swap3A_187 = tpu.vector_load %arg8[%swap3A_184, %swap3A_185, %swap3A_186] {strides = array<i32>} : memref<3x128x128xf32, #tpu.memory_space<vmem>>, vector<16xf32>,
      tpu.vector_store %arg8[%swap3A_184, %swap3A_185, %swap3A_186], %broadcast_in_dim3A_1 {strides = array<i32>} : memref<3x128x128xf32, #tpu.memory_space<vmem>>, vector<16xf32>,
      %swap3A_188 = arith.constant 0 : i32
      %swap3A_189 = arith.index_cast %swap3A_188 : i32 to index
      %swap3A_190 = arith.index_cast %scan3A_177 : i32 to index
      %swap3A_191 = arith.constant 32 : index
      %swap3A_192 = tpu.vector_load %arg8[%swap3A_189, %swap3A_190, %swap3A_191] {strides = array<i32>} : memref<3x128x128xf32, #tpu.memory_space<vmem>>, vector<16xf32>,
      tpu.vector_store %arg8[%swap3A_189, %swap3A_190, %swap3A_191], %broadcast_in_dim3A_1 {strides = array<i32>} : memref<3x128x128xf32, #tpu.memory_space<vmem>>, vector<16xf32>,
      %swap3A_193 = arith.constant 0 : i32
      %swap3A_194 = arith.index_cast %swap3A_193 : i32 to index
      %swap3A_195 = arith.index_cast %scan3A_177 : i32 to index
      %swap3A_196 = arith.constant 48 : index
      %swap3A_197 = tpu.vector_load %arg8[%swap3A_194, %swap3A_195, %swap3A_196] {strides = array<i32>} : memref<3x128x128xf32, #tpu.memory_space<vmem>>, vector<16xf32>,
      tpu.vector_store %arg8[%swap3A_194, %swap3A_195, %swap3A_196], %broadcast_in_dim3A_1 {strides = array<i32>} : memref<3x128x128xf32, #tpu.memory_space<vmem>>, vector<16xf32>,
      %swap3A_198 = arith.constant 0 : i32
      %swap3A_199 = arith.index_cast %swap3A_198 : i32 to index
      %swap3A_200 = arith.index_cast %scan3A_177 : i32 to index
      %swap3A_201 = arith.constant 64 : index
      %swap3A_202 = tpu.vector_load %arg8[%swap3A_199, %swap3A_200, %swap3A_201] {strides = array<i32>} : memref<3x128x128xf32, #tpu.memory_space<vmem>>, vector<16xf32>,
      tpu.vector_store %arg8[%swap3A_199, %swap3A_200, %swap3A_201], %broadcast_in_dim3A_1 {strides = array<i32>} : memref<3x128x128xf32, #tpu.memory_space<vmem>>, vector<16xf32>,
      %swap3A_203 = arith.constant 0 : i32
      %swap3A_204 = arith.index_cast %swap3A_203 : i32 to index
      %swap3A_205 = arith.index_cast %scan3A_177 : i32 to index
      %swap3A_206 = arith.constant 80 : index
      %swap3A_207 = tpu.vector_load %arg8[%swap3A_204, %swap3A_205, %swap3A_206] {strides = array<i32>} : memref<3x128x128xf32, #tpu.memory_space<vmem>>, vector<16xf32>,
      tpu.vector_store %arg8[%swap3A_204, %swap3A_205, %swap3A_206], %broadcast_in_dim3A_1 {strides = array<i32>} : memref<3x128x128xf32, #tpu.memory_space<vmem>>, vector<16xf32>,
      %swap3A_208 = arith.constant 0 : i32
      %swap3A_209 = arith.index_cast %swap3A_208 : i32 to index
      %swap3A_210 = arith.index_cast %scan3A_177 : i32 to index
      %swap3A_211 = arith.constant 96 : index
      %swap3A_212 = tpu.vector_load %arg8[%swap3A_209, %swap3A_210, %swap3A_211] {strides = array<i32>} : memref<3x128x128xf32, #tpu.memory_space<vmem>>, vector<16xf32>,
      tpu.vector_store %arg8[%swap3A_209, %swap3A_210, %swap3A_211], %broadcast_in_dim3A_1 {strides = array<i32>} : memref<3x128x128xf32, #tpu.memory_space<vmem>>, vector<16xf32>,
      %swap3A_213 = arith.constant 0 : i32
      %swap3A_214 = arith.index_cast %swap3A_213 : i32 to index
      %swap3A_215 = arith.index_cast %scan3A_177 : i32 to index
      %swap3A_216 = arith.constant 112 : index
      %swap3A_217 = tpu.vector_load %arg8[%swap3A_214, %swap3A_215, %swap3A_216] {strides = array<i32>} : memref<3x128x128xf32, #tpu.memory_space<vmem>>, vector<16xf32>,
      tpu.vector_store %arg8[%swap3A_214, %swap3A_215, %swap3A_216], %broadcast_in_dim3A_1 {strides = array<i32>} : memref<3x128x128xf32, #tpu.memory_space<vmem>>, vector<16xf32>,
      %scan3A_218 = arith.constant 0 : i32
      scf.yield %scan3A_218 : i32
    }
    %scan3A_7 = arith.constant 128 : i32
    %mul3A_8 = arith.constant 78 : i32
    %mul3A_9 = arith.muli %arg1, %mul3A_8 : i32
    %min3A = arith.constant 2 : i32
    %min3A_10 = arith.minsi %arg1, %min3A : i32
    %add3A_11 = arith.addi %mul3A_9, %min3A_10 : i32
    %lt3A = arith.constant 2 : i32
    %lt3A_12 = arith.cmpi slt, %arg1, %lt3A : i32
    %jit3A = arith.constant 1 : i32
    %jit3A_13 = arith.constant 0 : i32
    %select_n3A = arith.select %lt3A_12, %jit3A, %jit3A_13 : i32
    %add3A_14 = arith.constant 78 : i32
    %add3A_15 = arith.addi %add3A_14, %select_n3A : i32
    %while3A = arith.constant 0 : i32
    %while3A_16 = arith.constant 0 : i32
    %while3A_17 = arith.subi %add3A_15, %while3A : i32
    %while3A_18 = arith.addi %while3A, %while3A_17 : i32
    %while3A_19 = arith.constant 1 : i32
    %while3A_20 = arith.divsi %while3A_17, %while3A_19 : i32
    %while3A_21 = arith.muli %while3A_20, %while3A_19 : i32
    %while3A_22 = arith.addi %while3A, %while3A_21 : i32
    %while3A_23 = arith.constant 1 : i32
    %while3A_24 = scf.for %while3A_177 = %while3A to %while3A_22 step %while3A_23 iter_args(%while3A_178 = %while3A_16) -> (i32)  : i32 {
      %add3A_179 = arith.addi %add3A_11, %while3A_177 : i32
      %mul3A_180 = arith.constant 8 : i32
      %mul3A_181 = arith.muli %add3A_179, %mul3A_180 : i32
      %run_scoped3A = arith.constant 0 : i32
      "tpu.region"() ({
        %run_scoped3A_183 = tpu.sem_alloc : memref<!tpu.dma_semaphore, #tpu.memory_space<semaphore_mem>>
        %dma_start3A_184 = arith.constant 0 : i32
        %dma_start3A_185 = arith.constant 0 : i32
        %dma_start3A_186 = tpu.memref_slice %arg8[%run_scoped3A, %dma_start3A_184, %dma_start3A_185] : memref<3x128x128xf32, #tpu.memory_space<vmem>> -> memref<1x8x128xf32, #tpu.memory_space<vmem>>
        %dma_start3A_187 = tpu.memref_squeeze %dma_start3A_186 : memref<1x8x128xf32, #tpu.memory_space<vmem>> -> memref<8x128xf32, #tpu.memory_space<vmem>>
        %dma_start3A_188 = arith.constant 0 : i32
        %dma_start3A_189 = tpu.memref_slice %arg9[%mul3A_181, %dma_start3A_188] : memref<10000x128xf32, #tpu.memory_space<vmem_shared>> -> memref<8x128xf32, #tpu.memory_space<vmem_shared>>
        %dma_start3A_190 = arith.constant 0 : i32
        %dma_start3A_191 = tpu.memref_slice %arg9[%mul3A_181, %dma_start3A_190] : memref<10000x128xf32, #tpu.memory_space<vmem_shared>> -> memref<8x128xf32, #tpu.memory_space<vmem_shared>>
        %dma_start3A_192 = arith.constant 0 : i32
        %dma_start3A_193 = arith.constant 0 : i32
        %dma_start3A_194 = tpu.memref_slice %arg8[%run_scoped3A, %dma_start3A_192, %dma_start3A_193] : memref<3x128x128xf32, #tpu.memory_space<vmem>> -> memref<1x8x128xf32, #tpu.memory_space<vmem>>
        %dma_start3A_195 = tpu.memref_squeeze %dma_start3A_194 : memref<1x8x128xf32, #tpu.memory_space<vmem>> -> memref<8x128xf32, #tpu.memory_space<vmem>>
        tpu.enqueue_dma source(%dma_start3A_195 : memref<8x128xf32, #tpu.memory_space<vmem>>) target(%dma_start3A_191 : memref<8x128xf32, #tpu.memory_space<vmem_shared>>) target_semaphore(%run_scoped3A_183 : memref<!tpu.dma_semaphore, #tpu.memory_space<semaphore_mem>>)
        %dma_wait3A_196 = arith.constant 0 : i32
        %dma_wait3A_197 = arith.constant 0 : i32
        %dma_wait3A_198 = tpu.memref_slice %arg8[%run_scoped3A, %dma_wait3A_196, %dma_wait3A_197] : memref<3x128x128xf32, #tpu.memory_space<vmem>> -> memref<1x8x128xf32, #tpu.memory_space<vmem>>
        %dma_wait3A_199 = tpu.memref_squeeze %dma_wait3A_198 : memref<1x8x128xf32, #tpu.memory_space<vmem>> -> memref<8x128xf32, #tpu.memory_space<vmem>>
        %dma_wait3A_200 = arith.constant 0 : i32
        %dma_wait3A_201 = tpu.memref_slice %arg9[%mul3A_181, %dma_wait3A_200] : memref<10000x128xf32, #tpu.memory_space<vmem_shared>> -> memref<8x128xf32, #tpu.memory_space<vmem_shared>>
        %dma_wait3A_202 = arith.constant 0 : i32
        %dma_wait3A_203 = tpu.memref_slice %arg9[%mul3A_181, %dma_wait3A_202] : memref<10000x128xf32, #tpu.memory_space<vmem_shared>> -> memref<8x128xf32, #tpu.memory_space<vmem_shared>>
        %dma_wait3A_204 = arith.constant 0 : i32
        %dma_wait3A_205 = arith.constant 0 : i32
        %dma_wait3A_206 = tpu.memref_slice %arg8[%run_scoped3A, %dma_wait3A_204, %dma_wait3A_205] : memref<3x128x128xf32, #tpu.memory_space<vmem>> -> memref<1x8x128xf32, #tpu.memory_space<vmem>>
        %dma_wait3A_207 = tpu.memref_squeeze %dma_wait3A_206 : memref<1x8x128xf32, #tpu.memory_space<vmem>> -> memref<8x128xf32, #tpu.memory_space<vmem>>
        tpu.wait_dma2 semaphore(%run_scoped3A_183 : memref<!tpu.dma_semaphore, #tpu.memory_space<semaphore_mem>>) src(%dma_wait3A_207 : memref<8x128xf32, #tpu.memory_space<vmem>>) dst(%dma_wait3A_203 : memref<8x128xf32, #tpu.memory_space<vmem_shared>>)
        tpu.yield
      }) : () -> ()
      %while3A_182 = arith.constant 0 : i32
      scf.yield %while3A_182 : i32
    }
    %while3A_25 = arith.constant 1 : i32
    %while3A_26 = scf.for %while3A_177 = %while3A_22 to %while3A_18 step %while3A_25 iter_args(%while3A_178 = %while3A_24) -> (i32)  : i32 {
      %add3A_179 = arith.addi %add3A_11, %while3A_177 : i32
      %mul3A_180 = arith.constant 8 : i32
      %mul3A_181 = arith.muli %add3A_179, %mul3A_180 : i32
      %run_scoped3A = arith.constant 0 : i32
      "tpu.region"() ({
        %run_scoped3A_183 = tpu.sem_alloc : memref<!tpu.dma_semaphore, #tpu.memory_space<semaphore_mem>>
        %dma_start3A_184 = arith.constant 0 : i32
        %dma_start3A_185 = arith.constant 0 : i32
        %dma_start3A_186 = tpu.memref_slice %arg8[%run_scoped3A, %dma_start3A_184, %dma_start3A_185] : memref<3x128x128xf32, #tpu.memory_space<vmem>> -> memref<1x8x128xf32, #tpu.memory_space<vmem>>
        %dma_start3A_187 = tpu.memref_squeeze %dma_start3A_186 : memref<1x8x128xf32, #tpu.memory_space<vmem>> -> memref<8x128xf32, #tpu.memory_space<vmem>>
        %dma_start3A_188 = arith.constant 0 : i32
        %dma_start3A_189 = tpu.memref_slice %arg9[%mul3A_181, %dma_start3A_188] : memref<10000x128xf32, #tpu.memory_space<vmem_shared>> -> memref<8x128xf32, #tpu.memory_space<vmem_shared>>
        %dma_start3A_190 = arith.constant 0 : i32
        %dma_start3A_191 = tpu.memref_slice %arg9[%mul3A_181, %dma_start3A_190] : memref<10000x128xf32, #tpu.memory_space<vmem_shared>> -> memref<8x128xf32, #tpu.memory_space<vmem_shared>>
        %dma_start3A_192 = arith.constant 0 : i32
        %dma_start3A_193 = arith.constant 0 : i32
        %dma_start3A_194 = tpu.memref_slice %arg8[%run_scoped3A, %dma_start3A_192, %dma_start3A_193] : memref<3x128x128xf32, #tpu.memory_space<vmem>> -> memref<1x8x128xf32, #tpu.memory_space<vmem>>
        %dma_start3A_195 = tpu.memref_squeeze %dma_start3A_194 : memref<1x8x128xf32, #tpu.memory_space<vmem>> -> memref<8x128xf32, #tpu.memory_space<vmem>>
        tpu.enqueue_dma source(%dma_start3A_195 : memref<8x128xf32, #tpu.memory_space<vmem>>) target(%dma_start3A_191 : memref<8x128xf32, #tpu.memory_space<vmem_shared>>) target_semaphore(%run_scoped3A_183 : memref<!tpu.dma_semaphore, #tpu.memory_space<semaphore_mem>>)
        %dma_wait3A_196 = arith.constant 0 : i32
        %dma_wait3A_197 = arith.constant 0 : i32
        %dma_wait3A_198 = tpu.memref_slice %arg8[%run_scoped3A, %dma_wait3A_196, %dma_wait3A_197] : memref<3x128x128xf32, #tpu.memory_space<vmem>> -> memref<1x8x128xf32, #tpu.memory_space<vmem>>
        %dma_wait3A_199 = tpu.memref_squeeze %dma_wait3A_198 : memref<1x8x128xf32, #tpu.memory_space<vmem>> -> memref<8x128xf32, #tpu.memory_space<vmem>>
        %dma_wait3A_200 = arith.constant 0 : i32
        %dma_wait3A_201 = tpu.memref_slice %arg9[%mul3A_181, %dma_wait3A_200] : memref<10000x128xf32, #tpu.memory_space<vmem_shared>> -> memref<8x128xf32, #tpu.memory_space<vmem_shared>>
        %dma_wait3A_202 = arith.constant 0 : i32
        %dma_wait3A_203 = tpu.memref_slice %arg9[%mul3A_181, %dma_wait3A_202] : memref<10000x128xf32, #tpu.memory_space<vmem_shared>> -> memref<8x128xf32, #tpu.memory_space<vmem_shared>>
        %dma_wait3A_204 = arith.constant 0 : i32
        %dma_wait3A_205 = arith.constant 0 : i32
        %dma_wait3A_206 = tpu.memref_slice %arg8[%run_scoped3A, %dma_wait3A_204, %dma_wait3A_205] : memref<3x128x128xf32, #tpu.memory_space<vmem>> -> memref<1x8x128xf32, #tpu.memory_space<vmem>>
        %dma_wait3A_207 = tpu.memref_squeeze %dma_wait3A_206 : memref<1x8x128xf32, #tpu.memory_space<vmem>> -> memref<8x128xf32, #tpu.memory_space<vmem>>
        tpu.wait_dma2 semaphore(%run_scoped3A_183 : memref<!tpu.dma_semaphore, #tpu.memory_space<semaphore_mem>>) src(%dma_wait3A_207 : memref<8x128xf32, #tpu.memory_space<vmem>>) dst(%dma_wait3A_203 : memref<8x128xf32, #tpu.memory_space<vmem_shared>>)
        tpu.yield
      }) : () -> ()
      %while3A_182 = arith.constant 0 : i32
      scf.yield %while3A_182 : i32
    }
    %barrier3A = arith.constant 0 : index
    tpu.barrier barrier_id(%barrier3A)
    %mul3A_27 = arith.constant 78 : i32
    %mul3A_28 = arith.muli %add3A, %mul3A_27 : i32
    %min3A_29 = arith.constant 4 : i32
    %min3A_30 = arith.minsi %add3A, %min3A_29 : i32
    %add3A_31 = arith.addi %mul3A_28, %min3A_30 : i32
    %lt3A_32 = arith.constant 4 : i32
    %lt3A_33 = arith.cmpi slt, %add3A, %lt3A_32 : i32
    %jit3A_34 = arith.constant 1 : i32
    %jit3A_35 = arith.constant 0 : i32
    %select_n3A_36 = arith.select %lt3A_33, %jit3A_34, %jit3A_35 : i32
    %add3A_37 = arith.constant 78 : i32
    %add3A_38 = arith.addi %add3A_37, %select_n3A_36 : i32
    %mul3A_39 = arith.constant 128 : i32
    %mul3A_40 = arith.muli %add3A_31, %mul3A_39 : i32
    %rem3A = arith.constant 0 : i32
    %rem3A_41 = arith.constant 3 : i32
    %rem3A_42 = arith.remsi %rem3A, %rem3A_41 : i32
    %mul3A_43 = arith.constant 0 : i32
    %mul3A_44 = arith.constant 128 : i32
    %mul3A_45 = arith.muli %mul3A_43, %mul3A_44 : i32
    %add3A_46 = arith.addi %mul3A_40, %mul3A_45 : i32
    %dma_start3A = arith.constant 0 : i32
    %dma_start3A_47 = tpu.memref_slice %arg6[%rem3A_42, %dma_start3A] : memref<3x128xi32, #tpu.memory_space<vmem>> -> memref<1x128xi32, #tpu.memory_space<vmem>>
    %dma_start3A_48 = tpu.memref_squeeze %dma_start3A_47 : memref<1x128xi32, #tpu.memory_space<vmem>> -> memref<128xi32, #tpu.memory_space<vmem>>
    %dma_start3A_49 = tpu.memref_slice %arg3[%add3A_46] : memref<320000xi32, #tpu.memory_space<hbm>> -> memref<128xi32, #tpu.memory_space<hbm>>
    %dma_start3A_50 = tpu.memref_slice %arg10[%rem3A_42] : memref<3x!tpu.dma_semaphore, #tpu.memory_space<semaphore_mem>> -> memref<1x!tpu.dma_semaphore, #tpu.memory_space<semaphore_mem>>
    %dma_start3A_51 = tpu.memref_squeeze %dma_start3A_50 : memref<1x!tpu.dma_semaphore, #tpu.memory_space<semaphore_mem>> -> memref<!tpu.dma_semaphore, #tpu.memory_space<semaphore_mem>>
    %dma_start3A_52 = arith.constant 0 : i32
    %dma_start3A_53 = tpu.memref_slice %arg6[%rem3A_42, %dma_start3A_52] : memref<3x128xi32, #tpu.memory_space<vmem>> -> memref<1x128xi32, #tpu.memory_space<vmem>>
    %dma_start3A_54 = tpu.memref_squeeze %dma_start3A_53 : memref<1x128xi32, #tpu.memory_space<vmem>> -> memref<128xi32, #tpu.memory_space<vmem>>
    %dma_start3A_55 = tpu.memref_slice %arg3[%add3A_46] : memref<320000xi32, #tpu.memory_space<hbm>> -> memref<128xi32, #tpu.memory_space<hbm>>
    tpu.enqueue_dma source(%dma_start3A_55 : memref<128xi32, #tpu.memory_space<hbm>>) target(%dma_start3A_54 : memref<128xi32, #tpu.memory_space<vmem>>) target_semaphore(%dma_start3A_51 : memref<!tpu.dma_semaphore, #tpu.memory_space<semaphore_mem>>)
    %rem3A_56 = arith.constant 1 : i32
    %rem3A_57 = arith.constant 3 : i32
    %rem3A_58 = arith.remsi %rem3A_56, %rem3A_57 : i32
    %mul3A_59 = arith.constant 1 : i32
    %mul3A_60 = arith.constant 128 : i32
    %mul3A_61 = arith.muli %mul3A_59, %mul3A_60 : i32
    %add3A_62 = arith.addi %mul3A_40, %mul3A_61 : i32
    %dma_start3A_63 = arith.constant 0 : i32
    %dma_start3A_64 = tpu.memref_slice %arg6[%rem3A_58, %dma_start3A_63] : memref<3x128xi32, #tpu.memory_space<vmem>> -> memref<1x128xi32, #tpu.memory_space<vmem>>
    %dma_start3A_65 = tpu.memref_squeeze %dma_start3A_64 : memref<1x128xi32, #tpu.memory_space<vmem>> -> memref<128xi32, #tpu.memory_space<vmem>>
    %dma_start3A_66 = tpu.memref_slice %arg3[%add3A_62] : memref<320000xi32, #tpu.memory_space<hbm>> -> memref<128xi32, #tpu.memory_space<hbm>>
    %dma_start3A_67 = tpu.memref_slice %arg10[%rem3A_58] : memref<3x!tpu.dma_semaphore, #tpu.memory_space<semaphore_mem>> -> memref<1x!tpu.dma_semaphore, #tpu.memory_space<semaphore_mem>>
    %dma_start3A_68 = tpu.memref_squeeze %dma_start3A_67 : memref<1x!tpu.dma_semaphore, #tpu.memory_space<semaphore_mem>> -> memref<!tpu.dma_semaphore, #tpu.memory_space<semaphore_mem>>
    %dma_start3A_69 = arith.constant 0 : i32
    %dma_start3A_70 = tpu.memref_slice %arg6[%rem3A_58, %dma_start3A_69] : memref<3x128xi32, #tpu.memory_space<vmem>> -> memref<1x128xi32, #tpu.memory_space<vmem>>
    %dma_start3A_71 = tpu.memref_squeeze %dma_start3A_70 : memref<1x128xi32, #tpu.memory_space<vmem>> -> memref<128xi32, #tpu.memory_space<vmem>>
    %dma_start3A_72 = tpu.memref_slice %arg3[%add3A_62] : memref<320000xi32, #tpu.memory_space<hbm>> -> memref<128xi32, #tpu.memory_space<hbm>>
    tpu.enqueue_dma source(%dma_start3A_72 : memref<128xi32, #tpu.memory_space<hbm>>) target(%dma_start3A_71 : memref<128xi32, #tpu.memory_space<vmem>>) target_semaphore(%dma_start3A_68 : memref<!tpu.dma_semaphore, #tpu.memory_space<semaphore_mem>>)
    %rem3A_73 = arith.constant 0 : i32
    %rem3A_74 = arith.constant 3 : i32
    %rem3A_75 = arith.remsi %rem3A_73, %rem3A_74 : i32
    %mul3A_76 = arith.constant 0 : i32
    %mul3A_77 = arith.constant 128 : i32
    %mul3A_78 = arith.muli %mul3A_76, %mul3A_77 : i32
    %add3A_79 = arith.addi %mul3A_40, %mul3A_78 : i32
    %dma_start3A_80 = arith.constant 0 : i32
    %dma_start3A_81 = tpu.memref_slice %arg7[%rem3A_75, %dma_start3A_80] : memref<3x128xi32, #tpu.memory_space<vmem>> -> memref<1x128xi32, #tpu.memory_space<vmem>>
    %dma_start3A_82 = tpu.memref_squeeze %dma_start3A_81 : memref<1x128xi32, #tpu.memory_space<vmem>> -> memref<128xi32, #tpu.memory_space<vmem>>
    %dma_start3A_83 = tpu.memref_slice %arg4[%add3A_79] : memref<320000xi32, #tpu.memory_space<hbm>> -> memref<128xi32, #tpu.memory_space<hbm>>
    %dma_start3A_84 = tpu.memref_slice %arg12[%rem3A_75] : memref<3x!tpu.dma_semaphore, #tpu.memory_space<semaphore_mem>> -> memref<1x!tpu.dma_semaphore, #tpu.memory_space<semaphore_mem>>
    %dma_start3A_85 = tpu.memref_squeeze %dma_start3A_84 : memref<1x!tpu.dma_semaphore, #tpu.memory_space<semaphore_mem>> -> memref<!tpu.dma_semaphore, #tpu.memory_space<semaphore_mem>>
    %dma_start3A_86 = arith.constant 0 : i32
    %dma_start3A_87 = tpu.memref_slice %arg7[%rem3A_75, %dma_start3A_86] : memref<3x128xi32, #tpu.memory_space<vmem>> -> memref<1x128xi32, #tpu.memory_space<vmem>>
    %dma_start3A_88 = tpu.memref_squeeze %dma_start3A_87 : memref<1x128xi32, #tpu.memory_space<vmem>> -> memref<128xi32, #tpu.memory_space<vmem>>
    %dma_start3A_89 = tpu.memref_slice %arg4[%add3A_79] : memref<320000xi32, #tpu.memory_space<hbm>> -> memref<128xi32, #tpu.memory_space<hbm>>
    tpu.enqueue_dma source(%dma_start3A_89 : memref<128xi32, #tpu.memory_space<hbm>>) target(%dma_start3A_88 : memref<128xi32, #tpu.memory_space<vmem>>) target_semaphore(%dma_start3A_85 : memref<!tpu.dma_semaphore, #tpu.memory_space<semaphore_mem>>)
    %rem3A_90 = arith.constant 0 : i32
    %rem3A_91 = arith.constant 3 : i32
    %rem3A_92 = arith.remsi %rem3A_90, %rem3A_91 : i32
    %mul3A_93 = arith.constant 0 : i32
    %mul3A_94 = arith.constant 128 : i32
    %mul3A_95 = arith.muli %mul3A_93, %mul3A_94 : i32
    %add3A_96 = arith.addi %mul3A_40, %mul3A_95 : i32
    %dma_wait3A = arith.constant 0 : i32
    %dma_wait3A_97 = tpu.memref_slice %arg6[%rem3A_92, %dma_wait3A] : memref<3x128xi32, #tpu.memory_space<vmem>> -> memref<1x128xi32, #tpu.memory_space<vmem>>
    %dma_wait3A_98 = tpu.memref_squeeze %dma_wait3A_97 : memref<1x128xi32, #tpu.memory_space<vmem>> -> memref<128xi32, #tpu.memory_space<vmem>>
    %dma_wait3A_99 = tpu.memref_slice %arg3[%add3A_96] : memref<320000xi32, #tpu.memory_space<hbm>> -> memref<128xi32, #tpu.memory_space<hbm>>
    %dma_wait3A_100 = tpu.memref_slice %arg10[%rem3A_92] : memref<3x!tpu.dma_semaphore, #tpu.memory_space<semaphore_mem>> -> memref<1x!tpu.dma_semaphore, #tpu.memory_space<semaphore_mem>>
    %dma_wait3A_101 = tpu.memref_squeeze %dma_wait3A_100 : memref<1x!tpu.dma_semaphore, #tpu.memory_space<semaphore_mem>> -> memref<!tpu.dma_semaphore, #tpu.memory_space<semaphore_mem>>
    %dma_wait3A_102 = arith.constant 0 : i32
    %dma_wait3A_103 = tpu.memref_slice %arg6[%rem3A_92, %dma_wait3A_102] : memref<3x128xi32, #tpu.memory_space<vmem>> -> memref<1x128xi32, #tpu.memory_space<vmem>>
    %dma_wait3A_104 = tpu.memref_squeeze %dma_wait3A_103 : memref<1x128xi32, #tpu.memory_space<vmem>> -> memref<128xi32, #tpu.memory_space<vmem>>
    %dma_wait3A_105 = tpu.memref_slice %arg3[%add3A_96] : memref<320000xi32, #tpu.memory_space<hbm>> -> memref<128xi32, #tpu.memory_space<hbm>>
    tpu.wait_dma2 semaphore(%dma_wait3A_101 : memref<!tpu.dma_semaphore, #tpu.memory_space<semaphore_mem>>) src(%dma_wait3A_105 : memref<128xi32, #tpu.memory_space<hbm>>) dst(%dma_wait3A_104 : memref<128xi32, #tpu.memory_space<vmem>>)
    %rem3A_106 = arith.constant 0 : i32
    %rem3A_107 = arith.constant 3 : i32
    %rem3A_108 = arith.remsi %rem3A_106, %rem3A_107 : i32
    %dma_start3A_109 = arith.constant 0 : i32
    %dma_start3A_110 = arith.constant 0 : i32
    %dma_start3A_111 = tpu.memref_slice %arg8[%rem3A_108, %dma_start3A_109, %dma_start3A_110] : memref<3x128x128xf32, #tpu.memory_space<vmem>> -> memref<1x128x128xf32, #tpu.memory_space<vmem>>
    %dma_start3A_112 = tpu.memref_squeeze %dma_start3A_111 : memref<1x128x128xf32, #tpu.memory_space<vmem>> -> memref<128x128xf32, #tpu.memory_space<vmem>>
    %dma_start3A_113 = arith.constant 0 : i32
    %dma_start3A_114 = tpu.memref_slice %arg6[%rem3A_108, %dma_start3A_113] : memref<3x128xi32, #tpu.memory_space<vmem>> -> memref<1x128xi32, #tpu.memory_space<vmem>>
    %dma_start3A_115 = tpu.memref_squeeze %dma_start3A_114 : memref<1x128xi32, #tpu.memory_space<vmem>> -> memref<128xi32, #tpu.memory_space<vmem>>
    %dma_start3A_116 = arith.constant 0 : i32
    %dma_start3A_117 = arith.constant 0 : i32
    %dma_start3A_118 = tpu.memref_slice %arg2[%dma_start3A_116, %dma_start3A_117] : memref<10000x128xf32, #tpu.memory_space<hbm>> -> memref<10000x128xf32, #tpu.memory_space<hbm>>
    %dma_start3A_119 = tpu.memref_slice %arg11[%rem3A_108] : memref<3x!tpu.dma_semaphore, #tpu.memory_space<semaphore_mem>> -> memref<1x!tpu.dma_semaphore, #tpu.memory_space<semaphore_mem>>
    %dma_start3A_120 = tpu.memref_squeeze %dma_start3A_119 : memref<1x!tpu.dma_semaphore, #tpu.memory_space<semaphore_mem>> -> memref<!tpu.dma_semaphore, #tpu.memory_space<semaphore_mem>>
    tpu.enqueue_indirect_dma source(%dma_start3A_118 : memref<10000x128xf32, #tpu.memory_space<hbm>>) target(%dma_start3A_112 : memref<128x128xf32, #tpu.memory_space<vmem>>) offsets(%dma_start3A_115 : memref<128xi32, #tpu.memory_space<vmem>>) semaphore(%dma_start3A_120 : memref<!tpu.dma_semaphore, #tpu.memory_space<semaphore_mem>>)
    %while3A_121 = arith.constant 0 : i32
    %while3A_122 = arith.constant 0 : i32
    %while3A_123 = arith.subi %add3A_38, %while3A_121 : i32
    %while3A_124 = arith.addi %while3A_121, %while3A_123 : i32
    %while3A_125 = arith.constant 1 : i32
    %while3A_126 = arith.divsi %while3A_123, %while3A_125 : i32
    %while3A_127 = arith.muli %while3A_126, %while3A_125 : i32
    %while3A_128 = arith.addi %while3A_121, %while3A_127 : i32
    %while3A_129 = arith.constant 1 : i32
    %while3A_130 = scf.for %while3A_177 = %while3A_121 to %while3A_128 step %while3A_129 iter_args(%while3A_178 = %while3A_122) -> (i32)  : i32 {
      %rem3A_179 = arith.constant 3 : i32
      %rem3A_180 = arith.remsi %while3A_177, %rem3A_179 : i32
      %ge3A = arith.constant 2 : i32
      %ge3A_181 = arith.cmpi sge, %while3A_177, %ge3A : i32
      %convert_element_type3A = arith.extui %ge3A_181 : i1 to i32
      %cond3A = arith.constant 0 : i32
      %cond3A_182 = arith.cmpi ne, %convert_element_type3A, %cond3A : i32
      scf.if %cond3A_182 {
        %sub3A_233 = arith.constant 2 : i32
        %sub3A_234 = arith.subi %while3A_177, %sub3A_233 : i32
        %rem3A_235 = arith.constant 3 : i32
        %rem3A_236 = arith.remsi %sub3A_234, %rem3A_235 : i32
        %dma_wait3A_237 = arith.constant 0 : i32
        %dma_wait3A_238 = arith.constant 0 : i32
        %dma_wait3A_239 = tpu.memref_slice %arg8[%rem3A_236, %dma_wait3A_237, %dma_wait3A_238] : memref<3x128x128xf32, #tpu.memory_space<vmem>> -> memref<1x128x128xf32, #tpu.memory_space<vmem>>
        %dma_wait3A_240 = tpu.memref_squeeze %dma_wait3A_239 : memref<1x128x128xf32, #tpu.memory_space<vmem>> -> memref<128x128xf32, #tpu.memory_space<vmem>>
        %dma_wait3A_241 = arith.constant 0 : i32
        %dma_wait3A_242 = tpu.memref_slice %arg7[%rem3A_236, %dma_wait3A_241] : memref<3x128xi32, #tpu.memory_space<vmem>> -> memref<1x128xi32, #tpu.memory_space<vmem>>
        %dma_wait3A_243 = tpu.memref_squeeze %dma_wait3A_242 : memref<1x128xi32, #tpu.memory_space<vmem>> -> memref<128xi32, #tpu.memory_space<vmem>>
        %dma_wait3A_244 = arith.constant 0 : i32
        %dma_wait3A_245 = arith.constant 0 : i32
        %dma_wait3A_246 = tpu.memref_slice %arg9[%dma_wait3A_244, %dma_wait3A_245] : memref<10000x128xf32, #tpu.memory_space<vmem_shared>> -> memref<10000x128xf32, #tpu.memory_space<vmem_shared>>
        %dma_wait3A_247 = tpu.memref_slice %arg13[%rem3A_236] : memref<3x!tpu.dma_semaphore, #tpu.memory_space<semaphore_mem>> -> memref<1x!tpu.dma_semaphore, #tpu.memory_space<semaphore_mem>>
        %dma_wait3A_248 = tpu.memref_squeeze %dma_wait3A_247 : memref<1x!tpu.dma_semaphore, #tpu.memory_space<semaphore_mem>> -> memref<!tpu.dma_semaphore, #tpu.memory_space<semaphore_mem>>
        tpu.wait_indirect_dma semaphore(%dma_wait3A_248 : memref<!tpu.dma_semaphore, #tpu.memory_space<semaphore_mem>>) src(%dma_wait3A_240 : memref<128x128xf32, #tpu.memory_space<vmem>>) dst(%dma_wait3A_246 : memref<10000x128xf32, #tpu.memory_space<vmem_shared>>)
      } else {
      }
      %add3A_183 = arith.constant 2 : i32
      %add3A_184 = arith.addi %while3A_177, %add3A_183 : i32
      %lt3A_185 = arith.cmpi slt, %add3A_184, %add3A_38 : i32
      %convert_element_type3A_186 = arith.extui %lt3A_185 : i1 to i32
      %cond3A_187 = arith.constant 0 : i32
      %cond3A_188 = arith.cmpi ne, %convert_element_type3A_186, %cond3A_187 : i32
      scf.if %cond3A_188 {
        %add3A_233 = arith.constant 2 : i32
        %add3A_234 = arith.addi %while3A_177, %add3A_233 : i32
        %rem3A_235 = arith.constant 3 : i32
        %rem3A_236 = arith.remsi %add3A_234, %rem3A_235 : i32
        %mul3A_237 = arith.constant 128 : i32
        %mul3A_238 = arith.muli %add3A_234, %mul3A_237 : i32
        %add3A_239 = arith.addi %mul3A_40, %mul3A_238 : i32
        %dma_start3A_240 = arith.constant 0 : i32
        %dma_start3A_241 = tpu.memref_slice %arg6[%rem3A_236, %dma_start3A_240] : memref<3x128xi32, #tpu.memory_space<vmem>> -> memref<1x128xi32, #tpu.memory_space<vmem>>
        %dma_start3A_242 = tpu.memref_squeeze %dma_start3A_241 : memref<1x128xi32, #tpu.memory_space<vmem>> -> memref<128xi32, #tpu.memory_space<vmem>>
        %dma_start3A_243 = tpu.memref_slice %arg3[%add3A_239] : memref<320000xi32, #tpu.memory_space<hbm>> -> memref<128xi32, #tpu.memory_space<hbm>>
        %dma_start3A_244 = tpu.memref_slice %arg10[%rem3A_236] : memref<3x!tpu.dma_semaphore, #tpu.memory_space<semaphore_mem>> -> memref<1x!tpu.dma_semaphore, #tpu.memory_space<semaphore_mem>>
        %dma_start3A_245 = tpu.memref_squeeze %dma_start3A_244 : memref<1x!tpu.dma_semaphore, #tpu.memory_space<semaphore_mem>> -> memref<!tpu.dma_semaphore, #tpu.memory_space<semaphore_mem>>
        %dma_start3A_246 = arith.constant 0 : i32
        %dma_start3A_247 = tpu.memref_slice %arg6[%rem3A_236, %dma_start3A_246] : memref<3x128xi32, #tpu.memory_space<vmem>> -> memref<1x128xi32, #tpu.memory_space<vmem>>
        %dma_start3A_248 = tpu.memref_squeeze %dma_start3A_247 : memref<1x128xi32, #tpu.memory_space<vmem>> -> memref<128xi32, #tpu.memory_space<vmem>>
        %dma_start3A_249 = tpu.memref_slice %arg3[%add3A_239] : memref<320000xi32, #tpu.memory_space<hbm>> -> memref<128xi32, #tpu.memory_space<hbm>>
        tpu.enqueue_dma source(%dma_start3A_249 : memref<128xi32, #tpu.memory_space<hbm>>) target(%dma_start3A_248 : memref<128xi32, #tpu.memory_space<vmem>>) target_semaphore(%dma_start3A_245 : memref<!tpu.dma_semaphore, #tpu.memory_space<semaphore_mem>>)
      } else {
      }
      %add3A_189 = arith.constant 1 : i32
      %add3A_190 = arith.addi %while3A_177, %add3A_189 : i32
      %lt3A_191 = arith.cmpi slt, %add3A_190, %add3A_38 : i32
      %convert_element_type3A_192 = arith.extui %lt3A_191 : i1 to i32
      %cond3A_193 = arith.constant 0 : i32
      %cond3A_194 = arith.cmpi ne, %convert_element_type3A_192, %cond3A_193 : i32
      scf.if %cond3A_194 {
        %add3A_233 = arith.constant 1 : i32
        %add3A_234 = arith.addi %while3A_177, %add3A_233 : i32
        %rem3A_235 = arith.constant 3 : i32
        %rem3A_236 = arith.remsi %add3A_234, %rem3A_235 : i32
        %mul3A_237 = arith.constant 128 : i32
        %mul3A_238 = arith.muli %add3A_234, %mul3A_237 : i32
        %add3A_239 = arith.addi %mul3A_40, %mul3A_238 : i32
        %dma_wait3A_240 = arith.constant 0 : i32
        %dma_wait3A_241 = tpu.memref_slice %arg6[%rem3A_236, %dma_wait3A_240] : memref<3x128xi32, #tpu.memory_space<vmem>> -> memref<1x128xi32, #tpu.memory_space<vmem>>
        %dma_wait3A_242 = tpu.memref_squeeze %dma_wait3A_241 : memref<1x128xi32, #tpu.memory_space<vmem>> -> memref<128xi32, #tpu.memory_space<vmem>>
        %dma_wait3A_243 = tpu.memref_slice %arg3[%add3A_239] : memref<320000xi32, #tpu.memory_space<hbm>> -> memref<128xi32, #tpu.memory_space<hbm>>
        %dma_wait3A_244 = tpu.memref_slice %arg10[%rem3A_236] : memref<3x!tpu.dma_semaphore, #tpu.memory_space<semaphore_mem>> -> memref<1x!tpu.dma_semaphore, #tpu.memory_space<semaphore_mem>>
        %dma_wait3A_245 = tpu.memref_squeeze %dma_wait3A_244 : memref<1x!tpu.dma_semaphore, #tpu.memory_space<semaphore_mem>> -> memref<!tpu.dma_semaphore, #tpu.memory_space<semaphore_mem>>
        %dma_wait3A_246 = arith.constant 0 : i32
        %dma_wait3A_247 = tpu.memref_slice %arg6[%rem3A_236, %dma_wait3A_246] : memref<3x128xi32, #tpu.memory_space<vmem>> -> memref<1x128xi32, #tpu.memory_space<vmem>>
        %dma_wait3A_248 = tpu.memref_squeeze %dma_wait3A_247 : memref<1x128xi32, #tpu.memory_space<vmem>> -> memref<128xi32, #tpu.memory_space<vmem>>
        %dma_wait3A_249 = tpu.memref_slice %arg3[%add3A_239] : memref<320000xi32, #tpu.memory_space<hbm>> -> memref<128xi32, #tpu.memory_space<hbm>>
        tpu.wait_dma2 semaphore(%dma_wait3A_245 : memref<!tpu.dma_semaphore, #tpu.memory_space<semaphore_mem>>) src(%dma_wait3A_249 : memref<128xi32, #tpu.memory_space<hbm>>) dst(%dma_wait3A_248 : memref<128xi32, #tpu.memory_space<vmem>>)
        %add3A_250 = arith.constant 1 : i32
        %add3A_251 = arith.addi %while3A_177, %add3A_250 : i32
        %rem3A_252 = arith.constant 3 : i32
        %rem3A_253 = arith.remsi %add3A_251, %rem3A_252 : i32
        %dma_start3A_254 = arith.constant 0 : i32
        %dma_start3A_255 = arith.constant 0 : i32
        %dma_start3A_256 = tpu.memref_slice %arg8[%rem3A_253, %dma_start3A_254, %dma_start3A_255] : memref<3x128x128xf32, #tpu.memory_space<vmem>> -> memref<1x128x128xf32, #tpu.memory_space<vmem>>
        %dma_start3A_257 = tpu.memref_squeeze %dma_start3A_256 : memref<1x128x128xf32, #tpu.memory_space<vmem>> -> memref<128x128xf32, #tpu.memory_space<vmem>>
        %dma_start3A_258 = arith.constant 0 : i32
        %dma_start3A_259 = tpu.memref_slice %arg6[%rem3A_253, %dma_start3A_258] : memref<3x128xi32, #tpu.memory_space<vmem>> -> memref<1x128xi32, #tpu.memory_space<vmem>>
        %dma_start3A_260 = tpu.memref_squeeze %dma_start3A_259 : memref<1x128xi32, #tpu.memory_space<vmem>> -> memref<128xi32, #tpu.memory_space<vmem>>
        %dma_start3A_261 = arith.constant 0 : i32
        %dma_start3A_262 = arith.constant 0 : i32
        %dma_start3A_263 = tpu.memref_slice %arg2[%dma_start3A_261, %dma_start3A_262] : memref<10000x128xf32, #tpu.memory_space<hbm>> -> memref<10000x128xf32, #tpu.memory_space<hbm>>
        %dma_start3A_264 = tpu.memref_slice %arg11[%rem3A_253] : memref<3x!tpu.dma_semaphore, #tpu.memory_space<semaphore_mem>> -> memref<1x!tpu.dma_semaphore, #tpu.memory_space<semaphore_mem>>
        %dma_start3A_265 = tpu.memref_squeeze %dma_start3A_264 : memref<1x!tpu.dma_semaphore, #tpu.memory_space<semaphore_mem>> -> memref<!tpu.dma_semaphore, #tpu.memory_space<semaphore_mem>>
        tpu.enqueue_indirect_dma source(%dma_start3A_263 : memref<10000x128xf32, #tpu.memory_space<hbm>>) target(%dma_start3A_257 : memref<128x128xf32, #tpu.memory_space<vmem>>) offsets(%dma_start3A_260 : memref<128xi32, #tpu.memory_space<vmem>>) semaphore(%dma_start3A_265 : memref<!tpu.dma_semaphore, #tpu.memory_space<semaphore_mem>>)
        %add3A_266 = arith.constant 1 : i32
        %add3A_267 = arith.addi %while3A_177, %add3A_266 : i32
        %rem3A_268 = arith.constant 3 : i32
        %rem3A_269 = arith.remsi %add3A_267, %rem3A_268 : i32
        %mul3A_270 = arith.constant 128 : i32
        %mul3A_271 = arith.muli %add3A_267, %mul3A_270 : i32
        %add3A_272 = arith.addi %mul3A_40, %mul3A_271 : i32
        %dma_start3A_273 = arith.constant 0 : i32
        %dma_start3A_274 = tpu.memref_slice %arg7[%rem3A_269, %dma_start3A_273] : memref<3x128xi32, #tpu.memory_space<vmem>> -> memref<1x128xi32, #tpu.memory_space<vmem>>
        %dma_start3A_275 = tpu.memref_squeeze %dma_start3A_274 : memref<1x128xi32, #tpu.memory_space<vmem>> -> memref<128xi32, #tpu.memory_space<vmem>>
        %dma_start3A_276 = tpu.memref_slice %arg4[%add3A_272] : memref<320000xi32, #tpu.memory_space<hbm>> -> memref<128xi32, #tpu.memory_space<hbm>>
        %dma_start3A_277 = tpu.memref_slice %arg12[%rem3A_269] : memref<3x!tpu.dma_semaphore, #tpu.memory_space<semaphore_mem>> -> memref<1x!tpu.dma_semaphore, #tpu.memory_space<semaphore_mem>>
        %dma_start3A_278 = tpu.memref_squeeze %dma_start3A_277 : memref<1x!tpu.dma_semaphore, #tpu.memory_space<semaphore_mem>> -> memref<!tpu.dma_semaphore, #tpu.memory_space<semaphore_mem>>
        %dma_start3A_279 = arith.constant 0 : i32
        %dma_start3A_280 = tpu.memref_slice %arg7[%rem3A_269, %dma_start3A_279] : memref<3x128xi32, #tpu.memory_space<vmem>> -> memref<1x128xi32, #tpu.memory_space<vmem>>
        %dma_start3A_281 = tpu.memref_squeeze %dma_start3A_280 : memref<1x128xi32, #tpu.memory_space<vmem>> -> memref<128xi32, #tpu.memory_space<vmem>>
        %dma_start3A_282 = tpu.memref_slice %arg4[%add3A_272] : memref<320000xi32, #tpu.memory_space<hbm>> -> memref<128xi32, #tpu.memory_space<hbm>>
        tpu.enqueue_dma source(%dma_start3A_282 : memref<128xi32, #tpu.memory_space<hbm>>) target(%dma_start3A_281 : memref<128xi32, #tpu.memory_space<vmem>>) target_semaphore(%dma_start3A_278 : memref<!tpu.dma_semaphore, #tpu.memory_space<semaphore_mem>>)
      } else {
      }
      %dma_wait3A_195 = arith.constant 0 : i32
      %dma_wait3A_196 = arith.constant 0 : i32
      %dma_wait3A_197 = tpu.memref_slice %arg8[%rem3A_180, %dma_wait3A_195, %dma_wait3A_196] : memref<3x128x128xf32, #tpu.memory_space<vmem>> -> memref<1x128x128xf32, #tpu.memory_space<vmem>>
      %dma_wait3A_198 = tpu.memref_squeeze %dma_wait3A_197 : memref<1x128x128xf32, #tpu.memory_space<vmem>> -> memref<128x128xf32, #tpu.memory_space<vmem>>
      %dma_wait3A_199 = arith.constant 0 : i32
      %dma_wait3A_200 = tpu.memref_slice %arg6[%rem3A_180, %dma_wait3A_199] : memref<3x128xi32, #tpu.memory_space<vmem>> -> memref<1x128xi32, #tpu.memory_space<vmem>>
      %dma_wait3A_201 = tpu.memref_squeeze %dma_wait3A_200 : memref<1x128xi32, #tpu.memory_space<vmem>> -> memref<128xi32, #tpu.memory_space<vmem>>
      %dma_wait3A_202 = arith.constant 0 : i32
      %dma_wait3A_203 = arith.constant 0 : i32
      %dma_wait3A_204 = tpu.memref_slice %arg2[%dma_wait3A_202, %dma_wait3A_203] : memref<10000x128xf32, #tpu.memory_space<hbm>> -> memref<10000x128xf32, #tpu.memory_space<hbm>>
      %dma_wait3A_205 = tpu.memref_slice %arg11[%rem3A_180] : memref<3x!tpu.dma_semaphore, #tpu.memory_space<semaphore_mem>> -> memref<1x!tpu.dma_semaphore, #tpu.memory_space<semaphore_mem>>
      %dma_wait3A_206 = tpu.memref_squeeze %dma_wait3A_205 : memref<1x!tpu.dma_semaphore, #tpu.memory_space<semaphore_mem>> -> memref<!tpu.dma_semaphore, #tpu.memory_space<semaphore_mem>>
      tpu.wait_indirect_dma semaphore(%dma_wait3A_206 : memref<!tpu.dma_semaphore, #tpu.memory_space<semaphore_mem>>) src(%dma_wait3A_204 : memref<10000x128xf32, #tpu.memory_space<hbm>>) dst(%dma_wait3A_198 : memref<128x128xf32, #tpu.memory_space<vmem>>)
      %mul3A_207 = arith.constant 128 : i32
      %mul3A_208 = arith.muli %while3A_177, %mul3A_207 : i32
      %add3A_209 = arith.addi %mul3A_40, %mul3A_208 : i32
      %dma_wait3A_210 = arith.constant 0 : i32
      %dma_wait3A_211 = tpu.memref_slice %arg7[%rem3A_180, %dma_wait3A_210] : memref<3x128xi32, #tpu.memory_space<vmem>> -> memref<1x128xi32, #tpu.memory_space<vmem>>
      %dma_wait3A_212 = tpu.memref_squeeze %dma_wait3A_211 : memref<1x128xi32, #tpu.memory_space<vmem>> -> memref<128xi32, #tpu.memory_space<vmem>>
      %dma_wait3A_213 = tpu.memref_slice %arg4[%add3A_209] : memref<320000xi32, #tpu.memory_space<hbm>> -> memref<128xi32, #tpu.memory_space<hbm>>
      %dma_wait3A_214 = tpu.memref_slice %arg12[%rem3A_180] : memref<3x!tpu.dma_semaphore, #tpu.memory_space<semaphore_mem>> -> memref<1x!tpu.dma_semaphore, #tpu.memory_space<semaphore_mem>>
      %dma_wait3A_215 = tpu.memref_squeeze %dma_wait3A_214 : memref<1x!tpu.dma_semaphore, #tpu.memory_space<semaphore_mem>> -> memref<!tpu.dma_semaphore, #tpu.memory_space<semaphore_mem>>
      %dma_wait3A_216 = arith.constant 0 : i32
      %dma_wait3A_217 = tpu.memref_slice %arg7[%rem3A_180, %dma_wait3A_216] : memref<3x128xi32, #tpu.memory_space<vmem>> -> memref<1x128xi32, #tpu.memory_space<vmem>>
      %dma_wait3A_218 = tpu.memref_squeeze %dma_wait3A_217 : memref<1x128xi32, #tpu.memory_space<vmem>> -> memref<128xi32, #tpu.memory_space<vmem>>
      %dma_wait3A_219 = tpu.memref_slice %arg4[%add3A_209] : memref<320000xi32, #tpu.memory_space<hbm>> -> memref<128xi32, #tpu.memory_space<hbm>>
      tpu.wait_dma2 semaphore(%dma_wait3A_215 : memref<!tpu.dma_semaphore, #tpu.memory_space<semaphore_mem>>) src(%dma_wait3A_219 : memref<128xi32, #tpu.memory_space<hbm>>) dst(%dma_wait3A_218 : memref<128xi32, #tpu.memory_space<vmem>>)
      %dma_start3A_220 = arith.constant 0 : i32
      %dma_start3A_221 = arith.constant 0 : i32
      %dma_start3A_222 = tpu.memref_slice %arg8[%rem3A_180, %dma_start3A_220, %dma_start3A_221] : memref<3x128x128xf32, #tpu.memory_space<vmem>> -> memref<1x128x128xf32, #tpu.memory_space<vmem>>
      %dma_start3A_223 = tpu.memref_squeeze %dma_start3A_222 : memref<1x128x128xf32, #tpu.memory_space<vmem>> -> memref<128x128xf32, #tpu.memory_space<vmem>>
      %dma_start3A_224 = arith.constant 0 : i32
      %dma_start3A_225 = tpu.memref_slice %arg7[%rem3A_180, %dma_start3A_224] : memref<3x128xi32, #tpu.memory_space<vmem>> -> memref<1x128xi32, #tpu.memory_space<vmem>>
      %dma_start3A_226 = tpu.memref_squeeze %dma_start3A_225 : memref<1x128xi32, #tpu.memory_space<vmem>> -> memref<128xi32, #tpu.memory_space<vmem>>
      %dma_start3A_227 = arith.constant 0 : i32
      %dma_start3A_228 = arith.constant 0 : i32
      %dma_start3A_229 = tpu.memref_slice %arg9[%dma_start3A_227, %dma_start3A_228] : memref<10000x128xf32, #tpu.memory_space<vmem_shared>> -> memref<10000x128xf32, #tpu.memory_space<vmem_shared>>
      %dma_start3A_230 = tpu.memref_slice %arg13[%rem3A_180] : memref<3x!tpu.dma_semaphore, #tpu.memory_space<semaphore_mem>> -> memref<1x!tpu.dma_semaphore, #tpu.memory_space<semaphore_mem>>
      %dma_start3A_231 = tpu.memref_squeeze %dma_start3A_230 : memref<1x!tpu.dma_semaphore, #tpu.memory_space<semaphore_mem>> -> memref<!tpu.dma_semaphore, #tpu.memory_space<semaphore_mem>>
      tpu.enqueue_indirect_dma source(%dma_start3A_223 : memref<128x128xf32, #tpu.memory_space<vmem>>) target(%dma_start3A_229 : memref<10000x128xf32, #tpu.memory_space<vmem_shared>>) offsets(%dma_start3A_226 : memref<128xi32, #tpu.memory_space<vmem>>) semaphore(%dma_start3A_231 : memref<!tpu.dma_semaphore, #tpu.memory_space<semaphore_mem>>) {add = true}
      %while3A_232 = arith.constant 0 : i32
      scf.yield %while3A_232 : i32
    }
    %while3A_131 = arith.constant 1 : i32
    %while3A_132 = scf.for %while3A_177 = %while3A_128 to %while3A_124 step %while3A_131 iter_args(%while3A_178 = %while3A_130) -> (i32)  : i32 {
      %rem3A_179 = arith.constant 3 : i32
      %rem3A_180 = arith.remsi %while3A_177, %rem3A_179 : i32
      %ge3A = arith.constant 2 : i32
      %ge3A_181 = arith.cmpi sge, %while3A_177, %ge3A : i32
      %convert_element_type3A = arith.extui %ge3A_181 : i1 to i32
      %cond3A = arith.constant 0 : i32
      %cond3A_182 = arith.cmpi ne, %convert_element_type3A, %cond3A : i32
      scf.if %cond3A_182 {
        %sub3A_233 = arith.constant 2 : i32
        %sub3A_234 = arith.subi %while3A_177, %sub3A_233 : i32
        %rem3A_235 = arith.constant 3 : i32
        %rem3A_236 = arith.remsi %sub3A_234, %rem3A_235 : i32
        %dma_wait3A_237 = arith.constant 0 : i32
        %dma_wait3A_238 = arith.constant 0 : i32
        %dma_wait3A_239 = tpu.memref_slice %arg8[%rem3A_236, %dma_wait3A_237, %dma_wait3A_238] : memref<3x128x128xf32, #tpu.memory_space<vmem>> -> memref<1x128x128xf32, #tpu.memory_space<vmem>>
        %dma_wait3A_240 = tpu.memref_squeeze %dma_wait3A_239 : memref<1x128x128xf32, #tpu.memory_space<vmem>> -> memref<128x128xf32, #tpu.memory_space<vmem>>
        %dma_wait3A_241 = arith.constant 0 : i32
        %dma_wait3A_242 = tpu.memref_slice %arg7[%rem3A_236, %dma_wait3A_241] : memref<3x128xi32, #tpu.memory_space<vmem>> -> memref<1x128xi32, #tpu.memory_space<vmem>>
        %dma_wait3A_243 = tpu.memref_squeeze %dma_wait3A_242 : memref<1x128xi32, #tpu.memory_space<vmem>> -> memref<128xi32, #tpu.memory_space<vmem>>
        %dma_wait3A_244 = arith.constant 0 : i32
        %dma_wait3A_245 = arith.constant 0 : i32
        %dma_wait3A_246 = tpu.memref_slice %arg9[%dma_wait3A_244, %dma_wait3A_245] : memref<10000x128xf32, #tpu.memory_space<vmem_shared>> -> memref<10000x128xf32, #tpu.memory_space<vmem_shared>>
        %dma_wait3A_247 = tpu.memref_slice %arg13[%rem3A_236] : memref<3x!tpu.dma_semaphore, #tpu.memory_space<semaphore_mem>> -> memref<1x!tpu.dma_semaphore, #tpu.memory_space<semaphore_mem>>
        %dma_wait3A_248 = tpu.memref_squeeze %dma_wait3A_247 : memref<1x!tpu.dma_semaphore, #tpu.memory_space<semaphore_mem>> -> memref<!tpu.dma_semaphore, #tpu.memory_space<semaphore_mem>>
        tpu.wait_indirect_dma semaphore(%dma_wait3A_248 : memref<!tpu.dma_semaphore, #tpu.memory_space<semaphore_mem>>) src(%dma_wait3A_240 : memref<128x128xf32, #tpu.memory_space<vmem>>) dst(%dma_wait3A_246 : memref<10000x128xf32, #tpu.memory_space<vmem_shared>>)
      } else {
      }
      %add3A_183 = arith.constant 2 : i32
      %add3A_184 = arith.addi %while3A_177, %add3A_183 : i32
      %lt3A_185 = arith.cmpi slt, %add3A_184, %add3A_38 : i32
      %convert_element_type3A_186 = arith.extui %lt3A_185 : i1 to i32
      %cond3A_187 = arith.constant 0 : i32
      %cond3A_188 = arith.cmpi ne, %convert_element_type3A_186, %cond3A_187 : i32
      scf.if %cond3A_188 {
        %add3A_233 = arith.constant 2 : i32
        %add3A_234 = arith.addi %while3A_177, %add3A_233 : i32
        %rem3A_235 = arith.constant 3 : i32
        %rem3A_236 = arith.remsi %add3A_234, %rem3A_235 : i32
        %mul3A_237 = arith.constant 128 : i32
        %mul3A_238 = arith.muli %add3A_234, %mul3A_237 : i32
        %add3A_239 = arith.addi %mul3A_40, %mul3A_238 : i32
        %dma_start3A_240 = arith.constant 0 : i32
        %dma_start3A_241 = tpu.memref_slice %arg6[%rem3A_236, %dma_start3A_240] : memref<3x128xi32, #tpu.memory_space<vmem>> -> memref<1x128xi32, #tpu.memory_space<vmem>>
        %dma_start3A_242 = tpu.memref_squeeze %dma_start3A_241 : memref<1x128xi32, #tpu.memory_space<vmem>> -> memref<128xi32, #tpu.memory_space<vmem>>
        %dma_start3A_243 = tpu.memref_slice %arg3[%add3A_239] : memref<320000xi32, #tpu.memory_space<hbm>> -> memref<128xi32, #tpu.memory_space<hbm>>
        %dma_start3A_244 = tpu.memref_slice %arg10[%rem3A_236] : memref<3x!tpu.dma_semaphore, #tpu.memory_space<semaphore_mem>> -> memref<1x!tpu.dma_semaphore, #tpu.memory_space<semaphore_mem>>
        %dma_start3A_245 = tpu.memref_squeeze %dma_start3A_244 : memref<1x!tpu.dma_semaphore, #tpu.memory_space<semaphore_mem>> -> memref<!tpu.dma_semaphore, #tpu.memory_space<semaphore_mem>>
        %dma_start3A_246 = arith.constant 0 : i32
        %dma_start3A_247 = tpu.memref_slice %arg6[%rem3A_236, %dma_start3A_246] : memref<3x128xi32, #tpu.memory_space<vmem>> -> memref<1x128xi32, #tpu.memory_space<vmem>>
        %dma_start3A_248 = tpu.memref_squeeze %dma_start3A_247 : memref<1x128xi32, #tpu.memory_space<vmem>> -> memref<128xi32, #tpu.memory_space<vmem>>
        %dma_start3A_249 = tpu.memref_slice %arg3[%add3A_239] : memref<320000xi32, #tpu.memory_space<hbm>> -> memref<128xi32, #tpu.memory_space<hbm>>
        tpu.enqueue_dma source(%dma_start3A_249 : memref<128xi32, #tpu.memory_space<hbm>>) target(%dma_start3A_248 : memref<128xi32, #tpu.memory_space<vmem>>) target_semaphore(%dma_start3A_245 : memref<!tpu.dma_semaphore, #tpu.memory_space<semaphore_mem>>)
      } else {
      }
      %add3A_189 = arith.constant 1 : i32
      %add3A_190 = arith.addi %while3A_177, %add3A_189 : i32
      %lt3A_191 = arith.cmpi slt, %add3A_190, %add3A_38 : i32
      %convert_element_type3A_192 = arith.extui %lt3A_191 : i1 to i32
      %cond3A_193 = arith.constant 0 : i32
      %cond3A_194 = arith.cmpi ne, %convert_element_type3A_192, %cond3A_193 : i32
      scf.if %cond3A_194 {
        %add3A_233 = arith.constant 1 : i32
        %add3A_234 = arith.addi %while3A_177, %add3A_233 : i32
        %rem3A_235 = arith.constant 3 : i32
        %rem3A_236 = arith.remsi %add3A_234, %rem3A_235 : i32
        %mul3A_237 = arith.constant 128 : i32
        %mul3A_238 = arith.muli %add3A_234, %mul3A_237 : i32
        %add3A_239 = arith.addi %mul3A_40, %mul3A_238 : i32
        %dma_wait3A_240 = arith.constant 0 : i32
        %dma_wait3A_241 = tpu.memref_slice %arg6[%rem3A_236, %dma_wait3A_240] : memref<3x128xi32, #tpu.memory_space<vmem>> -> memref<1x128xi32, #tpu.memory_space<vmem>>
        %dma_wait3A_242 = tpu.memref_squeeze %dma_wait3A_241 : memref<1x128xi32, #tpu.memory_space<vmem>> -> memref<128xi32, #tpu.memory_space<vmem>>
        %dma_wait3A_243 = tpu.memref_slice %arg3[%add3A_239] : memref<320000xi32, #tpu.memory_space<hbm>> -> memref<128xi32, #tpu.memory_space<hbm>>
        %dma_wait3A_244 = tpu.memref_slice %arg10[%rem3A_236] : memref<3x!tpu.dma_semaphore, #tpu.memory_space<semaphore_mem>> -> memref<1x!tpu.dma_semaphore, #tpu.memory_space<semaphore_mem>>
        %dma_wait3A_245 = tpu.memref_squeeze %dma_wait3A_244 : memref<1x!tpu.dma_semaphore, #tpu.memory_space<semaphore_mem>> -> memref<!tpu.dma_semaphore, #tpu.memory_space<semaphore_mem>>
        %dma_wait3A_246 = arith.constant 0 : i32
        %dma_wait3A_247 = tpu.memref_slice %arg6[%rem3A_236, %dma_wait3A_246] : memref<3x128xi32, #tpu.memory_space<vmem>> -> memref<1x128xi32, #tpu.memory_space<vmem>>
        %dma_wait3A_248 = tpu.memref_squeeze %dma_wait3A_247 : memref<1x128xi32, #tpu.memory_space<vmem>> -> memref<128xi32, #tpu.memory_space<vmem>>
        %dma_wait3A_249 = tpu.memref_slice %arg3[%add3A_239] : memref<320000xi32, #tpu.memory_space<hbm>> -> memref<128xi32, #tpu.memory_space<hbm>>
        tpu.wait_dma2 semaphore(%dma_wait3A_245 : memref<!tpu.dma_semaphore, #tpu.memory_space<semaphore_mem>>) src(%dma_wait3A_249 : memref<128xi32, #tpu.memory_space<hbm>>) dst(%dma_wait3A_248 : memref<128xi32, #tpu.memory_space<vmem>>)
        %add3A_250 = arith.constant 1 : i32
        %add3A_251 = arith.addi %while3A_177, %add3A_250 : i32
        %rem3A_252 = arith.constant 3 : i32
        %rem3A_253 = arith.remsi %add3A_251, %rem3A_252 : i32
        %dma_start3A_254 = arith.constant 0 : i32
        %dma_start3A_255 = arith.constant 0 : i32
        %dma_start3A_256 = tpu.memref_slice %arg8[%rem3A_253, %dma_start3A_254, %dma_start3A_255] : memref<3x128x128xf32, #tpu.memory_space<vmem>> -> memref<1x128x128xf32, #tpu.memory_space<vmem>>
        %dma_start3A_257 = tpu.memref_squeeze %dma_start3A_256 : memref<1x128x128xf32, #tpu.memory_space<vmem>> -> memref<128x128xf32, #tpu.memory_space<vmem>>
        %dma_start3A_258 = arith.constant 0 : i32
        %dma_start3A_259 = tpu.memref_slice %arg6[%rem3A_253, %dma_start3A_258] : memref<3x128xi32, #tpu.memory_space<vmem>> -> memref<1x128xi32, #tpu.memory_space<vmem>>
        %dma_start3A_260 = tpu.memref_squeeze %dma_start3A_259 : memref<1x128xi32, #tpu.memory_space<vmem>> -> memref<128xi32, #tpu.memory_space<vmem>>
        %dma_start3A_261 = arith.constant 0 : i32
        %dma_start3A_262 = arith.constant 0 : i32
        %dma_start3A_263 = tpu.memref_slice %arg2[%dma_start3A_261, %dma_start3A_262] : memref<10000x128xf32, #tpu.memory_space<hbm>> -> memref<10000x128xf32, #tpu.memory_space<hbm>>
        %dma_start3A_264 = tpu.memref_slice %arg11[%rem3A_253] : memref<3x!tpu.dma_semaphore, #tpu.memory_space<semaphore_mem>> -> memref<1x!tpu.dma_semaphore, #tpu.memory_space<semaphore_mem>>
        %dma_start3A_265 = tpu.memref_squeeze %dma_start3A_264 : memref<1x!tpu.dma_semaphore, #tpu.memory_space<semaphore_mem>> -> memref<!tpu.dma_semaphore, #tpu.memory_space<semaphore_mem>>
        tpu.enqueue_indirect_dma source(%dma_start3A_263 : memref<10000x128xf32, #tpu.memory_space<hbm>>) target(%dma_start3A_257 : memref<128x128xf32, #tpu.memory_space<vmem>>) offsets(%dma_start3A_260 : memref<128xi32, #tpu.memory_space<vmem>>) semaphore(%dma_start3A_265 : memref<!tpu.dma_semaphore, #tpu.memory_space<semaphore_mem>>)
        %add3A_266 = arith.constant 1 : i32
        %add3A_267 = arith.addi %while3A_177, %add3A_266 : i32
        %rem3A_268 = arith.constant 3 : i32
        %rem3A_269 = arith.remsi %add3A_267, %rem3A_268 : i32
        %mul3A_270 = arith.constant 128 : i32
        %mul3A_271 = arith.muli %add3A_267, %mul3A_270 : i32
        %add3A_272 = arith.addi %mul3A_40, %mul3A_271 : i32
        %dma_start3A_273 = arith.constant 0 : i32
        %dma_start3A_274 = tpu.memref_slice %arg7[%rem3A_269, %dma_start3A_273] : memref<3x128xi32, #tpu.memory_space<vmem>> -> memref<1x128xi32, #tpu.memory_space<vmem>>
        %dma_start3A_275 = tpu.memref_squeeze %dma_start3A_274 : memref<1x128xi32, #tpu.memory_space<vmem>> -> memref<128xi32, #tpu.memory_space<vmem>>
        %dma_start3A_276 = tpu.memref_slice %arg4[%add3A_272] : memref<320000xi32, #tpu.memory_space<hbm>> -> memref<128xi32, #tpu.memory_space<hbm>>
        %dma_start3A_277 = tpu.memref_slice %arg12[%rem3A_269] : memref<3x!tpu.dma_semaphore, #tpu.memory_space<semaphore_mem>> -> memref<1x!tpu.dma_semaphore, #tpu.memory_space<semaphore_mem>>
        %dma_start3A_278 = tpu.memref_squeeze %dma_start3A_277 : memref<1x!tpu.dma_semaphore, #tpu.memory_space<semaphore_mem>> -> memref<!tpu.dma_semaphore, #tpu.memory_space<semaphore_mem>>
        %dma_start3A_279 = arith.constant 0 : i32
        %dma_start3A_280 = tpu.memref_slice %arg7[%rem3A_269, %dma_start3A_279] : memref<3x128xi32, #tpu.memory_space<vmem>> -> memref<1x128xi32, #tpu.memory_space<vmem>>
        %dma_start3A_281 = tpu.memref_squeeze %dma_start3A_280 : memref<1x128xi32, #tpu.memory_space<vmem>> -> memref<128xi32, #tpu.memory_space<vmem>>
        %dma_start3A_282 = tpu.memref_slice %arg4[%add3A_272] : memref<320000xi32, #tpu.memory_space<hbm>> -> memref<128xi32, #tpu.memory_space<hbm>>
        tpu.enqueue_dma source(%dma_start3A_282 : memref<128xi32, #tpu.memory_space<hbm>>) target(%dma_start3A_281 : memref<128xi32, #tpu.memory_space<vmem>>) target_semaphore(%dma_start3A_278 : memref<!tpu.dma_semaphore, #tpu.memory_space<semaphore_mem>>)
      } else {
      }
      %dma_wait3A_195 = arith.constant 0 : i32
      %dma_wait3A_196 = arith.constant 0 : i32
      %dma_wait3A_197 = tpu.memref_slice %arg8[%rem3A_180, %dma_wait3A_195, %dma_wait3A_196] : memref<3x128x128xf32, #tpu.memory_space<vmem>> -> memref<1x128x128xf32, #tpu.memory_space<vmem>>
      %dma_wait3A_198 = tpu.memref_squeeze %dma_wait3A_197 : memref<1x128x128xf32, #tpu.memory_space<vmem>> -> memref<128x128xf32, #tpu.memory_space<vmem>>
      %dma_wait3A_199 = arith.constant 0 : i32
      %dma_wait3A_200 = tpu.memref_slice %arg6[%rem3A_180, %dma_wait3A_199] : memref<3x128xi32, #tpu.memory_space<vmem>> -> memref<1x128xi32, #tpu.memory_space<vmem>>
      %dma_wait3A_201 = tpu.memref_squeeze %dma_wait3A_200 : memref<1x128xi32, #tpu.memory_space<vmem>> -> memref<128xi32, #tpu.memory_space<vmem>>
      %dma_wait3A_202 = arith.constant 0 : i32
      %dma_wait3A_203 = arith.constant 0 : i32
      %dma_wait3A_204 = tpu.memref_slice %arg2[%dma_wait3A_202, %dma_wait3A_203] : memref<10000x128xf32, #tpu.memory_space<hbm>> -> memref<10000x128xf32, #tpu.memory_space<hbm>>
      %dma_wait3A_205 = tpu.memref_slice %arg11[%rem3A_180] : memref<3x!tpu.dma_semaphore, #tpu.memory_space<semaphore_mem>> -> memref<1x!tpu.dma_semaphore, #tpu.memory_space<semaphore_mem>>
      %dma_wait3A_206 = tpu.memref_squeeze %dma_wait3A_205 : memref<1x!tpu.dma_semaphore, #tpu.memory_space<semaphore_mem>> -> memref<!tpu.dma_semaphore, #tpu.memory_space<semaphore_mem>>
      tpu.wait_indirect_dma semaphore(%dma_wait3A_206 : memref<!tpu.dma_semaphore, #tpu.memory_space<semaphore_mem>>) src(%dma_wait3A_204 : memref<10000x128xf32, #tpu.memory_space<hbm>>) dst(%dma_wait3A_198 : memref<128x128xf32, #tpu.memory_space<vmem>>)
      %mul3A_207 = arith.constant 128 : i32
      %mul3A_208 = arith.muli %while3A_177, %mul3A_207 : i32
      %add3A_209 = arith.addi %mul3A_40, %mul3A_208 : i32
      %dma_wait3A_210 = arith.constant 0 : i32
      %dma_wait3A_211 = tpu.memref_slice %arg7[%rem3A_180, %dma_wait3A_210] : memref<3x128xi32, #tpu.memory_space<vmem>> -> memref<1x128xi32, #tpu.memory_space<vmem>>
      %dma_wait3A_212 = tpu.memref_squeeze %dma_wait3A_211 : memref<1x128xi32, #tpu.memory_space<vmem>> -> memref<128xi32, #tpu.memory_space<vmem>>
      %dma_wait3A_213 = tpu.memref_slice %arg4[%add3A_209] : memref<320000xi32, #tpu.memory_space<hbm>> -> memref<128xi32, #tpu.memory_space<hbm>>
      %dma_wait3A_214 = tpu.memref_slice %arg12[%rem3A_180] : memref<3x!tpu.dma_semaphore, #tpu.memory_space<semaphore_mem>> -> memref<1x!tpu.dma_semaphore, #tpu.memory_space<semaphore_mem>>
      %dma_wait3A_215 = tpu.memref_squeeze %dma_wait3A_214 : memref<1x!tpu.dma_semaphore, #tpu.memory_space<semaphore_mem>> -> memref<!tpu.dma_semaphore, #tpu.memory_space<semaphore_mem>>
      %dma_wait3A_216 = arith.constant 0 : i32
      %dma_wait3A_217 = tpu.memref_slice %arg7[%rem3A_180, %dma_wait3A_216] : memref<3x128xi32, #tpu.memory_space<vmem>> -> memref<1x128xi32, #tpu.memory_space<vmem>>
      %dma_wait3A_218 = tpu.memref_squeeze %dma_wait3A_217 : memref<1x128xi32, #tpu.memory_space<vmem>> -> memref<128xi32, #tpu.memory_space<vmem>>
      %dma_wait3A_219 = tpu.memref_slice %arg4[%add3A_209] : memref<320000xi32, #tpu.memory_space<hbm>> -> memref<128xi32, #tpu.memory_space<hbm>>
      tpu.wait_dma2 semaphore(%dma_wait3A_215 : memref<!tpu.dma_semaphore, #tpu.memory_space<semaphore_mem>>) src(%dma_wait3A_219 : memref<128xi32, #tpu.memory_space<hbm>>) dst(%dma_wait3A_218 : memref<128xi32, #tpu.memory_space<vmem>>)
      %dma_start3A_220 = arith.constant 0 : i32
      %dma_start3A_221 = arith.constant 0 : i32
      %dma_start3A_222 = tpu.memref_slice %arg8[%rem3A_180, %dma_start3A_220, %dma_start3A_221] : memref<3x128x128xf32, #tpu.memory_space<vmem>> -> memref<1x128x128xf32, #tpu.memory_space<vmem>>
      %dma_start3A_223 = tpu.memref_squeeze %dma_start3A_222 : memref<1x128x128xf32, #tpu.memory_space<vmem>> -> memref<128x128xf32, #tpu.memory_space<vmem>>
      %dma_start3A_224 = arith.constant 0 : i32
      %dma_start3A_225 = tpu.memref_slice %arg7[%rem3A_180, %dma_start3A_224] : memref<3x128xi32, #tpu.memory_space<vmem>> -> memref<1x128xi32, #tpu.memory_space<vmem>>
      %dma_start3A_226 = tpu.memref_squeeze %dma_start3A_225 : memref<1x128xi32, #tpu.memory_space<vmem>> -> memref<128xi32, #tpu.memory_space<vmem>>
      %dma_start3A_227 = arith.constant 0 : i32
      %dma_start3A_228 = arith.constant 0 : i32
      %dma_start3A_229 = tpu.memref_slice %arg9[%dma_start3A_227, %dma_start3A_228] : memref<10000x128xf32, #tpu.memory_space<vmem_shared>> -> memref<10000x128xf32, #tpu.memory_space<vmem_shared>>
      %dma_start3A_230 = tpu.memref_slice %arg13[%rem3A_180] : memref<3x!tpu.dma_semaphore, #tpu.memory_space<semaphore_mem>> -> memref<1x!tpu.dma_semaphore, #tpu.memory_space<semaphore_mem>>
      %dma_start3A_231 = tpu.memref_squeeze %dma_start3A_230 : memref<1x!tpu.dma_semaphore, #tpu.memory_space<semaphore_mem>> -> memref<!tpu.dma_semaphore, #tpu.memory_space<semaphore_mem>>
      tpu.enqueue_indirect_dma source(%dma_start3A_223 : memref<128x128xf32, #tpu.memory_space<vmem>>) target(%dma_start3A_229 : memref<10000x128xf32, #tpu.memory_space<vmem_shared>>) offsets(%dma_start3A_226 : memref<128xi32, #tpu.memory_space<vmem>>) semaphore(%dma_start3A_231 : memref<!tpu.dma_semaphore, #tpu.memory_space<semaphore_mem>>) {add = true}
      %while3A_232 = arith.constant 0 : i32
      scf.yield %while3A_232 : i32
    }
    %sub3A = arith.constant 2 : i32
    %sub3A_133 = arith.subi %add3A_38, %sub3A : i32
    %rem3A_134 = arith.constant 3 : i32
    %rem3A_135 = arith.remsi %sub3A_133, %rem3A_134 : i32
    %dma_wait3A_136 = arith.constant 0 : i32
    %dma_wait3A_137 = arith.constant 0 : i32
    %dma_wait3A_138 = tpu.memref_slice %arg8[%rem3A_135, %dma_wait3A_136, %dma_wait3A_137] : memref<3x128x128xf32, #tpu.memory_space<vmem>> -> memref<1x128x128xf32, #tpu.memory_space<vmem>>
    %dma_wait3A_139 = tpu.memref_squeeze %dma_wait3A_138 : memref<1x128x128xf32, #tpu.memory_space<vmem>> -> memref<128x128xf32, #tpu.memory_space<vmem>>
    %dma_wait3A_140 = arith.constant 0 : i32
    %dma_wait3A_141 = tpu.memref_slice %arg7[%rem3A_135, %dma_wait3A_140] : memref<3x128xi32, #tpu.memory_space<vmem>> -> memref<1x128xi32, #tpu.memory_space<vmem>>
    %dma_wait3A_142 = tpu.memref_squeeze %dma_wait3A_141 : memref<1x128xi32, #tpu.memory_space<vmem>> -> memref<128xi32, #tpu.memory_space<vmem>>
    %dma_wait3A_143 = arith.constant 0 : i32
    %dma_wait3A_144 = arith.constant 0 : i32
    %dma_wait3A_145 = tpu.memref_slice %arg9[%dma_wait3A_143, %dma_wait3A_144] : memref<10000x128xf32, #tpu.memory_space<vmem_shared>> -> memref<10000x128xf32, #tpu.memory_space<vmem_shared>>
    %dma_wait3A_146 = tpu.memref_slice %arg13[%rem3A_135] : memref<3x!tpu.dma_semaphore, #tpu.memory_space<semaphore_mem>> -> memref<1x!tpu.dma_semaphore, #tpu.memory_space<semaphore_mem>>
    %dma_wait3A_147 = tpu.memref_squeeze %dma_wait3A_146 : memref<1x!tpu.dma_semaphore, #tpu.memory_space<semaphore_mem>> -> memref<!tpu.dma_semaphore, #tpu.memory_space<semaphore_mem>>
    tpu.wait_indirect_dma semaphore(%dma_wait3A_147 : memref<!tpu.dma_semaphore, #tpu.memory_space<semaphore_mem>>) src(%dma_wait3A_139 : memref<128x128xf32, #tpu.memory_space<vmem>>) dst(%dma_wait3A_145 : memref<10000x128xf32, #tpu.memory_space<vmem_shared>>)
    %sub3A_148 = arith.constant 1 : i32
    %sub3A_149 = arith.subi %add3A_38, %sub3A_148 : i32
    %rem3A_150 = arith.constant 3 : i32
    %rem3A_151 = arith.remsi %sub3A_149, %rem3A_150 : i32
    %dma_wait3A_152 = arith.constant 0 : i32
    %dma_wait3A_153 = arith.constant 0 : i32
    %dma_wait3A_154 = tpu.memref_slice %arg8[%rem3A_151, %dma_wait3A_152, %dma_wait3A_153] : memref<3x128x128xf32, #tpu.memory_space<vmem>> -> memref<1x128x128xf32, #tpu.memory_space<vmem>>
    %dma_wait3A_155 = tpu.memref_squeeze %dma_wait3A_154 : memref<1x128x128xf32, #tpu.memory_space<vmem>> -> memref<128x128xf32, #tpu.memory_space<vmem>>
    %dma_wait3A_156 = arith.constant 0 : i32
    %dma_wait3A_157 = tpu.memref_slice %arg7[%rem3A_151, %dma_wait3A_156] : memref<3x128xi32, #tpu.memory_space<vmem>> -> memref<1x128xi32, #tpu.memory_space<vmem>>
    %dma_wait3A_158 = tpu.memref_squeeze %dma_wait3A_157 : memref<1x128xi32, #tpu.memory_space<vmem>> -> memref<128xi32, #tpu.memory_space<vmem>>
    %dma_wait3A_159 = arith.constant 0 : i32
    %dma_wait3A_160 = arith.constant 0 : i32
    %dma_wait3A_161 = tpu.memref_slice %arg9[%dma_wait3A_159, %dma_wait3A_160] : memref<10000x128xf32, #tpu.memory_space<vmem_shared>> -> memref<10000x128xf32, #tpu.memory_space<vmem_shared>>
    %dma_wait3A_162 = tpu.memref_slice %arg13[%rem3A_151] : memref<3x!tpu.dma_semaphore, #tpu.memory_space<semaphore_mem>> -> memref<1x!tpu.dma_semaphore, #tpu.memory_space<semaphore_mem>>
    %dma_wait3A_163 = tpu.memref_squeeze %dma_wait3A_162 : memref<1x!tpu.dma_semaphore, #tpu.memory_space<semaphore_mem>> -> memref<!tpu.dma_semaphore, #tpu.memory_space<semaphore_mem>>
    tpu.wait_indirect_dma semaphore(%dma_wait3A_163 : memref<!tpu.dma_semaphore, #tpu.memory_space<semaphore_mem>>) src(%dma_wait3A_155 : memref<128x128xf32, #tpu.memory_space<vmem>>) dst(%dma_wait3A_161 : memref<10000x128xf32, #tpu.memory_space<vmem_shared>>)
    %barrier3A_164 = arith.constant 0 : index
    tpu.barrier barrier_id(%barrier3A_164)
    %while3A_165 = arith.constant 0 : i32
    %while3A_166 = arith.constant 0 : i32
    %while3A_167 = arith.subi %add3A_15, %while3A_165 : i32
    %while3A_168 = arith.addi %while3A_165, %while3A_167 : i32
    %while3A_169 = arith.constant 1 : i32
    %while3A_170 = arith.divsi %while3A_167, %while3A_169 : i32
    %while3A_171 = arith.muli %while3A_170, %while3A_169 : i32
    %while3A_172 = arith.addi %while3A_165, %while3A_171 : i32
    %while3A_173 = arith.constant 1 : i32
    %while3A_174 = scf.for %while3A_177 = %while3A_165 to %while3A_172 step %while3A_173 iter_args(%while3A_178 = %while3A_166) -> (i32)  : i32 {
      %add3A_179 = arith.addi %add3A_11, %while3A_177 : i32
      %mul3A_180 = arith.constant 8 : i32
      %mul3A_181 = arith.muli %add3A_179, %mul3A_180 : i32
      "tpu.region"() ({
        %run_scoped3A = tpu.sem_alloc : memref<!tpu.dma_semaphore, #tpu.memory_space<semaphore_mem>>
        %dma_start3A_183 = arith.constant 0 : i32
        %dma_start3A_184 = tpu.memref_slice %arg5[%arg0, %mul3A_181, %dma_start3A_183] : memref<2x10000x128xf32, #tpu.memory_space<hbm>> -> memref<1x8x128xf32, #tpu.memory_space<hbm>>
        %dma_start3A_185 = tpu.memref_squeeze %dma_start3A_184 : memref<1x8x128xf32, #tpu.memory_space<hbm>> -> memref<8x128xf32, #tpu.memory_space<hbm>>
        %dma_start3A_186 = arith.constant 0 : i32
        %dma_start3A_187 = tpu.memref_slice %arg9[%mul3A_181, %dma_start3A_186] : memref<10000x128xf32, #tpu.memory_space<vmem_shared>> -> memref<8x128xf32, #tpu.memory_space<vmem_shared>>
        tpu.enqueue_dma source(%dma_start3A_187 : memref<8x128xf32, #tpu.memory_space<vmem_shared>>) target(%dma_start3A_185 : memref<8x128xf32, #tpu.memory_space<hbm>>) target_semaphore(%run_scoped3A : memref<!tpu.dma_semaphore, #tpu.memory_space<semaphore_mem>>)
        %dma_wait3A_188 = arith.constant 0 : i32
        %dma_wait3A_189 = tpu.memref_slice %arg5[%arg0, %mul3A_181, %dma_wait3A_188] : memref<2x10000x128xf32, #tpu.memory_space<hbm>> -> memref<1x8x128xf32, #tpu.memory_space<hbm>>
        %dma_wait3A_190 = tpu.memref_squeeze %dma_wait3A_189 : memref<1x8x128xf32, #tpu.memory_space<hbm>> -> memref<8x128xf32, #tpu.memory_space<hbm>>
        %dma_wait3A_191 = arith.constant 0 : i32
        %dma_wait3A_192 = tpu.memref_slice %arg9[%mul3A_181, %dma_wait3A_191] : memref<10000x128xf32, #tpu.memory_space<vmem_shared>> -> memref<8x128xf32, #tpu.memory_space<vmem_shared>>
        tpu.wait_dma2 semaphore(%run_scoped3A : memref<!tpu.dma_semaphore, #tpu.memory_space<semaphore_mem>>) src(%dma_wait3A_192 : memref<8x128xf32, #tpu.memory_space<vmem_shared>>) dst(%dma_wait3A_190 : memref<8x128xf32, #tpu.memory_space<hbm>>)
        tpu.yield
      }) : () -> ()
      %while3A_182 = arith.constant 0 : i32
      scf.yield %while3A_182 : i32
    }
    %while3A_175 = arith.constant 1 : i32
    %while3A_176 = scf.for %while3A_177 = %while3A_172 to %while3A_168 step %while3A_175 iter_args(%while3A_178 = %while3A_174) -> (i32)  : i32 {
      %add3A_179 = arith.addi %add3A_11, %while3A_177 : i32
      %mul3A_180 = arith.constant 8 : i32
      %mul3A_181 = arith.muli %add3A_179, %mul3A_180 : i32
      "tpu.region"() ({
        %run_scoped3A = tpu.sem_alloc : memref<!tpu.dma_semaphore, #tpu.memory_space<semaphore_mem>>
        %dma_start3A_183 = arith.constant 0 : i32
        %dma_start3A_184 = tpu.memref_slice %arg5[%arg0, %mul3A_181, %dma_start3A_183] : memref<2x10000x128xf32, #tpu.memory_space<hbm>> -> memref<1x8x128xf32, #tpu.memory_space<hbm>>
        %dma_start3A_185 = tpu.memref_squeeze %dma_start3A_184 : memref<1x8x128xf32, #tpu.memory_space<hbm>> -> memref<8x128xf32, #tpu.memory_space<hbm>>
        %dma_start3A_186 = arith.constant 0 : i32
        %dma_start3A_187 = tpu.memref_slice %arg9[%mul3A_181, %dma_start3A_186] : memref<10000x128xf32, #tpu.memory_space<vmem_shared>> -> memref<8x128xf32, #tpu.memory_space<vmem_shared>>
        tpu.enqueue_dma source(%dma_start3A_187 : memref<8x128xf32, #tpu.memory_space<vmem_shared>>) target(%dma_start3A_185 : memref<8x128xf32, #tpu.memory_space<hbm>>) target_semaphore(%run_scoped3A : memref<!tpu.dma_semaphore, #tpu.memory_space<semaphore_mem>>)
        %dma_wait3A_188 = arith.constant 0 : i32
        %dma_wait3A_189 = tpu.memref_slice %arg5[%arg0, %mul3A_181, %dma_wait3A_188] : memref<2x10000x128xf32, #tpu.memory_space<hbm>> -> memref<1x8x128xf32, #tpu.memory_space<hbm>>
        %dma_wait3A_190 = tpu.memref_squeeze %dma_wait3A_189 : memref<1x8x128xf32, #tpu.memory_space<hbm>> -> memref<8x128xf32, #tpu.memory_space<hbm>>
        %dma_wait3A_191 = arith.constant 0 : i32
        %dma_wait3A_192 = tpu.memref_slice %arg9[%mul3A_181, %dma_wait3A_191] : memref<10000x128xf32, #tpu.memory_space<vmem_shared>> -> memref<8x128xf32, #tpu.memory_space<vmem_shared>>
        tpu.wait_dma2 semaphore(%run_scoped3A : memref<!tpu.dma_semaphore, #tpu.memory_space<semaphore_mem>>) src(%dma_wait3A_192 : memref<8x128xf32, #tpu.memory_space<vmem_shared>>) dst(%dma_wait3A_190 : memref<8x128xf32, #tpu.memory_space<hbm>>)
        tpu.yield
      }) : () -> ()
      %while3A_182 = arith.constant 0 : i32
      scf.yield %while3A_182 : i32
    }
    return
  }
}

module attributes {stable_mosaic.version = 14 : i64} {
  func.func @_tc1_body(%arg0: i32, %arg1: memref<2x2000x128xf32, #tpu.memory_space<vmem>>, %arg2: memref<2000x128xf32, #tpu.memory_space<vmem>>, %arg3: memref<2000x128xf32, #tpu.memory_space<vmem>>, %arg4: memref<128x128xf32, #tpu.memory_space<vmem>>, %arg5: memref<128x128xf32, #tpu.memory_space<vmem>>, %arg6: memref<1x128xf32, #tpu.memory_space<vmem>>, %arg7: memref<1x128xf32, #tpu.memory_space<vmem>>, %arg8: memref<1x128xf32, #tpu.memory_space<vmem>>, %arg9: memref<2000x128xf32, #tpu.memory_space<vmem>>) attributes {dimension_semantics = [#tpu.dimension_semantics<arbitrary>], iteration_bounds = array<i64: 5>, scalar_prefetch = 0 : i64, scratch_operands = 0 : i64, tpu.core_type = #tpu.core_type<tc>, window_params = [{transform_indices = @transform_0, window_bounds = array<i64: 2, 2000, 128>}, {transform_indices = @transform_1, window_bounds = array<i64: 2000, 128>}, {transform_indices = @transform_2, window_bounds = array<i64: 2000, 128>}, {pipeline_mode = #tpu.pipeline_mode<synchronous>, transform_indices = @transform_3, window_bounds = array<i64: 128, 128>}, {pipeline_mode = #tpu.pipeline_mode<synchronous>, transform_indices = @transform_4, window_bounds = array<i64: 128, 128>}, {pipeline_mode = #tpu.pipeline_mode<synchronous>, transform_indices = @transform_5, window_bounds = array<i64: 1, 128>}, {pipeline_mode = #tpu.pipeline_mode<synchronous>, transform_indices = @transform_6, window_bounds = array<i64: 1, 128>}, {pipeline_mode = #tpu.pipeline_mode<synchronous>, transform_indices = @transform_7, window_bounds = array<i64: 1, 128>}, {transform_indices = @transform_8, window_bounds = array<i64: 2000, 128>}]} {
    %get3A = arith.constant 0 : index
    %get3A_0 = arith.constant 0 : index
    %get3A_1 = arith.constant 0 : index
    %get3A_2 = vector.load %arg1[%get3A, %get3A_0, %get3A_1] : memref<2x2000x128xf32, #tpu.memory_space<vmem>>, vector<1x2000x128xf32>
    %get3A_3 = vector.shape_cast %get3A_2 : vector<1x2000x128xf32> to vector<2000x128xf32>
    %get3A_4 = arith.constant 1 : index
    %get3A_5 = arith.constant 0 : index
    %get3A_6 = arith.constant 0 : index
    %get3A_7 = vector.load %arg1[%get3A_4, %get3A_5, %get3A_6] : memref<2x2000x128xf32, #tpu.memory_space<vmem>>, vector<1x2000x128xf32>
    %get3A_8 = vector.shape_cast %get3A_7 : vector<1x2000x128xf32> to vector<2000x128xf32>
    %add3A = arith.addf %get3A_3, %get3A_8 : vector<2000x128xf32>
    %get3A_9 = arith.constant 0 : index
    %get3A_10 = arith.constant 0 : index
    %get3A_11 = vector.load %arg2[%get3A_9, %get3A_10] : memref<2000x128xf32, #tpu.memory_space<vmem>>, vector<2000x128xf32>
    %max3A = arith.constant 1.000000e+00 : f32
    %max3A_12 = vector.broadcast %max3A : f32 to vector<2000x128xf32>
    %max3A_13 = arith.maximumf %get3A_11, %max3A_12 : vector<2000x128xf32>
    %div3A = arith.constant 1.000000e+00 : f32
    %div3A_14 = vector.broadcast %div3A : f32 to vector<2000x128xf32>
    %div3A_15 = arith.divf %div3A_14, %max3A_13 : vector<2000x128xf32>
    %mul3A = arith.mulf %add3A, %div3A_15 : vector<2000x128xf32>
    %get3A_16 = arith.constant 0 : index
    %get3A_17 = arith.constant 0 : index
    %get3A_18 = vector.load %arg4[%get3A_16, %get3A_17] : memref<128x128xf32, #tpu.memory_space<vmem>>, vector<128x128xf32>
    %dot_general3A = arith.constant dense<0.000000e+00> : vector<2000x128xf32>
    %dot_general3A_19 = tpu.matmul %mul3A, %get3A_18, %dot_general3A {dimension_numbers = #tpu.dot_dimension_numbers<[1], [1], [0], [0], [0, 0, 1, 0], [], []>, transpose_lhs_hint = false} : vector<2000x128xf32>, vector<128x128xf32>, vector<2000x128xf32> -> vector<2000x128xf32>
    %get3A_20 = arith.constant 0 : index
    %get3A_21 = arith.constant 0 : index
    %get3A_22 = vector.load %arg3[%get3A_20, %get3A_21] : memref<2000x128xf32, #tpu.memory_space<vmem>>, vector<2000x128xf32>
    %get3A_23 = arith.constant 0 : index
    %get3A_24 = arith.constant 0 : index
    %get3A_25 = vector.load %arg5[%get3A_23, %get3A_24] : memref<128x128xf32, #tpu.memory_space<vmem>>, vector<128x128xf32>
    %dot_general3A_26 = arith.constant dense<0.000000e+00> : vector<2000x128xf32>
    %dot_general3A_27 = tpu.matmul %get3A_22, %get3A_25, %dot_general3A_26 {dimension_numbers = #tpu.dot_dimension_numbers<[1], [1], [0], [0], [0, 0, 1, 0], [], []>, transpose_lhs_hint = false} : vector<2000x128xf32>, vector<128x128xf32>, vector<2000x128xf32> -> vector<2000x128xf32>
    %add3A_28 = arith.addf %dot_general3A_19, %dot_general3A_27 : vector<2000x128xf32>
    %get3A_29 = arith.constant 0 : index
    %get3A_30 = arith.constant 0 : index
    %get3A_31 = vector.load %arg6[%get3A_29, %get3A_30] : memref<1x128xf32, #tpu.memory_space<vmem>>, vector<1x128xf32>
    %add3A_32 = vector.broadcast %get3A_31 : vector<1x128xf32> to vector<2000x128xf32>
    %add3A_33 = arith.addf %add3A_28, %add3A_32 : vector<2000x128xf32>
    %get3A_34 = arith.constant 0 : index
    %get3A_35 = arith.constant 0 : index
    %get3A_36 = vector.load %arg7[%get3A_34, %get3A_35] : memref<1x128xf32, #tpu.memory_space<vmem>>, vector<1x128xf32>
    %mul3A_37 = arith.constant 0.999994993 : f32
    %mul3A_38 = vector.broadcast %mul3A_37 : f32 to vector<1x128xf32>
    %mul3A_39 = arith.mulf %get3A_36, %mul3A_38 : vector<1x128xf32>
    %mul3A_40 = vector.broadcast %mul3A_39 : vector<1x128xf32> to vector<2000x128xf32>
    %mul3A_41 = arith.mulf %add3A_33, %mul3A_40 : vector<2000x128xf32>
    %get3A_42 = arith.constant 0 : index
    %get3A_43 = arith.constant 0 : index
    %get3A_44 = vector.load %arg8[%get3A_42, %get3A_43] : memref<1x128xf32, #tpu.memory_space<vmem>>, vector<1x128xf32>
    %add3A_45 = vector.broadcast %get3A_44 : vector<1x128xf32> to vector<2000x128xf32>
    %add3A_46 = arith.addf %mul3A_41, %add3A_45 : vector<2000x128xf32>
    %max3A_47 = arith.constant 0.000000e+00 : f32
    %max3A_48 = vector.broadcast %max3A_47 : f32 to vector<2000x128xf32>
    %max3A_49 = arith.maximumf %add3A_46, %max3A_48 : vector<2000x128xf32>
    %swap3A = arith.constant 0 : index
    %swap3A_50 = arith.constant 0 : index
    %swap3A_51 = vector.load %arg9[%swap3A, %swap3A_50] : memref<2000x128xf32, #tpu.memory_space<vmem>>, vector<2000x128xf32>
    tpu.vector_store %arg9[%swap3A, %swap3A_50], %max3A_49 {strides = array<i32>} : memref<2000x128xf32, #tpu.memory_space<vmem>>, vector<2000x128xf32>,
    return
  }
  func.func @transform_0(%arg0: i32) -> (i32, i32, i32) {
    %c0_i32 = arith.constant 0 : i32
    %c0_i32_0 = arith.constant 0 : i32
    %c0_i32_1 = arith.constant 0 : i32
    return %c0_i32, %arg0, %c0_i32_0 : i32, i32, i32
  }
  func.func @transform_1(%arg0: i32) -> (i32, i32) {
    %c0_i32 = arith.constant 0 : i32
    %c0_i32_0 = arith.constant 0 : i32
    return %arg0, %c0_i32 : i32, i32
  }
  func.func @transform_2(%arg0: i32) -> (i32, i32) {
    %c0_i32 = arith.constant 0 : i32
    %c0_i32_0 = arith.constant 0 : i32
    return %arg0, %c0_i32 : i32, i32
  }
  func.func @transform_3(%arg0: i32) -> (i32, i32) {
    %c0_i32 = arith.constant 0 : i32
    %c0_i32_0 = arith.constant 0 : i32
    %c0_i32_1 = arith.constant 0 : i32
    return %c0_i32, %c0_i32_0 : i32, i32
  }
  func.func @transform_4(%arg0: i32) -> (i32, i32) {
    %c0_i32 = arith.constant 0 : i32
    %c0_i32_0 = arith.constant 0 : i32
    %c0_i32_1 = arith.constant 0 : i32
    return %c0_i32, %c0_i32_0 : i32, i32
  }
  func.func @transform_5(%arg0: i32) -> (i32, i32) {
    %c0_i32 = arith.constant 0 : i32
    %c0_i32_0 = arith.constant 0 : i32
    %c0_i32_1 = arith.constant 0 : i32
    return %c0_i32, %c0_i32_0 : i32, i32
  }
  func.func @transform_6(%arg0: i32) -> (i32, i32) {
    %c0_i32 = arith.constant 0 : i32
    %c0_i32_0 = arith.constant 0 : i32
    %c0_i32_1 = arith.constant 0 : i32
    return %c0_i32, %c0_i32_0 : i32, i32
  }
  func.func @transform_7(%arg0: i32) -> (i32, i32) {
    %c0_i32 = arith.constant 0 : i32
    %c0_i32_0 = arith.constant 0 : i32
    %c0_i32_1 = arith.constant 0 : i32
    return %c0_i32, %c0_i32_0 : i32, i32
  }
  func.func @transform_8(%arg0: i32) -> (i32, i32) {
    %c0_i32 = arith.constant 0 : i32
    %c0_i32_0 = arith.constant 0 : i32
    return %arg0, %c0_i32 : i32, i32
  }
}

module attributes {stable_mosaic.version = 14 : i64} {
  func.func @_tc2_body(%arg0: i32, %arg1: memref<2x2000x128xf32, #tpu.memory_space<vmem>>, %arg2: memref<2000x128xf32, #tpu.memory_space<vmem>>, %arg3: memref<2000x128xf32, #tpu.memory_space<vmem>>, %arg4: memref<128x128xf32, #tpu.memory_space<vmem>>, %arg5: memref<128x128xf32, #tpu.memory_space<vmem>>, %arg6: memref<1x128xf32, #tpu.memory_space<vmem>>, %arg7: memref<1x128xf32, #tpu.memory_space<vmem>>, %arg8: memref<1x128xf32, #tpu.memory_space<vmem>>, %arg9: memref<128x128xf32, #tpu.memory_space<vmem>>, %arg10: memref<1x128xf32, #tpu.memory_space<vmem>>, %arg11: memref<2000x128xf32, #tpu.memory_space<vmem>>) attributes {dimension_semantics = [#tpu.dimension_semantics<arbitrary>], iteration_bounds = array<i64: 5>, scalar_prefetch = 0 : i64, scratch_operands = 0 : i64, tpu.core_type = #tpu.core_type<tc>, window_params = [{transform_indices = @transform_0, window_bounds = array<i64: 2, 2000, 128>}, {transform_indices = @transform_1, window_bounds = array<i64: 2000, 128>}, {transform_indices = @transform_2, window_bounds = array<i64: 2000, 128>}, {pipeline_mode = #tpu.pipeline_mode<synchronous>, transform_indices = @transform_3, window_bounds = array<i64: 128, 128>}, {pipeline_mode = #tpu.pipeline_mode<synchronous>, transform_indices = @transform_4, window_bounds = array<i64: 128, 128>}, {pipeline_mode = #tpu.pipeline_mode<synchronous>, transform_indices = @transform_5, window_bounds = array<i64: 1, 128>}, {pipeline_mode = #tpu.pipeline_mode<synchronous>, transform_indices = @transform_6, window_bounds = array<i64: 1, 128>}, {pipeline_mode = #tpu.pipeline_mode<synchronous>, transform_indices = @transform_7, window_bounds = array<i64: 1, 128>}, {pipeline_mode = #tpu.pipeline_mode<synchronous>, transform_indices = @transform_8, window_bounds = array<i64: 128, 128>}, {pipeline_mode = #tpu.pipeline_mode<synchronous>, transform_indices = @transform_9, window_bounds = array<i64: 1, 128>}, {transform_indices = @transform_10, window_bounds = array<i64: 2000, 128>}]} {
    %get3A = arith.constant 0 : index
    %get3A_0 = arith.constant 0 : index
    %get3A_1 = arith.constant 0 : index
    %get3A_2 = vector.load %arg1[%get3A, %get3A_0, %get3A_1] : memref<2x2000x128xf32, #tpu.memory_space<vmem>>, vector<1x2000x128xf32>
    %get3A_3 = vector.shape_cast %get3A_2 : vector<1x2000x128xf32> to vector<2000x128xf32>
    %get3A_4 = arith.constant 1 : index
    %get3A_5 = arith.constant 0 : index
    %get3A_6 = arith.constant 0 : index
    %get3A_7 = vector.load %arg1[%get3A_4, %get3A_5, %get3A_6] : memref<2x2000x128xf32, #tpu.memory_space<vmem>>, vector<1x2000x128xf32>
    %get3A_8 = vector.shape_cast %get3A_7 : vector<1x2000x128xf32> to vector<2000x128xf32>
    %add3A = arith.addf %get3A_3, %get3A_8 : vector<2000x128xf32>
    %get3A_9 = arith.constant 0 : index
    %get3A_10 = arith.constant 0 : index
    %get3A_11 = vector.load %arg2[%get3A_9, %get3A_10] : memref<2000x128xf32, #tpu.memory_space<vmem>>, vector<2000x128xf32>
    %max3A = arith.constant 1.000000e+00 : f32
    %max3A_12 = vector.broadcast %max3A : f32 to vector<2000x128xf32>
    %max3A_13 = arith.maximumf %get3A_11, %max3A_12 : vector<2000x128xf32>
    %div3A = arith.constant 1.000000e+00 : f32
    %div3A_14 = vector.broadcast %div3A : f32 to vector<2000x128xf32>
    %div3A_15 = arith.divf %div3A_14, %max3A_13 : vector<2000x128xf32>
    %mul3A = arith.mulf %add3A, %div3A_15 : vector<2000x128xf32>
    %get3A_16 = arith.constant 0 : index
    %get3A_17 = arith.constant 0 : index
    %get3A_18 = vector.load %arg4[%get3A_16, %get3A_17] : memref<128x128xf32, #tpu.memory_space<vmem>>, vector<128x128xf32>
    %dot_general3A = arith.constant dense<0.000000e+00> : vector<2000x128xf32>
    %dot_general3A_19 = tpu.matmul %mul3A, %get3A_18, %dot_general3A {dimension_numbers = #tpu.dot_dimension_numbers<[1], [1], [0], [0], [0, 0, 1, 0], [], []>, transpose_lhs_hint = false} : vector<2000x128xf32>, vector<128x128xf32>, vector<2000x128xf32> -> vector<2000x128xf32>
    %get3A_20 = arith.constant 0 : index
    %get3A_21 = arith.constant 0 : index
    %get3A_22 = vector.load %arg3[%get3A_20, %get3A_21] : memref<2000x128xf32, #tpu.memory_space<vmem>>, vector<2000x128xf32>
    %get3A_23 = arith.constant 0 : index
    %get3A_24 = arith.constant 0 : index
    %get3A_25 = vector.load %arg5[%get3A_23, %get3A_24] : memref<128x128xf32, #tpu.memory_space<vmem>>, vector<128x128xf32>
    %dot_general3A_26 = arith.constant dense<0.000000e+00> : vector<2000x128xf32>
    %dot_general3A_27 = tpu.matmul %get3A_22, %get3A_25, %dot_general3A_26 {dimension_numbers = #tpu.dot_dimension_numbers<[1], [1], [0], [0], [0, 0, 1, 0], [], []>, transpose_lhs_hint = false} : vector<2000x128xf32>, vector<128x128xf32>, vector<2000x128xf32> -> vector<2000x128xf32>
    %add3A_28 = arith.addf %dot_general3A_19, %dot_general3A_27 : vector<2000x128xf32>
    %get3A_29 = arith.constant 0 : index
    %get3A_30 = arith.constant 0 : index
    %get3A_31 = vector.load %arg6[%get3A_29, %get3A_30] : memref<1x128xf32, #tpu.memory_space<vmem>>, vector<1x128xf32>
    %add3A_32 = vector.broadcast %get3A_31 : vector<1x128xf32> to vector<2000x128xf32>
    %add3A_33 = arith.addf %add3A_28, %add3A_32 : vector<2000x128xf32>
    %get3A_34 = arith.constant 0 : index
    %get3A_35 = arith.constant 0 : index
    %get3A_36 = vector.load %arg7[%get3A_34, %get3A_35] : memref<1x128xf32, #tpu.memory_space<vmem>>, vector<1x128xf32>
    %mul3A_37 = arith.constant 0.999994993 : f32
    %mul3A_38 = vector.broadcast %mul3A_37 : f32 to vector<1x128xf32>
    %mul3A_39 = arith.mulf %get3A_36, %mul3A_38 : vector<1x128xf32>
    %mul3A_40 = vector.broadcast %mul3A_39 : vector<1x128xf32> to vector<2000x128xf32>
    %mul3A_41 = arith.mulf %add3A_33, %mul3A_40 : vector<2000x128xf32>
    %get3A_42 = arith.constant 0 : index
    %get3A_43 = arith.constant 0 : index
    %get3A_44 = vector.load %arg8[%get3A_42, %get3A_43] : memref<1x128xf32, #tpu.memory_space<vmem>>, vector<1x128xf32>
    %add3A_45 = vector.broadcast %get3A_44 : vector<1x128xf32> to vector<2000x128xf32>
    %add3A_46 = arith.addf %mul3A_41, %add3A_45 : vector<2000x128xf32>
    %get3A_47 = arith.constant 0 : index
    %get3A_48 = arith.constant 0 : index
    %get3A_49 = vector.load %arg3[%get3A_47, %get3A_48] : memref<2000x128xf32, #tpu.memory_space<vmem>>, vector<2000x128xf32>
    %max3A_50 = arith.constant 0.000000e+00 : f32
    %max3A_51 = vector.broadcast %max3A_50 : f32 to vector<2000x128xf32>
    %max3A_52 = arith.maximumf %add3A_46, %max3A_51 : vector<2000x128xf32>
    %add3A_53 = arith.addf %get3A_49, %max3A_52 : vector<2000x128xf32>
    %get3A_54 = arith.constant 0 : index
    %get3A_55 = arith.constant 0 : index
    %get3A_56 = vector.load %arg9[%get3A_54, %get3A_55] : memref<128x128xf32, #tpu.memory_space<vmem>>, vector<128x128xf32>
    %dot_general3A_57 = arith.constant dense<0.000000e+00> : vector<2000x128xf32>
    %dot_general3A_58 = tpu.matmul %add3A_53, %get3A_56, %dot_general3A_57 {dimension_numbers = #tpu.dot_dimension_numbers<[1], [1], [0], [0], [0, 0, 1, 0], [], []>, transpose_lhs_hint = false} : vector<2000x128xf32>, vector<128x128xf32>, vector<2000x128xf32> -> vector<2000x128xf32>
    %get3A_59 = arith.constant 0 : index
    %get3A_60 = arith.constant 0 : index
    %get3A_61 = vector.load %arg10[%get3A_59, %get3A_60] : memref<1x128xf32, #tpu.memory_space<vmem>>, vector<1x128xf32>
    %add3A_62 = vector.broadcast %get3A_61 : vector<1x128xf32> to vector<2000x128xf32>
    %add3A_63 = arith.addf %dot_general3A_58, %add3A_62 : vector<2000x128xf32>
    %swap3A = arith.constant 0 : index
    %swap3A_64 = arith.constant 0 : index
    %swap3A_65 = vector.load %arg11[%swap3A, %swap3A_64] : memref<2000x128xf32, #tpu.memory_space<vmem>>, vector<2000x128xf32>
    tpu.vector_store %arg11[%swap3A, %swap3A_64], %add3A_63 {strides = array<i32>} : memref<2000x128xf32, #tpu.memory_space<vmem>>, vector<2000x128xf32>,
    return
  }
  func.func @transform_0(%arg0: i32) -> (i32, i32, i32) {
    %c0_i32 = arith.constant 0 : i32
    %c0_i32_0 = arith.constant 0 : i32
    %c0_i32_1 = arith.constant 0 : i32
    return %c0_i32, %arg0, %c0_i32_0 : i32, i32, i32
  }
  func.func @transform_1(%arg0: i32) -> (i32, i32) {
    %c0_i32 = arith.constant 0 : i32
    %c0_i32_0 = arith.constant 0 : i32
    return %arg0, %c0_i32 : i32, i32
  }
  func.func @transform_2(%arg0: i32) -> (i32, i32) {
    %c0_i32 = arith.constant 0 : i32
    %c0_i32_0 = arith.constant 0 : i32
    return %arg0, %c0_i32 : i32, i32
  }
  func.func @transform_3(%arg0: i32) -> (i32, i32) {
    %c0_i32 = arith.constant 0 : i32
    %c0_i32_0 = arith.constant 0 : i32
    %c0_i32_1 = arith.constant 0 : i32
    return %c0_i32, %c0_i32_0 : i32, i32
  }
  func.func @transform_4(%arg0: i32) -> (i32, i32) {
    %c0_i32 = arith.constant 0 : i32
    %c0_i32_0 = arith.constant 0 : i32
    %c0_i32_1 = arith.constant 0 : i32
    return %c0_i32, %c0_i32_0 : i32, i32
  }
  func.func @transform_5(%arg0: i32) -> (i32, i32) {
    %c0_i32 = arith.constant 0 : i32
    %c0_i32_0 = arith.constant 0 : i32
    %c0_i32_1 = arith.constant 0 : i32
    return %c0_i32, %c0_i32_0 : i32, i32
  }
  func.func @transform_6(%arg0: i32) -> (i32, i32) {
    %c0_i32 = arith.constant 0 : i32
    %c0_i32_0 = arith.constant 0 : i32
    %c0_i32_1 = arith.constant 0 : i32
    return %c0_i32, %c0_i32_0 : i32, i32
  }
  func.func @transform_7(%arg0: i32) -> (i32, i32) {
    %c0_i32 = arith.constant 0 : i32
    %c0_i32_0 = arith.constant 0 : i32
    %c0_i32_1 = arith.constant 0 : i32
    return %c0_i32, %c0_i32_0 : i32, i32
  }
  func.func @transform_8(%arg0: i32) -> (i32, i32) {
    %c0_i32 = arith.constant 0 : i32
    %c0_i32_0 = arith.constant 0 : i32
    %c0_i32_1 = arith.constant 0 : i32
    return %c0_i32, %c0_i32_0 : i32, i32
  }
  func.func @transform_9(%arg0: i32) -> (i32, i32) {
    %c0_i32 = arith.constant 0 : i32
    %c0_i32_0 = arith.constant 0 : i32
    %c0_i32_1 = arith.constant 0 : i32
    return %c0_i32, %c0_i32_0 : i32, i32
  }
  func.func @transform_10(%arg0: i32) -> (i32, i32) {
    %c0_i32 = arith.constant 0 : i32
    %c0_i32_0 = arith.constant 0 : i32
    return %arg0, %c0_i32 : i32, i32
  }
}

</mosaic_0001>

<sc_bundles>
// kernel: sc_degrees.3.cloned.1.call-start
scs
__scs_entry_jumppad:
0x0: {  	(pc) =	sbr.rel $0x88, $3  }
0x1: {  	(tag) =	ssettag $0x0;
	lr =	simm.s32 $0x1  }
0x2: {  	[smem:$0x3F93] =	sst lr;
	_ =	strace $0xD0000000  }
0x3: {  	_ = 	snop  }
0x4: {  	_ = 	snop  }
0x5: {  	_ = 	snop  }
0x6: {  	_ = 	snop  }
0x7: {  	_ = 	snop  }
__scs_overlays_trampoline_lowered:
0x8: {  	[smem:$0x3FA2] =	sst s0  }
0x9: {  	[smem:$0x3FA3] =	sst s1  }
0xa: {  	[smem:$0x3FA4] =	sst s2  }
0xb: {  	[smem:$0x3FA5] =	sst s3  }
0xc: {  	[smem:$0x3FA6] =	sst s4  }
0xd: {  	[smem:$0x3FA7] =	sst s5  }
0xe: {  	[smem:$0x3FA8] =	sst s6  }
0xf: {  	[smem:$0x3FA9] =	sst s7  }
0x10: {  	[smem:$0x3FAA] =	sst s8  }
0x11: {  	[smem:$0x3FAB] =	sst s9;
	s0 =	simm.s32 @!p0 $0x0  }
0x12: {  	s1 =	sld [smem:$0x3F91];
	s0 =	simm.s32 @p0 $0x1  }
0x13: {  	[smem:$0x3FAC] =	sst s0;
	s0 =	simm.s32 @!p1 $0x0  }
0x14: {  	s2 =	sld [smem:$0x3F90];
	s0 =	simm.s32 @p1 $0x1  }
0x15: {  	[smem:$0x3FAD] =	sst s0;
	s0 =	simm.s32 @!p2 $0x0  }
0x16: {  	s3 =	sld [smem:$0x3FDB];
	s0 =	simm.s32 @p2 $0x1  }
0x17: {  	s4 =	simm.s32 $0x1BF5;
	[smem:$0x3FAF] =	sst s0  }
0x18: {  	s0 =	sld [smem:$0x3F92];
	_ =	swait.ge [sflag:s4], $0x0  }
0x19: {  	s7 =	sld [smem:$0x3F93]  }
0x1a: {  	s8 =	sadd.s32 $0xFFFFE003, lr  }
0x1b: {  	s9 =	sadd.s32 $0xFFFFFEF7, lr;
	s5 =	simm.s32 $0xFFFFFFFF;
	p2 =	slt.u32 s8, $0xFFFFF086  }
0x1c: {  	p1 =	slt.u32 s9, $0xF7A;
	s5 =	simm.s32 @!p2 $0x0  }
0x1d: {  	s5 =	simm.s32 @p1 $0x1;
	p0 =	seq.s32 s7, s2  }
0x1e: {  	s7 =	smul.u32 @!p0 $0xF7A, s2;
	p2 =	seq.s32 @!p0 s5, $0x0  }
0x1f: {  	s9 =	smul.u32 $0xF7A, s1;
	s8 =	simm.s32 @!p0 $0x1BF5;
	p2 =	por !p2, p0  }
0x20: {  	[sflag:s8] =	ssyncset.s32 @!p0 $0xFFFFF086;
	s6 =	sadd.s32 @!p0 s3, s7;
	s7 =	simm.s32 @!p0 $0x108  }
0x21: {  	s3 =	sadd.s32 s3, s9;
	s6 =	sadd.s32 @!p0 $0x88, s6;
	s7 =	simm.s32 @p2 $0x1082  }
0x22: {  	[simem:s7], [sflag:s8] =	dma.local @!p0 [hbm:s6], $0xF7A  }
0x23: {  	s9 =	sor.u32 $0xD0000000, s2;
	s6 =	simm.s32 $0x108;
	_ =	swait.ge @!p0 [sflag:s8], $0x0  }
0x24: {  	s3 =	sadd.s32 $0x88, s3;
	s6 =	simm.s32 @!p1 $0x1082;
	[sflag:s4] =	ssyncset.s32 $0xFFFFF086  }
0x25: {  	[simem:s6], [sflag:s4] =	dma.local [hbm:s3], $0xF7A  }
0x26: {  	[smem:$0x3F93] =	sst s1;
	(tag) =	ssettag s2;
	_ =	strace s9  }
0x27: {  	s1 =	sld [smem:$0x3FA3]  }
0x28: {  	s2 =	sld [smem:$0x3FA4]  }
0x29: {  	s4 =	sld [smem:$0x3FA6]  }
0x2a: {  	p0 =	seq.s32 s5, $0x0;
	s5 =	sld [smem:$0x3FA7]  }
0x2b: {  	s6 =	sld [smem:$0x3FA8]  }
0x2c: {  	s7 =	sld [smem:$0x3FA9]  }
0x2d: {  	s3 =	simm.s32 $0x108;
	s8 =	sld [smem:$0x3FAA]  }
0x2e: {  	s3 =	simm.s32 @!p0 $0x1082;
	s9 =	sld [smem:$0x3FAB]  }
0x2f: {  	lr =	sadd.s32 s0, s3;
	s0 =	sld [smem:$0x3FA2]  }
0x30: {  	s3 =	sld [smem:$0x3FA5]  }
0x31: {  	[smem:$0x3FAE] =	sst s10  }
0x32: {  	s10 =	sld [smem:$0x3FAC];
	_ =	sdelay $0x3  }
0x33: {  	p0 =	seq.s32 s10, $0x1;
	s10 =	sld [smem:$0x3FAE];
	_ =	sdelay $0x3  }
0x34: {  	[smem:$0x3FAE] =	sst s10  }
0x35: {  	s10 =	sld [smem:$0x3FAD];
	_ =	sdelay $0x3  }
0x36: {  	p1 =	seq.s32 s10, $0x1;
	s10 =	sld [smem:$0x3FAE];
	_ =	sdelay $0x3  }
0x37: {  	[smem:$0x3FAE] =	sst s10  }
0x38: {  	s10 =	sld [smem:$0x3FAF]  }
0x39: {  	_ = 	snop;
	(pc) =	sbr.ind lr, $3  }
0x3a: {  	_ = 	snop  }
0x3b: {  	_ = 	snop  }
0x3c: {  	p2 =	seq.s32 s10, $0x1;
	s10 =	sld [smem:$0x3FAE]  }
0x3d: {  	_ =	shalt  }
0x3e: {  	_ =	shalt  }
0x3f: {  	_ =	shalt  }
0x40: {  	_ =	shalt  }
0x41: {  	_ =	shalt  }
0x42: {  	_ =	shalt  }
0x43: {  	_ =	shalt  }
0x44: {  	_ =	shalt  }
0x45: {  	_ =	shalt  }
0x46: {  	_ =	shalt  }
0x47: {  	_ =	shalt  }
0x48: {  	_ =	shalt  }
0x49: {  	_ =	shalt  }
0x4a: {  	_ =	shalt  }
0x4b: {  	_ =	shalt  }
0x4c: {  	_ =	shalt  }
0x4d: {  	_ =	shalt  }
0x4e: {  	_ =	shalt  }
0x4f: {  	_ =	shalt  }
0x50: {  	_ =	shalt  }
0x51: {  	_ =	shalt  }
0x52: {  	_ =	shalt  }
0x53: {  	_ =	shalt  }
0x54: {  	_ =	shalt  }
0x55: {  	_ =	shalt  }
0x56: {  	_ =	shalt  }
0x57: {  	_ =	shalt  }
0x58: {  	_ =	shalt  }
0x59: {  	_ =	shalt  }
0x5a: {  	_ =	shalt  }
0x5b: {  	_ =	shalt  }
0x5c: {  	_ =	shalt  }
0x5d: {  	_ =	shalt  }
0x5e: {  	_ =	shalt  }
0x5f: {  	_ =	shalt  }
0x60: {  	_ =	shalt  }
0x61: {  	_ =	shalt  }
0x62: {  	_ =	shalt  }
0x63: {  	_ =	shalt  }
0x64: {  	_ =	shalt  }
0x65: {  	_ =	shalt  }
0x66: {  	_ =	shalt  }
0x67: {  	_ =	shalt  }
0x68: {  	_ =	shalt  }
0x69: {  	_ =	shalt  }
0x6a: {  	_ =	shalt  }
0x6b: {  	_ =	shalt  }
0x6c: {  	_ =	shalt  }
0x6d: {  	_ =	shalt  }
0x6e: {  	_ =	shalt  }
0x6f: {  	_ =	shalt  }
0x70: {  	_ =	shalt  }
0x71: {  	_ =	shalt  }
0x72: {  	_ =	shalt  }
0x73: {  	_ =	shalt  }
0x74: {  	_ =	shalt  }
0x75: {  	_ =	shalt  }
0x76: {  	_ =	shalt  }
0x77: {  	_ =	shalt  }
0x78: {  	_ =	shalt  }
0x79: {  	_ =	shalt  }
0x7a: {  	_ =	shalt  }
0x7b: {  	_ =	shalt  }
0x7c: {  	_ =	shalt  }
0x7d: {  	_ =	shalt  }
0x7e: {  	_ =	shalt  }
0x7f: {  	_ =	shalt  }
0x80: {  	_ =	shalt  }
0x81: {  	_ =	shalt  }
0x82: {  	_ =	shalt  }
0x83: {  	_ =	shalt  }
0x84: {  	_ =	shalt  }
0x85: {  	_ =	shalt  }
0x86: {  	_ =	shalt  }
0x87: {  	_ =	shalt  }
.Lfunc_end0:
.L_simem_size_0:
called_computation_lowered:
.L_overlay_start_0:
0x88: {  	s2 =	sld [smem:$0x3FD9]  }
0x89: {  	s3 =	sld [smem:$0x3FFE];
	_ =	sdelay $0x1  }
0x8a: {  	s1 =	srdreg.scid  }
0x8b: {  	s0 =	sand.u32 $0x1, s1  }
0x8c: {  	s17 =	sshll.u32 s0, $0xA;
	s2 =	sadd.s32 s3, s2  }
0x8d: {  	s2 =	sadd.s32 s2, s17  }
0x8e: {  	[smem:$0x3FBA] =	sst s2  }
0x8f: {  	_ = 	snop  }
0x90: {  	s2 =	sld [smem:$0x3FD0];
	(tm) =	ssettm $0x1  }
0x91: {  	s18 =	sld [smem:$0x3FFB];
	_ =	sdelay $0x3  }
0x92: {  	_ =	strace s18  }
0x93: {  	s3 =	sld [smem:$0x3FFC];
	_ =	sdelay $0x3  }
0x94: {  	_ =	strace s3  }
0x95: {  	s3 =	sld [smem:$0x3FFD];
	_ =	sdelay $0x3  }
0x96: {  	_ =	strace s3  }
0x97: {  	_ =	strace $0x8FFFFFFF  }
0x98: {  	s19 =	sld [smem:$0x3FDB];
	_ =	sdelay $0x1  }
0x99: {  	s4 =	simm.s32 $_scs_section_size  }
0x9a: {  	s5 =	simm.s32 $_size__tile_overlayer_lowered;
	s6 =	simm.s32 $_tile_overlayer_lowered  }
0x9b: {  	s22 =	simm.s32 $0x1BFF;
	s21 =	sshll.u32 s6, $0x1;
	s3 =	sadd.s32 s4, s19  }
0x9c: {  	s7 =	simm.s32 $0x0;
	s20 =	sshll.u32 s5, $0x1;
	s5 =	sadd.s32 s21, s3  }
0x9d: {  	[timem:s7], [sflag:s22] =	dma.local [hbm:s5], s20  }
0x9e: {  	_ =	swait.ge [sflag:s22], s20  }
0x9f: {  	s4 =	ssub.s32 $0x0, s20;
	[sflag:s22] =	ssyncset.done $0x0  }
0xa0: {  	[sflag:s22] =	ssyncadd.s32 s4;
	_ =	sdelay $0x1  }
0xa1: {  	s23 =	simm.s32 $0x1B8B  }
0xa2: {  	_ =	swait.ge [sflag:s23], $0x1  }
0xa3: {  	[sflag:s23] =	ssyncset.done $0x0  }
0xa4: {  	s25 =	simm.s32 $0x1B8E;
	s24 =	sld [smem:$0x3FFE];
	[sflag:s23] =	ssyncadd.s32 $0xFFFFFFFF  }
0xa5: {  	s26 =	simm.s32 $execute0_lowered;
	[smem:$0x3FD2] =	sst s25  }
0xa6: {  	s5 =	sshll.u32 s26, $0x1;
	_ =	strace $0x80000046;
	[dreg:$0x1] =	wrdreg $0xFFFFFFFF  }
0xa7: {  	s28 =	simm.s32 $_size_execute0_lowered;
	s3 =	sadd.s32 s3, s5;
	[dreg:$0x0] =	wrdreg $0x0  }
0xa8: {  	s5 =	sshll.u32 s28, $0x1;
	[dreg:$0x2] =	wrdreg s3  }
0xa9: {  	[dreg:$0x3] =	wrdreg s5  }
0xaa: {  	[dreg:$0x4] =	wrdreg $0xC0  }
0xab: {  	_ =	task [dreg:s7], $0x5FFFF  }
0xac: {  	[dreg:$0x1] =	wrdreg $0xFFFFFFFF  }
0xad: {  	[dreg:$0x0] =	wrdreg $0x60  }
0xae: {  	[dreg:$0x2] =	wrdreg s24  }
0xaf: {  	[dreg:$0x3] =	wrdreg s2  }
0xb0: {  	[dreg:$0x4] =	wrdreg $0x50000  }
0xb1: {  	[dreg:$0x5] =	wrdreg $0x9  }
0xb2: {  	_ =	task.clear_ibuf [dreg:s7], $0x6FFFF;
	_ =	strace $0x90000046  }
0xb3: {  	s29 =	simm.s32 $0x9;
	_ =	strace $0x80000048  }
0xb4: {  	_ =	swait.ge [sflag:s29], $0x1  }
0xb5: {  	[sflag:s29] =	ssyncadd.s32 $0xFFFFFFFF  }
0xb6: {  	_ =	strace $0x90000048  }
0xb7: {  	_ =	sfence  }
0xb8: {  	s30 =	sld [smem:$0x0];
	_ =	sdelay $0x2  }
0xb9: {  	s31 =	sshll.u32 s1, $0xD;
	s1 =	sshrl.u32 s1, $0x2  }
0xba: {  	s3 =	sand.u32 $0x4000, s31;
	s1 =	sadd.s32 s1, s30  }
0xbb: {  	s0 =	sor.u32 s3, s0;
	s1 =	sshll.u32 s1, $0x11  }
0xbc: {  	s0 =	sor.u32 s1, s0  }
0xbd: {  	s0 =	sadd.s32 $0x8F2B, s0  }
0xbe: {  	[sflag:s0] =	ssyncadd.remote.s32 $0x1  }
0xbf: {  	_ =	sfence.sel $0xFFFF  }
0xc0: {  	[dreg:$0x0] =	wrdreg $0xFFFFFFFF;
	(pc) =	sbr.abs _section_cstart, $3  }
0xc1: {  	[dreg:$0x1] =	wrdreg $0xFFFFFFFF  }
0xc2: {  	_ =	task.clear_ibuf [dreg:s7], $0x2FFFF;
	_ =	strace $0x9FFFFFFF  }
0xc3: {  	(tm) =	ssettm $0x7FFFFFFF  }
tec
execute0_lowered:
.L_overlay_start_1:
0x0: {  	(tag) =	ssettag $0x1  }
0x1: {  	s3 =	rddreg [dreg:$0x0];
	s0 =	srdreg.scid  }
0x2: {  	s12 =	stileid.u32;
	s6 =	rddreg [dreg:$0x1]  }
0x3: {  	s1 =	rddreg [dreg:$0x2];
	s2 =	simm.s32 $0x0;
	s10 =	simm.s32 $0x50  }
0x4: {  	s11 =	simm.s32 $0x4F80;
	s4 =	sand.u32 $0x1, s0;
	s0 =	rddreg [dreg:$0x3]  }
0x5: {  	s14 =	simm.s32 $0x0;
	s29 =	sshll.u32 s12, $0x1;
	[smem:$0x7FF] =	sst s2  }
0x6: {  	s31 =	sshll.u32 s12, $0xA;
	p0 =	slt.u32 s12, $0x2;
	p1 =	sgt.u32 s12, $0x1  }
0x7: {  	s5 =	sor.u32 s4, s29;
	s30 =	ssub.s32 $0x2, s4;
	s4 =	smul.u32 $0x2800, s4  }
0x8: {  	p2 =	sgt.u32 s12, $0x9;
	_ =	strace $0x80000047;
	s7 =	smul.u32 $0x4E, s5  }
0x9: {  	s13 =	sadd.s32 s31, s1;
	s5 =	smin.u32 s5, $0x4;
	s8 =	sshrl.u32 s30, $0x1  }
0xa: {  	s13 =	sshrl.u32 @!p2 s13, $0x3;
	s9 =	sadd.s32 s31, s4;
	s5 =	sadd.s32 s5, s7  }
0xb: {  	s7 =	ssub.s32 s30, s8;
	s9 =	sshrl.u32 s9, $0x3;
	s8 =	simm.s32 $0x1  }
0xc: {  	s5 =	sshll.u32 s5, $0x4;
	s6 =	sadd.s32 s6, s9;
	s7 =	smax.u32 s7, $0x1  }
0xd: {  	v0 =	vlaneseq.u32;
	s9 =	simm.s32 $0x2780;
	s5 =	sadd.s32 s5, s3;
	s3 =	simm.s32 $0x4F  }
0xe: {  	v1 =	vimm.f32 $0.0e+00;
	v6 =	vimm.f32 $1.000000000e+00;
	v2 =	vor.u32 $0x10, v0;
	s3 =	simm.s32 @!p0 $0x4E;
	p0 =	sne.s32 s12, $0x0;
	s12 =	sshll.u32 @!p2 s12, $0x6  }
0xf: {  	v3 =	vor.u32 $0x20, v0;
	v4 =	vor.u32 $0x30, v0;
	v5 =	vor.u32 $0x40, v0;
	s4 =	sadd.s32 $0x2A00, s5;
	s5 =	sadd.s32 $0x2EE0, s5;
	s12 =	sor.u32 @!p2 $0x1C01, s12  }
.LBB2_1:
0x10: {  	s15 =	simm.s32 $0x0;
	s16 =	simm.s32 $0x200  }
.LBB2_2:
0x11: {  	p3 =	sne.s32 s16, $0x9E00;
	[tilespmem:s15+$0x27F0] =	vst v1  }
0x12: {  	[tilespmem:s15+$0x2780] =	vst v1  }
0x13: {  	[tilespmem:s15+$0x2790] =	vst v1  }
.Ltmp0:
0x14: {  	[tilespmem:s15+$0x27A0] =	vst v1;
	(pc) =	sbr.rel @p3 .LBB2_2-.Ltmp0, $4  }
0x15: {  	[tilespmem:s15+$0x27B0] =	vst v1  }
0x16: {  	[tilespmem:s15+$0x27C0] =	vst v1  }
0x17: {  	[tilespmem:s15+$0x27D0] =	vst v1  }
0x18: {  	[tilespmem:s15+$0x27E0] =	vst v1;
	s15 =	sshra.s32 s16, $0x2;
	s16 =	sadd.s32 $0x200, s16  }
0x19: {  	[tilespmem:s15+$0x27F0] =	vst v1  }
0x1a: {  	[tilespmem:s15+$0x2780] =	vst v1  }
0x1b: {  	[tilespmem:s15+$0x2790] =	vst v1  }
0x1c: {  	[tilespmem:s15+$0x27A0] =	vst v1  }
0x1d: {  	[tilespmem:s15+$0x27B0] =	vst v1  }
0x1e: {  	[tilespmem:s15+$0x27C0] =	vst v1  }
0x1f: {  	[tilespmem:s15+$0x27D0] =	vst v1  }
0x20: {  	[tilespmem:s15+$0x27E0] =	vst v1  }
0x21: {  	[tilespmem:$0x4F80] =	vst v0  }
0x22: {  	[tilespmem:$0x4F90] =	vst v2  }
0x23: {  	[tilespmem:$0x4FA0] =	vst v3  }
0x24: {  	[tilespmem:$0x4FB0] =	vst v4  }
0x25: {  	s15 =	simm.s32 @!p0 $0x2780;
	[tilespmem:$0x4FC0] =	vst v5  }
0x26: {  	[spmem:s1] =	stream.linear.scatter @!p0 [tilespmem:s15], [sflag:$0x1], $0x2800, $0x38;
	[tilespmem:$0x5280] =	vst v63  }
0x27: {  	s15 =	simm.s32 @!p0 $0x1  }
0x28: {  	_ =	swait.ge @!p0 [sflag:s15], $0x2800  }
0x29: {  	[sflag:s15] =	ssyncset.done @!p0 $0x0  }
0x2a: {  	[sflag:s15] =	ssyncadd.s32 @!p0 $0xFFFFD800  }
0x2b: {  	[bflag:$0x0] =	sbarrier.arrive $0xFFFF  }
0x2c: {  	[tilespmem:s2], [sflag:$0x1] =	stream.linear.gather [hbm4b:s4+s2], $0x2700, $0x38;
	[tilespmem:$0x5280] =	vst v63  }
0x2d: {  	_ =	swait.ge [sflag:s8], $0x2700  }
0x2e: {  	[sflag:s8] =	ssyncset.done $0x0  }
0x2f: {  	s16 =	simm.s32 @!p1 $0x2700;
	s15 =	simm.s32 @!p1 $0x0;
	[sflag:s8] =	ssyncadd.s32 $0xFFFFD900  }
0x30: {  	[tilespmem:s16], [sflag:$0x1] =	stream.linear.gather @!p1 [hbm4b:s5+s15], $0x80, $0x38;
	[tilespmem:$0x5280] =	vst v63  }
0x31: {  	s15 =	simm.s32 @!p1 $0x1  }
0x32: {  	_ =	swait.ge @!p1 [sflag:s15], $0x80  }
0x33: {  	[sflag:s15] =	ssyncset.done @!p1 $0x0  }
0x34: {  	s16 =	smov.u32 s3;
	[sflag:s15] =	ssyncadd.s32 @!p1 $0xFFFFFF80;
	s15 =	simm.s32 $0x40  }
.LBB2_4:
0x35: {  	v7 =	vld [tilespmem:s15+$0xFFFFFFC0];
	_ =	sdelay $0x7  }
0x36: {  	[tilespmem:v7+s9+$0x0] =	vst.idx.add.f32.msk $0xffff, v6  }
0x37: {  	v7 =	vld [tilespmem:s15+$0xFFFFFFD0];
	_ =	sdelay $0x7  }
0x38: {  	[tilespmem:v7+s9+$0x0] =	vst.idx.add.f32.msk $0xffff, v6  }
0x39: {  	v7 =	vld [tilespmem:s15+$0xFFFFFFE0];
	_ =	sdelay $0x7  }
0x3a: {  	[tilespmem:v7+s9+$0x0] =	vst.idx.add.f32.msk $0xffff, v6  }
0x3b: {  	v7 =	vld [tilespmem:s15+$0xFFFFFFF0];
	_ =	sdelay $0x7  }
0x3c: {  	[tilespmem:v7+s9+$0x0] =	vst.idx.add.f32.msk $0xffff, v6  }
0x3d: {  	v7 =	vld [tilespmem:s15+$0x0];
	_ =	sdelay $0x7  }
0x3e: {  	[tilespmem:v7+s9+$0x0] =	vst.idx.add.f32.msk $0xffff, v6  }
0x3f: {  	v7 =	vld [tilespmem:s15+$0x10];
	_ =	sdelay $0x7  }
0x40: {  	[tilespmem:v7+s9+$0x0] =	vst.idx.add.f32.msk $0xffff, v6  }
0x41: {  	v7 =	vld [tilespmem:s15+$0x20];
	_ =	sdelay $0x7  }
0x42: {  	[tilespmem:v7+s9+$0x0] =	vst.idx.add.f32.msk $0xffff, v6  }
0x43: {  	v7 =	vld [tilespmem:s15+$0x30];
	_ =	sdelay $0x2  }
0x44: {  	p3 =	sne.s32 s16, $0x1  }
.Ltmp1:
0x45: {  	_ = 	snop;
	(pc) =	sbr.rel @p3 .LBB2_4-.Ltmp1, $2  }
0x46: {  	_ =	sdelay $0x2  }
0x47: {  	s16 =	sadd.s32 $0xFFFFFFFF, s16;
	s15 =	sadd.s32 $0x80, s15;
	[tilespmem:v7+s9+$0x0] =	vst.idx.add.f32.msk $0xffff, v6  }
0x48: {  	[spmem:s1] =	stream.indirect.scatter.add.f32 [tilespmem:s9], [sflag:$0x1], $0x80, s11, s10, $0xb8;
	[tilespmem:$0x5280] =	vst v63  }
0x49: {  	_ =	swait.ge [sflag:s8], $0x2800  }
0x4a: {  	s14 =	sadd.s32 $0x1, s14;
	[sflag:s8] =	ssyncset.done $0x0  }
0x4b: {  	p3 =	sne.s32 s14, s7;
	[sflag:s8] =	ssyncadd.s32 $0xFFFFD800  }
.Ltmp2:
0x4c: {  	s15 =	simm.s32 @!p2 $0x1;
	[bflag:$0x0] =	sbarrier.arrive $0xFFFF;
	(pc) =	sbr.rel @p3 .LBB2_1-.Ltmp2, $4  }
0x4d: {  	[hbm:s6], [sflag:s12] =	dma.local @!p2 [spmem:s13], $0x80  }
0x4e: {  	_ =	swait.ge @!p2 [sflag:s15], $0x80  }
0x4f: {  	[sflag:s15] =	ssyncset.done @!p2 $0x0  }
0x50: {  	[sflag:s15] =	ssyncadd.s32 @!p2 $0xFFFFFF80  }
0x51: {  	_ =	sfence.sel $0x180000  }
0x52: {  	[bflag:$0x0] =	sbarrier.arrive $0xFFFF  }
0x53: {  	_ =	strace $0x90000047  }
0x54: {  	s0 =	sadd.s32 @!p0 $0x100000, s0;
	[bflag:$0x2] =	sbarrier.arrive $0xFFFF  }
0x55: {  	[sflag:s0] =	ssyncadd.tile.s32 @!p0 $0x1;
	_ =	shalt  }
.Lfunc_end2:
_tile_overlayer_lowered:
.L_overlay_start_2:
0x56: {  	(tag) =	ssettag $0x2  }
0x57: {  	s0 =	rddreg [dreg:$0x0];
	s2 =	stileid.u32  }
0x58: {  	s1 =	rddreg [dreg:$0x1];
	p0 =	sne.s32 s2, $0x0  }
0x59: {  	s3 =	rddreg [dreg:$0x2];
	[bflag:$0x3] =	sbarrier.arrive $0xFFFF;
	s2 =	simm.s32 @!p0 $0x1C01  }
0x5a: {  	[timem:s3], [sflag:s2] =	dma.local @!p0 [hbm:s0], s1  }
0x5b: {  	s0 =	simm.s32 @!p0 $0x1  }
0x5c: {  	_ =	swait.ge @!p0 [sflag:s0], s1  }
0x5d: {  	s1 =	ssub.s32 @!p0 $0x0, s1;
	[sflag:s0] =	ssyncset.done @!p0 $0x0  }
0x5e: {  	[sflag:s0] =	ssyncadd.s32 @!p0 s1  }
0x5f: {  	[bflag:$0x3] =	sbarrier.arrive $0xFFFF  }
0x60: {  	_ =	shalt  }

// kernel: sc_segment_sum.4.cloned.1.call-start
scs
__scs_entry_jumppad:
0x0: {  	(pc) =	sbr.rel $0x88, $3  }
0x1: {  	(tag) =	ssettag $0x0;
	lr =	simm.s32 $0x1  }
0x2: {  	[smem:$0x3F93] =	sst lr;
	_ =	strace $0xD0000000  }
0x3: {  	_ = 	snop  }
0x4: {  	_ = 	snop  }
0x5: {  	_ = 	snop  }
0x6: {  	_ = 	snop  }
0x7: {  	_ = 	snop  }
__scs_overlays_trampoline_lowered:
0x8: {  	[smem:$0x3FA2] =	sst s0  }
0x9: {  	[smem:$0x3FA3] =	sst s1  }
0xa: {  	[smem:$0x3FA4] =	sst s2  }
0xb: {  	[smem:$0x3FA5] =	sst s3  }
0xc: {  	[smem:$0x3FA6] =	sst s4  }
0xd: {  	[smem:$0x3FA7] =	sst s5  }
0xe: {  	[smem:$0x3FA8] =	sst s6  }
0xf: {  	[smem:$0x3FA9] =	sst s7  }
0x10: {  	[smem:$0x3FAA] =	sst s8  }
0x11: {  	[smem:$0x3FAB] =	sst s9;
	s0 =	simm.s32 @!p0 $0x0  }
0x12: {  	s1 =	sld [smem:$0x3F91];
	s0 =	simm.s32 @p0 $0x1  }
0x13: {  	[smem:$0x3FAC] =	sst s0;
	s0 =	simm.s32 @!p1 $0x0  }
0x14: {  	s2 =	sld [smem:$0x3F90];
	s0 =	simm.s32 @p1 $0x1  }
0x15: {  	[smem:$0x3FAD] =	sst s0;
	s0 =	simm.s32 @!p2 $0x0  }
0x16: {  	s3 =	sld [smem:$0x3FDB];
	s0 =	simm.s32 @p2 $0x1  }
0x17: {  	s4 =	simm.s32 $0x1BF5;
	[smem:$0x3FAF] =	sst s0  }
0x18: {  	s0 =	sld [smem:$0x3F92];
	_ =	swait.ge [sflag:s4], $0x0  }
0x19: {  	s7 =	sld [smem:$0x3F93]  }
0x1a: {  	s8 =	sadd.s32 $0xFFFFE003, lr  }
0x1b: {  	s9 =	sadd.s32 $0xFFFFFEF7, lr;
	s5 =	simm.s32 $0xFFFFFFFF;
	p2 =	slt.u32 s8, $0xFFFFF086  }
0x1c: {  	p1 =	slt.u32 s9, $0xF7A;
	s5 =	simm.s32 @!p2 $0x0  }
0x1d: {  	s5 =	simm.s32 @p1 $0x1;
	p0 =	seq.s32 s7, s2  }
0x1e: {  	s7 =	smul.u32 @!p0 $0xF7A, s2;
	p2 =	seq.s32 @!p0 s5, $0x0  }
0x1f: {  	s9 =	smul.u32 $0xF7A, s1;
	s8 =	simm.s32 @!p0 $0x1BF5;
	p2 =	por !p2, p0  }
0x20: {  	[sflag:s8] =	ssyncset.s32 @!p0 $0xFFFFF086;
	s6 =	sadd.s32 @!p0 s3, s7;
	s7 =	simm.s32 @!p0 $0x108  }
0x21: {  	s3 =	sadd.s32 s3, s9;
	s6 =	sadd.s32 @!p0 $0x88, s6;
	s7 =	simm.s32 @p2 $0x1082  }
0x22: {  	[simem:s7], [sflag:s8] =	dma.local @!p0 [hbm:s6], $0xF7A  }
0x23: {  	s9 =	sor.u32 $0xD0000000, s2;
	s6 =	simm.s32 $0x108;
	_ =	swait.ge @!p0 [sflag:s8], $0x0  }
0x24: {  	s3 =	sadd.s32 $0x88, s3;
	s6 =	simm.s32 @!p1 $0x1082;
	[sflag:s4] =	ssyncset.s32 $0xFFFFF086  }
0x25: {  	[simem:s6], [sflag:s4] =	dma.local [hbm:s3], $0xF7A  }
0x26: {  	[smem:$0x3F93] =	sst s1;
	(tag) =	ssettag s2;
	_ =	strace s9  }
0x27: {  	s1 =	sld [smem:$0x3FA3]  }
0x28: {  	s2 =	sld [smem:$0x3FA4]  }
0x29: {  	s4 =	sld [smem:$0x3FA6]  }
0x2a: {  	p0 =	seq.s32 s5, $0x0;
	s5 =	sld [smem:$0x3FA7]  }
0x2b: {  	s6 =	sld [smem:$0x3FA8]  }
0x2c: {  	s7 =	sld [smem:$0x3FA9]  }
0x2d: {  	s3 =	simm.s32 $0x108;
	s8 =	sld [smem:$0x3FAA]  }
0x2e: {  	s3 =	simm.s32 @!p0 $0x1082;
	s9 =	sld [smem:$0x3FAB]  }
0x2f: {  	lr =	sadd.s32 s0, s3;
	s0 =	sld [smem:$0x3FA2]  }
0x30: {  	s3 =	sld [smem:$0x3FA5]  }
0x31: {  	[smem:$0x3FAE] =	sst s10  }
0x32: {  	s10 =	sld [smem:$0x3FAC];
	_ =	sdelay $0x3  }
0x33: {  	p0 =	seq.s32 s10, $0x1;
	s10 =	sld [smem:$0x3FAE];
	_ =	sdelay $0x3  }
0x34: {  	[smem:$0x3FAE] =	sst s10  }
0x35: {  	s10 =	sld [smem:$0x3FAD];
	_ =	sdelay $0x3  }
0x36: {  	p1 =	seq.s32 s10, $0x1;
	s10 =	sld [smem:$0x3FAE];
	_ =	sdelay $0x3  }
0x37: {  	[smem:$0x3FAE] =	sst s10  }
0x38: {  	s10 =	sld [smem:$0x3FAF]  }
0x39: {  	_ = 	snop;
	(pc) =	sbr.ind lr, $3  }
0x3a: {  	_ = 	snop  }
0x3b: {  	_ = 	snop  }
0x3c: {  	p2 =	seq.s32 s10, $0x1;
	s10 =	sld [smem:$0x3FAE]  }
0x3d: {  	_ =	shalt  }
0x3e: {  	_ =	shalt  }
0x3f: {  	_ =	shalt  }
0x40: {  	_ =	shalt  }
0x41: {  	_ =	shalt  }
0x42: {  	_ =	shalt  }
0x43: {  	_ =	shalt  }
0x44: {  	_ =	shalt  }
0x45: {  	_ =	shalt  }
0x46: {  	_ =	shalt  }
0x47: {  	_ =	shalt  }
0x48: {  	_ =	shalt  }
0x49: {  	_ =	shalt  }
0x4a: {  	_ =	shalt  }
0x4b: {  	_ =	shalt  }
0x4c: {  	_ =	shalt  }
0x4d: {  	_ =	shalt  }
0x4e: {  	_ =	shalt  }
0x4f: {  	_ =	shalt  }
0x50: {  	_ =	shalt  }
0x51: {  	_ =	shalt  }
0x52: {  	_ =	shalt  }
0x53: {  	_ =	shalt  }
0x54: {  	_ =	shalt  }
0x55: {  	_ =	shalt  }
0x56: {  	_ =	shalt  }
0x57: {  	_ =	shalt  }
0x58: {  	_ =	shalt  }
0x59: {  	_ =	shalt  }
0x5a: {  	_ =	shalt  }
0x5b: {  	_ =	shalt  }
0x5c: {  	_ =	shalt  }
0x5d: {  	_ =	shalt  }
0x5e: {  	_ =	shalt  }
0x5f: {  	_ =	shalt  }
0x60: {  	_ =	shalt  }
0x61: {  	_ =	shalt  }
0x62: {  	_ =	shalt  }
0x63: {  	_ =	shalt  }
0x64: {  	_ =	shalt  }
0x65: {  	_ =	shalt  }
0x66: {  	_ =	shalt  }
0x67: {  	_ =	shalt  }
0x68: {  	_ =	shalt  }
0x69: {  	_ =	shalt  }
0x6a: {  	_ =	shalt  }
0x6b: {  	_ =	shalt  }
0x6c: {  	_ =	shalt  }
0x6d: {  	_ =	shalt  }
0x6e: {  	_ =	shalt  }
0x6f: {  	_ =	shalt  }
0x70: {  	_ =	shalt  }
0x71: {  	_ =	shalt  }
0x72: {  	_ =	shalt  }
0x73: {  	_ =	shalt  }
0x74: {  	_ =	shalt  }
0x75: {  	_ =	shalt  }
0x76: {  	_ =	shalt  }
0x77: {  	_ =	shalt  }
0x78: {  	_ =	shalt  }
0x79: {  	_ =	shalt  }
0x7a: {  	_ =	shalt  }
0x7b: {  	_ =	shalt  }
0x7c: {  	_ =	shalt  }
0x7d: {  	_ =	shalt  }
0x7e: {  	_ =	shalt  }
0x7f: {  	_ =	shalt  }
0x80: {  	_ =	shalt  }
0x81: {  	_ =	shalt  }
0x82: {  	_ =	shalt  }
0x83: {  	_ =	shalt  }
0x84: {  	_ =	shalt  }
0x85: {  	_ =	shalt  }
0x86: {  	_ =	shalt  }
0x87: {  	_ =	shalt  }
.Lfunc_end0:
.L_simem_size_0:
called_computation.1_lowered:
.L_overlay_start_0:
0x88: {  	s2 =	sld [smem:$0x3FD9]  }
0x89: {  	s3 =	sld [smem:$0x3FFE];
	_ =	sdelay $0x1  }
0x8a: {  	s1 =	srdreg.scid  }
0x8b: {  	s0 =	sand.u32 $0x1, s1  }
0x8c: {  	s17 =	sshll.u32 s0, $0xA;
	s2 =	sadd.s32 s3, s2  }
0x8d: {  	s2 =	sadd.s32 s2, s17  }
0x8e: {  	[smem:$0x3FBA] =	sst s2  }
0x8f: {  	_ = 	snop  }
0x90: {  	s18 =	sld [smem:$0x3FC9];
	(tm) =	ssettm $0x1  }
0x91: {  	s19 =	sld [smem:$0x3FFB];
	_ =	sdelay $0x3  }
0x92: {  	_ =	strace s19  }
0x93: {  	s2 =	sld [smem:$0x3FFC];
	_ =	sdelay $0x3  }
0x94: {  	_ =	strace s2  }
0x95: {  	s2 =	sld [smem:$0x3FFD];
	_ =	sdelay $0x3  }
0x96: {  	_ =	strace s2  }
0x97: {  	_ =	strace $0x8FFFFFFF  }
0x98: {  	s20 =	sld [smem:$0x3FDB];
	_ =	sdelay $0x1  }
0x99: {  	s4 =	simm.s32 $_scs_section_size  }
0x9a: {  	s5 =	simm.s32 $_size__tile_overlayer_lowered;
	s6 =	simm.s32 $_tile_overlayer_lowered  }
0x9b: {  	s7 =	simm.s32 $0x1BFF;
	s21 =	sshll.u32 s6, $0x1;
	s4 =	sadd.s32 s4, s20  }
0x9c: {  	s22 =	simm.s32 $0x0;
	s5 =	sshll.u32 s5, $0x1;
	s6 =	sadd.s32 s21, s4  }
0x9d: {  	[timem:s22], [sflag:s7] =	dma.local [hbm:s6], s5  }
0x9e: {  	_ =	swait.ge [sflag:s7], s5  }
0x9f: {  	s5 =	ssub.s32 $0x0, s5;
	[sflag:s7] =	ssyncset.done $0x0  }
0xa0: {  	[sflag:s7] =	ssyncadd.s32 s5;
	_ =	sdelay $0x1  }
0xa1: {  	s23 =	simm.s32 $0x1B8B  }
0xa2: {  	_ =	swait.ge [sflag:s23], $0x1  }
0xa3: {  	[sflag:s23] =	ssyncset.done $0x0  }
0xa4: {  	[sflag:s23] =	ssyncadd.s32 $0xFFFFFFFF  }
0xa5: {  	s5 =	sld [smem:$0x0]  }
0xa6: {  	s6 =	sand.u32 $0xFFFFFFFE, s1  }
0xa7: {  	p0 =	sne.s32 s1, s6  }
0xa8: {  	s6 =	sshll.u32 @p0 s6, $0xE  }
0xa9: {  	s6 =	sadd.s32 @p0 $0x11B8D, s6;
	s7 =	sshll.u32 @p0 s5, $0x11  }
0xaa: {  	s6 =	sor.u32 @p0 s7, s6  }
0xab: {  	[sflag:s6] =	ssyncadd.remote.s32 @p0 $0x1;
	_ =	sdelay $0x1  }
0xac: {  	s6 =	simm.s32 @p0 $0x1B8D  }
0xad: {  	_ =	swait.eq @p0 [sflag:s6], $0x1  }
0xae: {  	[sflag:s6] =	ssyncadd.s32 @p0 $0xFFFFFFFF  }
0xaf: {  	s7 =	sshll.u32 @!p0 s1, $0xE  }
0xb0: {  	s7 =	sor.u32 @!p0 $0x4000, s7;
	s6 =	simm.s32 @!p0 $0x1B8D  }
0xb1: {  	s5 =	sshll.u32 @!p0 s5, $0x11;
	s7 =	sadd.s32 @!p0 $0x11B8D, s7;
	_ =	swait.eq @!p0 [sflag:s6], $0x1  }
0xb2: {  	s5 =	sor.u32 @!p0 s5, s7;
	[sflag:s6] =	ssyncadd.s32 @!p0 $0xFFFFFFFF  }
0xb3: {  	s25 =	simm.s32 $0x1B8E;
	s24 =	sld [smem:$0x3FFE];
	[sflag:s5] =	ssyncadd.remote.s32 @!p0 $0x1  }
0xb4: {  	s26 =	simm.s32 $execute0_lowered;
	[smem:$0x3FD2] =	sst s25  }
0xb5: {  	s6 =	sshll.u32 s26, $0x1;
	_ =	strace $0x80000049;
	[dreg:$0x1] =	wrdreg $0xFFFFFFFF  }
0xb6: {  	s28 =	simm.s32 $_size_execute0_lowered;
	s4 =	sadd.s32 s4, s6;
	[dreg:$0x0] =	wrdreg $0x0  }
0xb7: {  	s6 =	sshll.u32 s28, $0x1;
	[dreg:$0x2] =	wrdreg s4  }
0xb8: {  	[dreg:$0x3] =	wrdreg s6  }
0xb9: {  	[dreg:$0x4] =	wrdreg $0xC0  }
0xba: {  	_ =	task [dreg:s22], $0x5FFFF  }
0xbb: {  	[dreg:$0x1] =	wrdreg $0xFFFFFFFF  }
0xbc: {  	[dreg:$0x0] =	wrdreg $0x60  }
0xbd: {  	[dreg:$0x2] =	wrdreg s18  }
0xbe: {  	[dreg:$0x3] =	wrdreg s24  }
0xbf: {  	[dreg:$0x4] =	wrdreg $0xC4000  }
0xc0: {  	[dreg:$0x5] =	wrdreg $0xA  }
0xc1: {  	_ =	task.clear_ibuf [dreg:s22], $0x6FFFF;
	_ =	strace $0x90000049  }
0xc2: {  	s29 =	simm.s32 $0xA;
	_ =	strace $0x8000004B  }
0xc3: {  	_ =	swait.ge [sflag:s29], $0x1  }
0xc4: {  	[sflag:s29] =	ssyncadd.s32 $0xFFFFFFFF  }
0xc5: {  	_ =	strace $0x9000004B  }
0xc6: {  	_ =	sfence  }
0xc7: {  	s30 =	sld [smem:$0x0];
	_ =	sdelay $0x2  }
0xc8: {  	s31 =	sshll.u32 s1, $0xD;
	s1 =	sshrl.u32 s1, $0x2  }
0xc9: {  	s4 =	sand.u32 $0x4000, s31;
	s1 =	sadd.s32 s1, s30  }
0xca: {  	s0 =	sor.u32 s4, s0;
	s1 =	sshll.u32 s1, $0x11  }
0xcb: {  	s0 =	sor.u32 s1, s0  }
0xcc: {  	s0 =	sadd.s32 $0x8F2B, s0  }
0xcd: {  	[sflag:s0] =	ssyncadd.remote.s32 $0x1  }
0xce: {  	_ =	sfence.sel $0xFFFF  }
0xcf: {  	[dreg:$0x0] =	wrdreg $0xFFFFFFFF;
	(pc) =	sbr.abs _section_cstart, $3  }
0xd0: {  	[dreg:$0x1] =	wrdreg $0xFFFFFFFF  }
0xd1: {  	_ =	task.clear_ibuf [dreg:s22], $0x2FFFF;
	_ =	strace $0x9FFFFFFF  }
0xd2: {  	(tm) =	ssettm $0x7FFFFFFF  }
0xd3: {  	_ =	shalt  }
tec
execute0_lowered:
.L_overlay_start_1:
0x0: {  	(tag) =	ssettag $0x1  }
0x1: {  	s16 =	rddreg [dreg:$0x0]  }
0x2: {  	s0 =	rddreg [dreg:$0x1]  }
0x3: {  	s3 =	srdreg.scid;
	s2 =	simm.s32 $0x0;
	s1 =	stileid.u32  }
0x4: {  	s4 =	simm.s32 $0x4F;
	s3 =	sand.u32 $0x1, s3;
	[smem:$0x7FF] =	sst s2  }
0x5: {  	s6 =	smul.u32 $0x13800, s1;
	s7 =	sadd.s32 $0xC800, s0;
	s8 =	smin.u32 s1, $0x2  }
0x6: {  	s9 =	sshll.u32 s1, $0x1;
	s11 =	sadd.s32 $0x2A00, s0;
	s23 =	smul.u32 $0x9C, s1  }
0x7: {  	p0 =	slt.u32 s1, $0x2;
	s13 =	smul.u32 $0x4E000, s1;
	s1 =	simm.s32 $0xA  }
0x8: {  	s17 =	rddreg [dreg:$0x2];
	s5 =	smul.u32 $0x138800, s3;
	_ =	strace $0x8000004A  }
0x9: {  	s18 =	sshll.u32 s8, $0xA;
	s19 =	sor.u32 s3, s9;
	s20 =	ssub.s32 $0x2, s3  }
0xa: {  	s4 =	simm.s32 @!p0 $0x4E;
	s3 =	smul.u32 $0x4E, s3;
	s1 =	simm.s32 @!p0 $0xC  }
0xb: {  	s8 =	sshll.u32 s8, $0xC;
	s10 =	smul.u32 $0x4E, s19;
	[dreg:$0xa] =	wrdreg s1  }
0xc: {  	s21 =	sshrl.u32 s20, $0x1;
	[dreg:$0x4] =	wrdreg s4;
	s5 =	sadd.s32 s6, s5  }
0xd: {  	s6 =	smin.u32 s19, $0x4;
	s12 =	ssub.s32 s20, s21;
	s3 =	sadd.s32 s3, s23  }
0xe: {  	s5 =	sadd.s32 s18, s5;
	s22 =	sadd.s32 s6, s10;
	s3 =	sadd.s32 s6, s3  }
0xf: {  	s28 =	smax.u32 s12, $0x1;
	s5 =	sshrl.u32 s5, $0x3;
	s9 =	sshll.u32 s22, $0x4  }
0x10: {  	s3 =	sshll.u32 s3, $0x4;
	[dreg:$0xb] =	wrdreg s28;
	s24 =	sadd.s32 s7, s9  }
0x11: {  	s0 =	sadd.s32 s5, s0;
	s25 =	sadd.s32 s11, s9;
	[dreg:$0x6] =	wrdreg s24  }
0x12: {  	s29 =	sadd.s32 s3, s11;
	s5 =	sadd.s32 $0x10, s24;
	[dreg:$0x8] =	wrdreg s25  }
0x13: {  	s3 =	sadd.s32 s7, s3;
	s30 =	sadd.s32 $0x10, s29;
	[dreg:$0x7] =	wrdreg s5  }
0x14: {  	s26 =	sadd.s32 s8, s13;
	s31 =	sadd.s32 $0x20, s3;
	[dreg:$0xd] =	wrdreg s30  }
0x15: {  	s0 =	sadd.s32 $0x16600, s0;
	s5 =	simm.s32 $0xC;
	[dreg:$0xe] =	wrdreg s31  }
0x16: {  	s6 =	sshrl.u32 s26, $0x2;
	[dreg:$0xf] =	wrdreg s0;
	s5 =	simm.s32 @!p0 $0xB  }
0x17: {  	s1 =	simm.s32 $0x400;
	[dreg:$0x9] =	wrdreg s5;
	s5 =	sadd.s32 s6, s17  }
0x18: {  	v0 =	vimm.f32 $0.0e+00;
	s7 =	simm.s32 $0xD;
	s9 =	simm.s32 $0x80;
	[dreg:$0xc] =	wrdreg s5  }
.LBB2_1:
0x19: {  	s0 =	simm.s32 $0x0;
	s3 =	simm.s32 $0x200  }
.LBB2_2:
0x1a: {  	p0 =	sne.s32 s3, $0xFE00;
	[tilespmem:s0+$0x470] =	vst v0  }
0x1b: {  	[tilespmem:s0+$0x400] =	vst v0  }
0x1c: {  	[tilespmem:s0+$0x410] =	vst v0  }
.Ltmp0:
0x1d: {  	[tilespmem:s0+$0x420] =	vst v0;
	(pc) =	sbr.rel @p0 .LBB2_2-.Ltmp0, $4  }
0x1e: {  	[tilespmem:s0+$0x430] =	vst v0  }
0x1f: {  	[tilespmem:s0+$0x440] =	vst v0  }
0x20: {  	[tilespmem:s0+$0x450] =	vst v0  }
0x21: {  	[tilespmem:s0+$0x460] =	vst v0;
	s0 =	sshra.s32 s3, $0x2;
	s3 =	sadd.s32 $0x200, s3  }
0x22: {  	[tilespmem:s0+$0x470] =	vst v0  }
0x23: {  	[tilespmem:s0+$0x400] =	vst v0  }
0x24: {  	[tilespmem:s0+$0x410] =	vst v0  }
0x25: {  	[tilespmem:s0+$0x420] =	vst v0  }
0x26: {  	[tilespmem:s0+$0x430] =	vst v0  }
0x27: {  	[tilespmem:s0+$0x440] =	vst v0;
	p0 =	sne.s32 s4, $0x1  }
.Ltmp1:
0x28: {  	[tilespmem:s0+$0x450] =	vst v0;
	(pc) =	sbr.rel @!p0 .LBB2_5-.Ltmp1, $4  }
0x29: {  	[tilespmem:s0+$0x460] =	vst v0  }
0x2a: {  	[spmem:s5] =	stream.linear.scatter [tilespmem:s1], [sflag:$0xD], $0x400, $0x38;
	[tilespmem:$0x1FC80] =	vst v63  }
0x2b: {  	_ =	swait.ge [sflag:s7], $0x400  }
0x2c: {  	s0 =	sadd.s32 $0xFFFFFFFF, s4;
	s3 =	smov.u32 s5;
	[sflag:s7] =	ssyncset.done $0x0  }
.LBB2_4:
0x2d: {  	p1 =	sne.s32 s0, $0x1;
	[sflag:s7] =	ssyncadd.s32 $0xFFFFFC00;
	s3 =	sadd.s32 $0x400, s3  }
.Ltmp2:
0x2e: {  	s0 =	sadd.s32 $0xFFFFFFFF, s0;
	(pc) =	sbr.rel @p1 .LBB2_4-.Ltmp2, $4  }
0x2f: {  	_ = 	snop  }
0x30: {  	[spmem:s3] =	stream.linear.scatter [tilespmem:s1], [sflag:$0xD], $0x400, $0x38;
	[tilespmem:$0x1FC80] =	vst v63  }
0x31: {  	_ =	swait.ge [sflag:s7], $0x400  }
0x32: {  	[sflag:s7] =	ssyncset.done $0x0  }
.LBB2_5:
0x33: {  	[dreg:$0x5] =	wrdreg s2  }
0x34: {  	[sflag:s7] =	ssyncadd.s32 $0xFFFFFC00;
	s20 =	simm.s32 $0x0;
	s1 =	simm.s32 $0x200  }
0x35: {  	s19 =	simm.s32 $0x1;
	s12 =	simm.s32 $0x400;
	s3 =	simm.s32 $0xFFFFFFFE  }
0x36: {  	s6 =	simm.s32 $0x2;
	s22 =	simm.s32 $0x3;
	s24 =	simm.s32 $0x4400  }
0x37: {  	s25 =	simm.s32 $0x8400;
	s28 =	simm.s32 $0x2;
	s21 =	smulhi.u32 $0xAAAAAAAB, s19  }
0x38: {  	s29 =	simm.s32 $0x200;
	[bflag:$0x0] =	sbarrier.arrive $0xFFFF;
	s3 =	smulhi.u32 $0xAAAAAAAB, s3  }
0x39: {  	s30 =	simm.s32 $0xFFFFFFFF;
	s6 =	smulhi.u32 $0xAAAAAAAB, s6;
	s0 =	rddreg [dreg:$0x6]  }
0x3a: {  	[tilespmem:s20], [sflag:$0x1] =	stream.linear.gather [hbm4b:s0+s20], $0x80, $0x38;
	[tilespmem:$0x1FC80] =	vst v63  }
0x3b: {  	s31 =	simm.s32 $0x4;
	s5 =	smulhi.u32 $0xAAAAAAAB, s20;
	s0 =	sshrl.u32 s3, $0x1  }
0x3c: {  	p2 =	sle.u32 s4, $0x2;
	s6 =	sshrl.u32 s6, $0x1;
	s8 =	smul.u32 $0xFFFFFFF4, s0  }
0x3d: {  	p1 =	por $0x1, $0x1;
	s13 =	simm.s32 @!p2 $0x0;
	s11 =	smul.u32 $0xFFFFFFF4, s6  }
0x3e: {  	s15 =	rddreg [dreg:$0x7];
	s7 =	sshrl.u32 s21, $0x1;
	s3 =	smul.u32 $0xFFFFFA00, s6  }
0x3f: {  	s18 =	rddreg [dreg:$0x8];
	s0 =	simm.s32 $0x0;
	s14 =	smul.u32 $0xFFFFFFF4, s7  }
0x40: {  	[tilespmem:s9], [sflag:$0x2] =	stream.linear.gather [hbm4b:s15+s20], $0x80, $0x38;
	[tilespmem:$0x1FC80] =	vst v63  }
0x41: {  	s8 =	sshra.s32 s8, $0x2;
	s11 =	sshra.s32 s11, $0x2;
	s3 =	sshra.s32 s3, $0x2  }
0x42: {  	[tilespmem:s1], [sflag:$0x7] =	stream.linear.gather [hbm4b:s18+s20], $0x80, $0x38;
	[tilespmem:$0x1FC80] =	vst v63  }
0x43: {  	s14 =	sshra.s32 s14, $0x2;
	s8 =	sadd.s32 $0x8, s8;
	s18 =	smul.u32 $0xFFFFFA00, s7  }
0x44: {  	s3 =	sadd.s32 $0x100, s3;
	s11 =	sadd.s32 $0x3, s11;
	s7 =	smul.u32 $0xFFFD0000, s7  }
0x45: {  	_ =	swait.ge [sflag:s19], $0x80;
	s8 =	sadd.s32 @!p1 $0x0, s8;
	s15 =	sadd.s32 @!p2 $0x0, s3  }
0x46: {  	s11 =	sadd.s32 @!p2 $0x0, s11;
	s3 =	simm.s32 $0x1;
	s2 =	rddreg [dreg:$0xe]  }
0x47: {  	[sflag:s19] =	ssyncset.done $0x0;
	s1 =	rddreg [dreg:$0xd];
	s21 =	sshra.s32 s18, $0x2  }
0x48: {  	s7 =	sshra.s32 s7, $0x2;
	[sflag:s19] =	ssyncadd.s32 $0xFFFFFF80;
	s19 =	sshrl.u32 s5, $0x1  }
0x49: {  	[tilespmem:s12], [sflag:$0x4] =	stream.indirect.gather [hbm4b:s16+s9], $0x80, s20, s9, $0xb8;
	[tilespmem:$0x1FC80] =	vst v63  }
0x4a: {  	s23 =	sadd.s32 $0x10, s2;
	s10 =	smul.u32 $0xFFFFFFF4, s19;
	_ =	swait.ge @!p1 [sflag:s8], $0x4000  }
0x4b: {  	s26 =	sadd.s32 $0x10, s1;
	s7 =	sadd.s32 $0x4400, s7;
	[sflag:s8] =	ssyncset.done @!p1 $0x0  }
0x4c: {  	s6 =	sshra.s32 s10, $0x2;
	[sflag:s8] =	ssyncadd.s32 @!p1 $0xFFFFC000;
	p1 =	sle.u32 s4, $0x1  }
0x4d: {  	[tilespmem:s15], [sflag:s11] =	stream.linear.gather @!p2 [hbm4b:s2+s13], $0x80, $0x38;
	[tilespmem:$0x1FC80] =	vst v63  }
0x4e: {  	s8 =	sadd.s32 $0x2, s14;
	s11 =	sadd.s32 $0x5, s14;
	s13 =	sadd.s32 $0x8, s14  }
0x4f: {  	s8 =	sadd.s32 @!p1 $0x0, s8;
	p2 =	sne.s32 s4, $0x1;
	s15 =	sadd.s32 $0x80, s21  }
0x50: {  	s11 =	sadd.s32 @!p1 $0x0, s11;
	s14 =	sadd.s32 @!p1 $0x0, s13;
	_ =	swait.ge @!p1 [sflag:s8], $0x80  }
.Ltmp3:
0x51: {  	s13 =	sadd.s32 $0x280, s21;
	[sflag:s8] =	ssyncset.done @!p1 $0x0;
	(pc) =	sbr.rel @!p2 .LBB2_7-.Ltmp3, $4  }
0x52: {  	s15 =	sadd.s32 @!p1 $0x0, s15;
	[sflag:s8] =	ssyncadd.s32 @!p1 $0xFFFFFF80;
	s8 =	simm.s32 @!p1 $0x80  }
0x53: {  	[tilespmem:s7], [sflag:s11] =	stream.indirect.gather @!p1 [hbm4b:s16+s8], $0x80, s15, s8, $0xb8;
	[tilespmem:$0x1FC80] =	vst v63  }
0x54: {  	s8 =	sadd.s32 @!p1 $0x0, s13;
	s15 =	simm.s32 @!p1 $0x0;
	s7 =	sadd.s32 $0x4, s6  }
0x55: {  	s11 =	sadd.s32 $0x7, s6;
	s6 =	sadd.s32 $0xA, s6;
	s13 =	smov.u32 s1  }
.LBB2_6:
0x56: {  	[tilespmem:s8], [sflag:s14] =	stream.linear.gather @!p1 [hbm4b:s13+s15], $0x80, $0x38;
	[tilespmem:$0x1FC80] =	vst v63  }
0x57: {  	s2 =	smul.u32 $0xFFFFFA00, s19;
	s7 =	sadd.s32 s0, s7  }
0x58: {  	s4 =	smov.u32 s22;
	s5 =	smul.u32 $0xFFFD0000, s19;
	s8 =	smov.u32 s23  }
0x59: {  	s11 =	sadd.s32 s0, s11;
	s22 =	sadd.s32 $0x1, s22;
	s18 =	smulhi.u32 $0xAAAAAAAB, s28  }
0x5a: {  	s23 =	sadd.s32 $0x10, s23;
	s21 =	smulhi.u32 $0xAAAAAAAB, s30;
	s28 =	sadd.s32 $0x1, s28  }
0x5b: {  	s1 =	smulhi.u32 $0xAAAAAAAB, s3;
	s30 =	sadd.s32 $0x1, s30;
	p1 =	slt.u32 s3, $0x2  }
0x5c: {  	_ =	swait.ge [sflag:s7], $0x4000;
	s15 =	smulhi.u32 $0xAAAAAAAB, s4;
	s13 =	sshra.s32 s2, $0x2  }
0x5d: {  	[sflag:s7] =	ssyncset.done $0x0;
	s14 =	sshra.s32 s5, $0x2;
	s2 =	sshrl.u32 s21, $0x1  }
0x5e: {  	s19 =	sshrl.u32 s1, $0x1;
	s5 =	sadd.s32 $0x2, s3;
	s13 =	sadd.s32 $0x200, s13  }
0x5f: {  	[sflag:s7] =	ssyncadd.s32 $0xFFFFC000;
	s10 =	sadd.s32 s14, s12;
	s12 =	sshra.s32 s20, $0x2  }
0x60: {  	s14 =	sadd.s32 s0, s6;
	s6 =	smov.u32 s25;
	s20 =	smov.u32 s29  }
0x61: {  	s25 =	sadd.s32 $0x4000, s25;
	s29 =	sadd.s32 $0x200, s29;
	s4 =	smul.u32 $0xFFFFFFF4, s2  }
0x62: {  	s15 =	sshrl.u32 s15, $0x1;
	s7 =	sshrl.u32 s18, $0x1;
	s3 =	sadd.s32 $0xFFFFFFFF, s5  }
0x63: {  	_ =	swait.ge [sflag:s11], $0x80;
	s13 =	sadd.s32 s12, s13;
	s12 =	smov.u32 s24  }
0x64: {  	s24 =	sadd.s32 $0x4000, s24;
	s2 =	smul.u32 $0xFFFFFFF4, s7;
	[sflag:s11] =	ssyncset.done $0x0  }
0x65: {  	s21 =	rddreg [dreg:$0x4];
	[sflag:s11] =	ssyncadd.s32 $0xFFFFFF80;
	s11 =	smul.u32 $0xFFFFFFF4, s19  }
0x66: {  	p2 =	sge.u32 s5, s21;
	s5 =	smov.u32 s16;
	s16 =	smul.u32 $0xFFFFFA00, s7  }
0x67: {  	s2 =	sshra.s32 s2, $0x2;
	s7 =	smul.u32 $0xFFFD0000, s7;
	p3 =	sne.s32 s3, s21  }
0x68: {  	[spmem:s17] =	stream.indirect.scatter.add.f32 [tilespmem:s10], [sflag:s14], $0x80, s13, s9, $0xb8;
	[tilespmem:$0x1FC80] =	vst v63  }
0x69: {  	s13 =	smov.u32 s26;
	s14 =	smov.u32 s31;
	s26 =	sadd.s32 $0x10, s26  }
0x6a: {  	s31 =	sadd.s32 $0x4, s31;
	s9 =	sshra.s32 s4, $0x2;
	s10 =	smul.u32 $0xFFFFFFF4, s15  }
0x6b: {  	s15 =	smul.u32 $0xFFFFFA00, s15;
	s0 =	sshra.s32 s14, $0x2;
	s9 =	sadd.s32 $0x8, s9  }
0x6c: {  	s4 =	sshra.s32 @!p1 s14, $0x2;
	s1 =	sshra.s32 @!p2 s14, $0x2;
	s16 =	sshra.s32 s16, $0x2  }
0x6d: {  	s10 =	sshra.s32 s10, $0x2;
	s15 =	sshra.s32 s15, $0x2;
	s4 =	sadd.s32 @!p1 s4, s9  }
0x6e: {  	s9 =	sshra.s32 @!p2 s20, $0x2;
	s15 =	sadd.s32 $0x100, s15;
	_ =	swait.ge @!p1 [sflag:s4], $0x4000  }
0x6f: {  	s10 =	sadd.s32 $0x3, s10;
	s9 =	sadd.s32 @!p2 s9, s15;
	[sflag:s4] =	ssyncset.done @!p1 $0x0  }
0x70: {  	s1 =	sadd.s32 @!p2 s1, s10;
	[sflag:s4] =	ssyncadd.s32 @!p1 $0xFFFFC000;
	p1 =	sge.u32 s3, s21  }
0x71: {  	s4 =	sadd.s32 $0x2, s2;
	s21 =	simm.s32 @!p2 $0x0;
	s10 =	sshra.s32 @!p1 s14, $0x2  }
0x72: {  	s15 =	sshra.s32 @!p1 s20, $0x2;
	s14 =	sadd.s32 $0x5, s2;
	s2 =	sadd.s32 $0x8, s2  }
0x73: {  	[tilespmem:s9], [sflag:s1] =	stream.linear.gather @!p2 [hbm4b:s8+s21], $0x80, $0x38;
	[tilespmem:$0x1FC80] =	vst v63  }
0x74: {  	s9 =	simm.s32 $0x80;
	s8 =	sshra.s32 s7, $0x2;
	s21 =	sshra.s32 s11, $0x2  }
0x75: {  	s18 =	sadd.s32 @!p1 s10, s14;
	s14 =	sadd.s32 @!p1 s10, s2;
	s4 =	sadd.s32 @!p1 s10, s4  }
0x76: {  	s10 =	sadd.s32 $0x80, s16;
	s2 =	sadd.s32 $0x280, s16;
	s16 =	simm.s32 @!p1 $0x80  }
.Ltmp4:
0x77: {  	s1 =	sadd.s32 s8, s6;
	_ =	swait.ge @!p1 [sflag:s4], $0x80;
	(pc) =	sbr.rel @p3 .LBB2_6-.Ltmp4, $4  }
0x78: {  	s11 =	sadd.s32 $0x7, s21;
	s6 =	sadd.s32 $0xA, s21;
	[sflag:s4] =	ssyncset.done @!p1 $0x0  }
0x79: {  	s7 =	sadd.s32 @!p1 s15, s10;
	s8 =	sadd.s32 @!p1 s15, s2;
	[sflag:s4] =	ssyncadd.s32 @!p1 $0xFFFFFF80  }
0x7a: {  	[tilespmem:s1], [sflag:s18] =	stream.indirect.gather @!p1 [hbm4b:s5+s16], $0x80, s7, s16, $0xb8;
	[tilespmem:$0x1FC80] =	vst v63  }
0x7b: {  	s15 =	simm.s32 @!p1 $0x0;
	s16 =	smov.u32 s5;
	s7 =	sadd.s32 $0x4, s21  }
.LBB2_7:
0x7c: {  	[tilespmem:s8], [sflag:s14] =	stream.linear.gather @!p1 [hbm4b:s13+s15], $0x80, $0x38;
	[tilespmem:$0x1FC80] =	vst v63  }
0x7d: {  	s1 =	sadd.s32 s0, s7  }
0x7e: {  	s2 =	smul.u32 $0xFFFFFA00, s19;
	_ =	swait.ge [sflag:s1], $0x4000  }
0x7f: {  	s3 =	smul.u32 $0xFFFD0000, s19;
	s4 =	sadd.s32 s0, s11;
	[sflag:s1] =	ssyncset.done $0x0  }
0x80: {  	s24 =	sshra.s32 s20, $0x2;
	s25 =	sadd.s32 s0, s6;
	[sflag:s1] =	ssyncadd.s32 $0xFFFFC000  }
0x81: {  	s2 =	sshra.s32 s2, $0x2;
	s23 =	sshra.s32 s3, $0x2;
	_ =	swait.ge [sflag:s4], $0x80  }
0x82: {  	s22 =	sadd.s32 $0x200, s2;
	s2 =	sadd.s32 s23, s12;
	[sflag:s4] =	ssyncset.done $0x0  }
0x83: {  	s1 =	sadd.s32 s24, s22;
	s26 =	rddreg [dreg:$0x9];
	[sflag:s4] =	ssyncadd.s32 $0xFFFFFF80  }
0x84: {  	[spmem:s17] =	stream.indirect.scatter.add.f32 [tilespmem:s2], [sflag:s25], $0x80, s1, s9, $0xb8;
	[tilespmem:$0x1FC80] =	vst v63  }
0x85: {  	_ =	swait.ge [sflag:s26], $0x4000  }
0x86: {  	[sflag:s26] =	ssyncset.done $0x0  }
0x87: {  	s28 =	rddreg [dreg:$0xa];
	[sflag:s26] =	ssyncadd.s32 $0xFFFFC000  }
0x88: {  	_ =	swait.ge [sflag:s28], $0x4000  }
0x89: {  	[sflag:s28] =	ssyncset.done $0x0  }
0x8a: {  	[sflag:s28] =	ssyncadd.s32 $0xFFFFC000  }
0x8b: {  	s29 =	stileid.u32;
	[bflag:$0x0] =	sbarrier.arrive $0xFFFF  }
.Ltmp5:
0x8c: {  	s0 =	sshll.u32 s29, $0x6;
	s5 =	rddreg [dreg:$0xc];
	(pc) =	sbr.rel @!p0 .LBB2_9-.Ltmp5, $4  }
0x8d: {  	s0 =	sor.u32 $0x1C0D, s0;
	s31 =	rddreg [dreg:$0xf];
	s30 =	sshrl.u32 s5, $0x3  }
0x8e: {  	[hbm:s31], [sflag:s0] =	dma.local [spmem:s30], $0x80  }
0x8f: {  	s7 =	simm.s32 $0xD;
	s6 =	sadd.s32 $0x80, s31;
	s4 =	rddreg [dreg:$0x4]  }
0x90: {  	s8 =	smov.u32 s5;
	_ =	swait.ge [sflag:s7], $0x80;
	s3 =	sadd.s32 $0xFFFFFFFF, s4  }
.LBB2_8:
0x91: {  	[sflag:s7] =	ssyncset.done $0x0;
	s8 =	sadd.s32 $0x400, s8;
	p0 =	sne.s32 s3, $0x1  }
.Ltmp6:
0x92: {  	s1 =	sshrl.u32 s8, $0x3;
	[sflag:s7] =	ssyncadd.s32 $0xFFFFFF80;
	(pc) =	sbr.rel @p0 .LBB2_8-.Ltmp6, $3  }
0x93: {  	[hbm:s6], [sflag:s0] =	dma.local [spmem:s1], $0x80  }
0x94: {  	s3 =	sadd.s32 $0xFFFFFFFF, s3;
	_ =	sdelay $0x1  }
0x95: {  	s6 =	sadd.s32 $0x80, s6;
	_ =	swait.ge [sflag:s7], $0x80  }
.LBB2_9:
0x96: {  	s2 =	rddreg [dreg:$0x5]  }
0x97: {  	s0 =	rddreg [dreg:$0xb];
	s2 =	sadd.s32 $0x1, s2  }
0x98: {  	p0 =	sne.s32 s2, s0  }
.Ltmp7:
0x99: {  	_ = 	snop;
	(pc) =	sbr.rel @p0 .LBB2_1-.Ltmp7, $3  }
0x9a: {  	_ =	sdelay $0x1  }
0x9b: {  	[sflag:s7] =	ssyncset.done $0x0  }
0x9c: {  	s1 =	simm.s32 $0x400;
	[sflag:s7] =	ssyncadd.s32 $0xFFFFFF80  }
0x9d: {  	_ =	sfence.sel $0x180000  }
0x9e: {  	[bflag:$0x0] =	sbarrier.arrive $0xFFFF  }
0x9f: {  	_ =	strace $0x9000004A  }
0xa0: {  	s0 =	stileid.u32;
	[bflag:$0x2] =	sbarrier.arrive $0xFFFF  }
0xa1: {  	p0 =	sne.s32 s0, $0x0;
	s0 =	rddreg [dreg:$0x3]  }
0xa2: {  	s0 =	sadd.s32 @!p0 $0x100000, s0  }
0xa3: {  	[sflag:s0] =	ssyncadd.tile.s32 @!p0 $0x1;
	_ =	shalt  }
.Lfunc_end2:
_tile_overlayer_lowered:
.L_overlay_start_2:
0xa4: {  	(tag) =	ssettag $0x2  }
0xa5: {  	s0 =	rddreg [dreg:$0x0];
	s2 =	stileid.u32  }
0xa6: {  	s1 =	rddreg [dreg:$0x1];
	p0 =	sne.s32 s2, $0x0  }
0xa7: {  	s3 =	rddreg [dreg:$0x2];
	[bflag:$0x3] =	sbarrier.arrive $0xFFFF;
	s2 =	simm.s32 @!p0 $0x1C0D  }
0xa8: {  	[timem:s3], [sflag:s2] =	dma.local @!p0 [hbm:s0], s1  }
0xa9: {  	s0 =	simm.s32 @!p0 $0xD  }
0xaa: {  	_ =	swait.ge @!p0 [sflag:s0], s1  }
0xab: {  	s1 =	ssub.s32 @!p0 $0x0, s1;
	[sflag:s0] =	ssyncset.done @!p0 $0x0  }
0xac: {  	[sflag:s0] =	ssyncadd.s32 @!p0 s1  }
0xad: {  	[bflag:$0x3] =	sbarrier.arrive $0xFFFF  }
0xae: {  	_ =	shalt  }

// kernel: sc_segment_sum.7.cloned.1.call-start
scs
__scs_entry_jumppad:
0x0: {  	(pc) =	sbr.rel $0x88, $3  }
0x1: {  	(tag) =	ssettag $0x0;
	lr =	simm.s32 $0x1  }
0x2: {  	[smem:$0x3F93] =	sst lr;
	_ =	strace $0xD0000000  }
0x3: {  	_ = 	snop  }
0x4: {  	_ = 	snop  }
0x5: {  	_ = 	snop  }
0x6: {  	_ = 	snop  }
0x7: {  	_ = 	snop  }
__scs_overlays_trampoline_lowered:
0x8: {  	[smem:$0x3FA2] =	sst s0  }
0x9: {  	[smem:$0x3FA3] =	sst s1  }
0xa: {  	[smem:$0x3FA4] =	sst s2  }
0xb: {  	[smem:$0x3FA5] =	sst s3  }
0xc: {  	[smem:$0x3FA6] =	sst s4  }
0xd: {  	[smem:$0x3FA7] =	sst s5  }
0xe: {  	[smem:$0x3FA8] =	sst s6  }
0xf: {  	[smem:$0x3FA9] =	sst s7  }
0x10: {  	[smem:$0x3FAA] =	sst s8  }
0x11: {  	[smem:$0x3FAB] =	sst s9;
	s0 =	simm.s32 @!p0 $0x0  }
0x12: {  	s1 =	sld [smem:$0x3F91];
	s0 =	simm.s32 @p0 $0x1  }
0x13: {  	[smem:$0x3FAC] =	sst s0;
	s0 =	simm.s32 @!p1 $0x0  }
0x14: {  	s2 =	sld [smem:$0x3F90];
	s0 =	simm.s32 @p1 $0x1  }
0x15: {  	[smem:$0x3FAD] =	sst s0;
	s0 =	simm.s32 @!p2 $0x0  }
0x16: {  	s3 =	sld [smem:$0x3FDB];
	s0 =	simm.s32 @p2 $0x1  }
0x17: {  	s4 =	simm.s32 $0x1BF5;
	[smem:$0x3FAF] =	sst s0  }
0x18: {  	s0 =	sld [smem:$0x3F92];
	_ =	swait.ge [sflag:s4], $0x0  }
0x19: {  	s7 =	sld [smem:$0x3F93]  }
0x1a: {  	s8 =	sadd.s32 $0xFFFFE003, lr  }
0x1b: {  	s9 =	sadd.s32 $0xFFFFFEF7, lr;
	s5 =	simm.s32 $0xFFFFFFFF;
	p2 =	slt.u32 s8, $0xFFFFF086  }
0x1c: {  	p1 =	slt.u32 s9, $0xF7A;
	s5 =	simm.s32 @!p2 $0x0  }
0x1d: {  	s5 =	simm.s32 @p1 $0x1;
	p0 =	seq.s32 s7, s2  }
0x1e: {  	s7 =	smul.u32 @!p0 $0xF7A, s2;
	p2 =	seq.s32 @!p0 s5, $0x0  }
0x1f: {  	s9 =	smul.u32 $0xF7A, s1;
	s8 =	simm.s32 @!p0 $0x1BF5;
	p2 =	por !p2, p0  }
0x20: {  	[sflag:s8] =	ssyncset.s32 @!p0 $0xFFFFF086;
	s6 =	sadd.s32 @!p0 s3, s7;
	s7 =	simm.s32 @!p0 $0x108  }
0x21: {  	s3 =	sadd.s32 s3, s9;
	s6 =	sadd.s32 @!p0 $0x88, s6;
	s7 =	simm.s32 @p2 $0x1082  }
0x22: {  	[simem:s7], [sflag:s8] =	dma.local @!p0 [hbm:s6], $0xF7A  }
0x23: {  	s9 =	sor.u32 $0xD0000000, s2;
	s6 =	simm.s32 $0x108;
	_ =	swait.ge @!p0 [sflag:s8], $0x0  }
0x24: {  	s3 =	sadd.s32 $0x88, s3;
	s6 =	simm.s32 @!p1 $0x1082;
	[sflag:s4] =	ssyncset.s32 $0xFFFFF086  }
0x25: {  	[simem:s6], [sflag:s4] =	dma.local [hbm:s3], $0xF7A  }
0x26: {  	[smem:$0x3F93] =	sst s1;
	(tag) =	ssettag s2;
	_ =	strace s9  }
0x27: {  	s1 =	sld [smem:$0x3FA3]  }
0x28: {  	s2 =	sld [smem:$0x3FA4]  }
0x29: {  	s4 =	sld [smem:$0x3FA6]  }
0x2a: {  	p0 =	seq.s32 s5, $0x0;
	s5 =	sld [smem:$0x3FA7]  }
0x2b: {  	s6 =	sld [smem:$0x3FA8]  }
0x2c: {  	s7 =	sld [smem:$0x3FA9]  }
0x2d: {  	s3 =	simm.s32 $0x108;
	s8 =	sld [smem:$0x3FAA]  }
0x2e: {  	s3 =	simm.s32 @!p0 $0x1082;
	s9 =	sld [smem:$0x3FAB]  }
0x2f: {  	lr =	sadd.s32 s0, s3;
	s0 =	sld [smem:$0x3FA2]  }
0x30: {  	s3 =	sld [smem:$0x3FA5]  }
0x31: {  	[smem:$0x3FAE] =	sst s10  }
0x32: {  	s10 =	sld [smem:$0x3FAC];
	_ =	sdelay $0x3  }
0x33: {  	p0 =	seq.s32 s10, $0x1;
	s10 =	sld [smem:$0x3FAE];
	_ =	sdelay $0x3  }
0x34: {  	[smem:$0x3FAE] =	sst s10  }
0x35: {  	s10 =	sld [smem:$0x3FAD];
	_ =	sdelay $0x3  }
0x36: {  	p1 =	seq.s32 s10, $0x1;
	s10 =	sld [smem:$0x3FAE];
	_ =	sdelay $0x3  }
0x37: {  	[smem:$0x3FAE] =	sst s10  }
0x38: {  	s10 =	sld [smem:$0x3FAF]  }
0x39: {  	_ = 	snop;
	(pc) =	sbr.ind lr, $3  }
0x3a: {  	_ = 	snop  }
0x3b: {  	_ = 	snop  }
0x3c: {  	p2 =	seq.s32 s10, $0x1;
	s10 =	sld [smem:$0x3FAE]  }
0x3d: {  	_ =	shalt  }
0x3e: {  	_ =	shalt  }
0x3f: {  	_ =	shalt  }
0x40: {  	_ =	shalt  }
0x41: {  	_ =	shalt  }
0x42: {  	_ =	shalt  }
0x43: {  	_ =	shalt  }
0x44: {  	_ =	shalt  }
0x45: {  	_ =	shalt  }
0x46: {  	_ =	shalt  }
0x47: {  	_ =	shalt  }
0x48: {  	_ =	shalt  }
0x49: {  	_ =	shalt  }
0x4a: {  	_ =	shalt  }
0x4b: {  	_ =	shalt  }
0x4c: {  	_ =	shalt  }
0x4d: {  	_ =	shalt  }
0x4e: {  	_ =	shalt  }
0x4f: {  	_ =	shalt  }
0x50: {  	_ =	shalt  }
0x51: {  	_ =	shalt  }
0x52: {  	_ =	shalt  }
0x53: {  	_ =	shalt  }
0x54: {  	_ =	shalt  }
0x55: {  	_ =	shalt  }
0x56: {  	_ =	shalt  }
0x57: {  	_ =	shalt  }
0x58: {  	_ =	shalt  }
0x59: {  	_ =	shalt  }
0x5a: {  	_ =	shalt  }
0x5b: {  	_ =	shalt  }
0x5c: {  	_ =	shalt  }
0x5d: {  	_ =	shalt  }
0x5e: {  	_ =	shalt  }
0x5f: {  	_ =	shalt  }
0x60: {  	_ =	shalt  }
0x61: {  	_ =	shalt  }
0x62: {  	_ =	shalt  }
0x63: {  	_ =	shalt  }
0x64: {  	_ =	shalt  }
0x65: {  	_ =	shalt  }
0x66: {  	_ =	shalt  }
0x67: {  	_ =	shalt  }
0x68: {  	_ =	shalt  }
0x69: {  	_ =	shalt  }
0x6a: {  	_ =	shalt  }
0x6b: {  	_ =	shalt  }
0x6c: {  	_ =	shalt  }
0x6d: {  	_ =	shalt  }
0x6e: {  	_ =	shalt  }
0x6f: {  	_ =	shalt  }
0x70: {  	_ =	shalt  }
0x71: {  	_ =	shalt  }
0x72: {  	_ =	shalt  }
0x73: {  	_ =	shalt  }
0x74: {  	_ =	shalt  }
0x75: {  	_ =	shalt  }
0x76: {  	_ =	shalt  }
0x77: {  	_ =	shalt  }
0x78: {  	_ =	shalt  }
0x79: {  	_ =	shalt  }
0x7a: {  	_ =	shalt  }
0x7b: {  	_ =	shalt  }
0x7c: {  	_ =	shalt  }
0x7d: {  	_ =	shalt  }
0x7e: {  	_ =	shalt  }
0x7f: {  	_ =	shalt  }
0x80: {  	_ =	shalt  }
0x81: {  	_ =	shalt  }
0x82: {  	_ =	shalt  }
0x83: {  	_ =	shalt  }
0x84: {  	_ =	shalt  }
0x85: {  	_ =	shalt  }
0x86: {  	_ =	shalt  }
0x87: {  	_ =	shalt  }
.Lfunc_end0:
.L_simem_size_0:
called_computation.2_lowered:
.L_overlay_start_0:
0x88: {  	s2 =	sld [smem:$0x3FD9]  }
0x89: {  	s3 =	sld [smem:$0x3FFE];
	_ =	sdelay $0x1  }
0x8a: {  	s1 =	srdreg.scid  }
0x8b: {  	s0 =	sand.u32 $0x1, s1  }
0x8c: {  	s17 =	sshll.u32 s0, $0xA;
	s2 =	sadd.s32 s3, s2  }
0x8d: {  	s2 =	sadd.s32 s2, s17  }
0x8e: {  	[smem:$0x3FBA] =	sst s2  }
0x8f: {  	_ = 	snop  }
0x90: {  	s2 =	sld [smem:$0x3FD0];
	(tm) =	ssettm $0x1  }
0x91: {  	s18 =	sld [smem:$0x3FFB];
	_ =	sdelay $0x3  }
0x92: {  	_ =	strace s18  }
0x93: {  	s3 =	sld [smem:$0x3FFC];
	_ =	sdelay $0x3  }
0x94: {  	_ =	strace s3  }
0x95: {  	s3 =	sld [smem:$0x3FFD];
	_ =	sdelay $0x3  }
0x96: {  	_ =	strace s3  }
0x97: {  	_ =	strace $0x8FFFFFFF  }
0x98: {  	s19 =	sld [smem:$0x3FDB];
	_ =	sdelay $0x1  }
0x99: {  	s4 =	simm.s32 $_scs_section_size  }
0x9a: {  	s5 =	simm.s32 $_size__tile_overlayer_lowered;
	s6 =	simm.s32 $_tile_overlayer_lowered  }
0x9b: {  	s22 =	simm.s32 $0x1BFF;
	s21 =	sshll.u32 s6, $0x1;
	s3 =	sadd.s32 s4, s19  }
0x9c: {  	s7 =	simm.s32 $0x0;
	s20 =	sshll.u32 s5, $0x1;
	s5 =	sadd.s32 s21, s3  }
0x9d: {  	[timem:s7], [sflag:s22] =	dma.local [hbm:s5], s20  }
0x9e: {  	_ =	swait.ge [sflag:s22], s20  }
0x9f: {  	s4 =	ssub.s32 $0x0, s20;
	[sflag:s22] =	ssyncset.done $0x0  }
0xa0: {  	[sflag:s22] =	ssyncadd.s32 s4;
	_ =	sdelay $0x1  }
0xa1: {  	s23 =	simm.s32 $0x1B8B  }
0xa2: {  	_ =	swait.ge [sflag:s23], $0x1  }
0xa3: {  	[sflag:s23] =	ssyncset.done $0x0  }
0xa4: {  	s25 =	simm.s32 $0x1B8E;
	s24 =	sld [smem:$0x3FFE];
	[sflag:s23] =	ssyncadd.s32 $0xFFFFFFFF  }
0xa5: {  	s26 =	simm.s32 $execute0_lowered;
	[smem:$0x3FD2] =	sst s25  }
0xa6: {  	s5 =	sshll.u32 s26, $0x1;
	_ =	strace $0x8000004C;
	[dreg:$0x1] =	wrdreg $0xFFFFFFFF  }
0xa7: {  	s28 =	simm.s32 $_size_execute0_lowered;
	s3 =	sadd.s32 s3, s5;
	[dreg:$0x0] =	wrdreg $0x0  }
0xa8: {  	s5 =	sshll.u32 s28, $0x1;
	[dreg:$0x2] =	wrdreg s3  }
0xa9: {  	[dreg:$0x3] =	wrdreg s5  }
0xaa: {  	[dreg:$0x4] =	wrdreg $0xC0  }
0xab: {  	_ =	task [dreg:s7], $0x5FFFF  }
0xac: {  	[dreg:$0x1] =	wrdreg $0xFFFFFFFF  }
0xad: {  	[dreg:$0x0] =	wrdreg $0x60  }
0xae: {  	[dreg:$0x2] =	wrdreg s2  }
0xaf: {  	[dreg:$0x3] =	wrdreg s24  }
0xb0: {  	[dreg:$0x4] =	wrdreg $0xC4000  }
0xb1: {  	[dreg:$0x5] =	wrdreg $0x9  }
0xb2: {  	_ =	task.clear_ibuf [dreg:s7], $0x6FFFF;
	_ =	strace $0x9000004C  }
0xb3: {  	s29 =	simm.s32 $0x9;
	_ =	strace $0x8000004E  }
0xb4: {  	_ =	swait.ge [sflag:s29], $0x1  }
0xb5: {  	[sflag:s29] =	ssyncadd.s32 $0xFFFFFFFF  }
0xb6: {  	_ =	strace $0x9000004E  }
0xb7: {  	_ =	sfence  }
0xb8: {  	s30 =	sld [smem:$0x0];
	_ =	sdelay $0x2  }
0xb9: {  	s31 =	sshll.u32 s1, $0xD;
	s1 =	sshrl.u32 s1, $0x2  }
0xba: {  	s3 =	sand.u32 $0x4000, s31;
	s1 =	sadd.s32 s1, s30  }
0xbb: {  	s0 =	sor.u32 s3, s0;
	s1 =	sshll.u32 s1, $0x11  }
0xbc: {  	s0 =	sor.u32 s1, s0  }
0xbd: {  	s0 =	sadd.s32 $0x8F2B, s0  }
0xbe: {  	[sflag:s0] =	ssyncadd.remote.s32 $0x1  }
0xbf: {  	_ =	sfence.sel $0xFFFF  }
0xc0: {  	[dreg:$0x0] =	wrdreg $0xFFFFFFFF;
	(pc) =	sbr.abs _section_cstart, $3  }
0xc1: {  	[dreg:$0x1] =	wrdreg $0xFFFFFFFF  }
0xc2: {  	_ =	task.clear_ibuf [dreg:s7], $0x2FFFF;
	_ =	strace $0x9FFFFFFF  }
0xc3: {  	(tm) =	ssettm $0x7FFFFFFF  }
tec
execute0_lowered:
.L_overlay_start_1:
0x0: {  	(tag) =	ssettag $0x1  }
0x1: {  	s16 =	rddreg [dreg:$0x0]  }
0x2: {  	s0 =	rddreg [dreg:$0x1]  }
0x3: {  	s3 =	srdreg.scid;
	s2 =	simm.s32 $0x0;
	s1 =	stileid.u32  }
0x4: {  	s4 =	simm.s32 $0x4F;
	s3 =	sand.u32 $0x1, s3;
	[smem:$0x7FF] =	sst s2  }
0x5: {  	s6 =	smul.u32 $0x13800, s1;
	s7 =	sadd.s32 $0xC800, s0;
	s8 =	smin.u32 s1, $0x2  }
0x6: {  	s9 =	sshll.u32 s1, $0x1;
	s11 =	sadd.s32 $0x2A00, s0;
	s23 =	smul.u32 $0x9C, s1  }
0x7: {  	p0 =	slt.u32 s1, $0x2;
	s13 =	smul.u32 $0x4E000, s1;
	s1 =	simm.s32 $0xA  }
0x8: {  	s17 =	rddreg [dreg:$0x2];
	s5 =	smul.u32 $0x138800, s3;
	_ =	strace $0x8000004D  }
0x9: {  	s18 =	sshll.u32 s8, $0xA;
	s19 =	sor.u32 s3, s9;
	s20 =	ssub.s32 $0x2, s3  }
0xa: {  	s4 =	simm.s32 @!p0 $0x4E;
	s3 =	smul.u32 $0x4E, s3;
	s1 =	simm.s32 @!p0 $0xC  }
0xb: {  	s8 =	sshll.u32 s8, $0xC;
	s10 =	smul.u32 $0x4E, s19;
	[dreg:$0xa] =	wrdreg s1  }
0xc: {  	s21 =	sshrl.u32 s20, $0x1;
	[dreg:$0x4] =	wrdreg s4;
	s5 =	sadd.s32 s6, s5  }
0xd: {  	s6 =	smin.u32 s19, $0x4;
	s12 =	ssub.s32 s20, s21;
	s3 =	sadd.s32 s3, s23  }
0xe: {  	s5 =	sadd.s32 s18, s5;
	s22 =	sadd.s32 s6, s10;
	s3 =	sadd.s32 s6, s3  }
0xf: {  	s28 =	smax.u32 s12, $0x1;
	s5 =	sshrl.u32 s5, $0x3;
	s9 =	sshll.u32 s22, $0x4  }
0x10: {  	s3 =	sshll.u32 s3, $0x4;
	[dreg:$0xb] =	wrdreg s28;
	s24 =	sadd.s32 s7, s9  }
0x11: {  	s0 =	sadd.s32 s5, s0;
	s25 =	sadd.s32 s11, s9;
	[dreg:$0x6] =	wrdreg s24  }
0x12: {  	s29 =	sadd.s32 s3, s11;
	s5 =	sadd.s32 $0x10, s24;
	[dreg:$0x8] =	wrdreg s25  }
0x13: {  	s3 =	sadd.s32 s7, s3;
	s30 =	sadd.s32 $0x10, s29;
	[dreg:$0x7] =	wrdreg s5  }
0x14: {  	s26 =	sadd.s32 s8, s13;
	s31 =	sadd.s32 $0x20, s3;
	[dreg:$0xd] =	wrdreg s30  }
0x15: {  	s0 =	sadd.s32 $0x16600, s0;
	s5 =	simm.s32 $0xC;
	[dreg:$0xe] =	wrdreg s31  }
0x16: {  	s6 =	sshrl.u32 s26, $0x2;
	[dreg:$0xf] =	wrdreg s0;
	s5 =	simm.s32 @!p0 $0xB  }
0x17: {  	s1 =	simm.s32 $0x400;
	[dreg:$0x9] =	wrdreg s5;
	s5 =	sadd.s32 s6, s17  }
0x18: {  	v0 =	vimm.f32 $0.0e+00;
	s7 =	simm.s32 $0xD;
	s9 =	simm.s32 $0x80;
	[dreg:$0xc] =	wrdreg s5  }
.LBB2_1:
0x19: {  	s0 =	simm.s32 $0x0;
	s3 =	simm.s32 $0x200  }
.LBB2_2:
0x1a: {  	p0 =	sne.s32 s3, $0xFE00;
	[tilespmem:s0+$0x470] =	vst v0  }
0x1b: {  	[tilespmem:s0+$0x400] =	vst v0  }
0x1c: {  	[tilespmem:s0+$0x410] =	vst v0  }
.Ltmp0:
0x1d: {  	[tilespmem:s0+$0x420] =	vst v0;
	(pc) =	sbr.rel @p0 .LBB2_2-.Ltmp0, $4  }
0x1e: {  	[tilespmem:s0+$0x430] =	vst v0  }
0x1f: {  	[tilespmem:s0+$0x440] =	vst v0  }
0x20: {  	[tilespmem:s0+$0x450] =	vst v0  }
0x21: {  	[tilespmem:s0+$0x460] =	vst v0;
	s0 =	sshra.s32 s3, $0x2;
	s3 =	sadd.s32 $0x200, s3  }
0x22: {  	[tilespmem:s0+$0x470] =	vst v0  }
0x23: {  	[tilespmem:s0+$0x400] =	vst v0  }
0x24: {  	[tilespmem:s0+$0x410] =	vst v0  }
0x25: {  	[tilespmem:s0+$0x420] =	vst v0  }
0x26: {  	[tilespmem:s0+$0x430] =	vst v0  }
0x27: {  	[tilespmem:s0+$0x440] =	vst v0;
	p0 =	sne.s32 s4, $0x1  }
.Ltmp1:
0x28: {  	[tilespmem:s0+$0x450] =	vst v0;
	(pc) =	sbr.rel @!p0 .LBB2_5-.Ltmp1, $4  }
0x29: {  	[tilespmem:s0+$0x460] =	vst v0  }
0x2a: {  	[spmem:s5] =	stream.linear.scatter [tilespmem:s1], [sflag:$0xD], $0x400, $0x38;
	[tilespmem:$0x1FC80] =	vst v63  }
0x2b: {  	_ =	swait.ge [sflag:s7], $0x400  }
0x2c: {  	s0 =	sadd.s32 $0xFFFFFFFF, s4;
	s3 =	smov.u32 s5;
	[sflag:s7] =	ssyncset.done $0x0  }
.LBB2_4:
0x2d: {  	p1 =	sne.s32 s0, $0x1;
	[sflag:s7] =	ssyncadd.s32 $0xFFFFFC00;
	s3 =	sadd.s32 $0x400, s3  }
.Ltmp2:
0x2e: {  	s0 =	sadd.s32 $0xFFFFFFFF, s0;
	(pc) =	sbr.rel @p1 .LBB2_4-.Ltmp2, $4  }
0x2f: {  	_ = 	snop  }
0x30: {  	[spmem:s3] =	stream.linear.scatter [tilespmem:s1], [sflag:$0xD], $0x400, $0x38;
	[tilespmem:$0x1FC80] =	vst v63  }
0x31: {  	_ =	swait.ge [sflag:s7], $0x400  }
0x32: {  	[sflag:s7] =	ssyncset.done $0x0  }
.LBB2_5:
0x33: {  	[dreg:$0x5] =	wrdreg s2  }
0x34: {  	[sflag:s7] =	ssyncadd.s32 $0xFFFFFC00;
	s20 =	simm.s32 $0x0;
	s1 =	simm.s32 $0x200  }
0x35: {  	s19 =	simm.s32 $0x1;
	s12 =	simm.s32 $0x400;
	s3 =	simm.s32 $0xFFFFFFFE  }
0x36: {  	s6 =	simm.s32 $0x2;
	s22 =	simm.s32 $0x3;
	s24 =	simm.s32 $0x4400  }
0x37: {  	s25 =	simm.s32 $0x8400;
	s28 =	simm.s32 $0x2;
	s21 =	smulhi.u32 $0xAAAAAAAB, s19  }
0x38: {  	s29 =	simm.s32 $0x200;
	[bflag:$0x0] =	sbarrier.arrive $0xFFFF;
	s3 =	smulhi.u32 $0xAAAAAAAB, s3  }
0x39: {  	s30 =	simm.s32 $0xFFFFFFFF;
	s6 =	smulhi.u32 $0xAAAAAAAB, s6;
	s0 =	rddreg [dreg:$0x6]  }
0x3a: {  	[tilespmem:s20], [sflag:$0x1] =	stream.linear.gather [hbm4b:s0+s20], $0x80, $0x38;
	[tilespmem:$0x1FC80] =	vst v63  }
0x3b: {  	s31 =	simm.s32 $0x4;
	s5 =	smulhi.u32 $0xAAAAAAAB, s20;
	s0 =	sshrl.u32 s3, $0x1  }
0x3c: {  	p2 =	sle.u32 s4, $0x2;
	s6 =	sshrl.u32 s6, $0x1;
	s8 =	smul.u32 $0xFFFFFFF4, s0  }
0x3d: {  	p1 =	por $0x1, $0x1;
	s13 =	simm.s32 @!p2 $0x0;
	s11 =	smul.u32 $0xFFFFFFF4, s6  }
0x3e: {  	s15 =	rddreg [dreg:$0x7];
	s7 =	sshrl.u32 s21, $0x1;
	s3 =	smul.u32 $0xFFFFFA00, s6  }
0x3f: {  	s18 =	rddreg [dreg:$0x8];
	s0 =	simm.s32 $0x0;
	s14 =	smul.u32 $0xFFFFFFF4, s7  }
0x40: {  	[tilespmem:s9], [sflag:$0x2] =	stream.linear.gather [hbm4b:s15+s20], $0x80, $0x38;
	[tilespmem:$0x1FC80] =	vst v63  }
0x41: {  	s8 =	sshra.s32 s8, $0x2;
	s11 =	sshra.s32 s11, $0x2;
	s3 =	sshra.s32 s3, $0x2  }
0x42: {  	[tilespmem:s1], [sflag:$0x7] =	stream.linear.gather [hbm4b:s18+s20], $0x80, $0x38;
	[tilespmem:$0x1FC80] =	vst v63  }
0x43: {  	s14 =	sshra.s32 s14, $0x2;
	s8 =	sadd.s32 $0x8, s8;
	s18 =	smul.u32 $0xFFFFFA00, s7  }
0x44: {  	s3 =	sadd.s32 $0x100, s3;
	s11 =	sadd.s32 $0x3, s11;
	s7 =	smul.u32 $0xFFFD0000, s7  }
0x45: {  	_ =	swait.ge [sflag:s19], $0x80;
	s8 =	sadd.s32 @!p1 $0x0, s8;
	s15 =	sadd.s32 @!p2 $0x0, s3  }
0x46: {  	s11 =	sadd.s32 @!p2 $0x0, s11;
	s3 =	simm.s32 $0x1;
	s2 =	rddreg [dreg:$0xe]  }
0x47: {  	[sflag:s19] =	ssyncset.done $0x0;
	s1 =	rddreg [dreg:$0xd];
	s21 =	sshra.s32 s18, $0x2  }
0x48: {  	s7 =	sshra.s32 s7, $0x2;
	[sflag:s19] =	ssyncadd.s32 $0xFFFFFF80;
	s19 =	sshrl.u32 s5, $0x1  }
0x49: {  	[tilespmem:s12], [sflag:$0x4] =	stream.indirect.gather [hbm4b:s16+s9], $0x80, s20, s9, $0xb8;
	[tilespmem:$0x1FC80] =	vst v63  }
0x4a: {  	s23 =	sadd.s32 $0x10, s2;
	s10 =	smul.u32 $0xFFFFFFF4, s19;
	_ =	swait.ge @!p1 [sflag:s8], $0x4000  }
0x4b: {  	s26 =	sadd.s32 $0x10, s1;
	s7 =	sadd.s32 $0x4400, s7;
	[sflag:s8] =	ssyncset.done @!p1 $0x0  }
0x4c: {  	s6 =	sshra.s32 s10, $0x2;
	[sflag:s8] =	ssyncadd.s32 @!p1 $0xFFFFC000;
	p1 =	sle.u32 s4, $0x1  }
0x4d: {  	[tilespmem:s15], [sflag:s11] =	stream.linear.gather @!p2 [hbm4b:s2+s13], $0x80, $0x38;
	[tilespmem:$0x1FC80] =	vst v63  }
0x4e: {  	s8 =	sadd.s32 $0x2, s14;
	s11 =	sadd.s32 $0x5, s14;
	s13 =	sadd.s32 $0x8, s14  }
0x4f: {  	s8 =	sadd.s32 @!p1 $0x0, s8;
	p2 =	sne.s32 s4, $0x1;
	s15 =	sadd.s32 $0x80, s21  }
0x50: {  	s11 =	sadd.s32 @!p1 $0x0, s11;
	s14 =	sadd.s32 @!p1 $0x0, s13;
	_ =	swait.ge @!p1 [sflag:s8], $0x80  }
.Ltmp3:
0x51: {  	s13 =	sadd.s32 $0x280, s21;
	[sflag:s8] =	ssyncset.done @!p1 $0x0;
	(pc) =	sbr.rel @!p2 .LBB2_7-.Ltmp3, $4  }
0x52: {  	s15 =	sadd.s32 @!p1 $0x0, s15;
	[sflag:s8] =	ssyncadd.s32 @!p1 $0xFFFFFF80;
	s8 =	simm.s32 @!p1 $0x80  }
0x53: {  	[tilespmem:s7], [sflag:s11] =	stream.indirect.gather @!p1 [hbm4b:s16+s8], $0x80, s15, s8, $0xb8;
	[tilespmem:$0x1FC80] =	vst v63  }
0x54: {  	s8 =	sadd.s32 @!p1 $0x0, s13;
	s15 =	simm.s32 @!p1 $0x0;
	s7 =	sadd.s32 $0x4, s6  }
0x55: {  	s11 =	sadd.s32 $0x7, s6;
	s6 =	sadd.s32 $0xA, s6;
	s13 =	smov.u32 s1  }
.LBB2_6:
0x56: {  	[tilespmem:s8], [sflag:s14] =	stream.linear.gather @!p1 [hbm4b:s13+s15], $0x80, $0x38;
	[tilespmem:$0x1FC80] =	vst v63  }
0x57: {  	s2 =	smul.u32 $0xFFFFFA00, s19;
	s7 =	sadd.s32 s0, s7  }
0x58: {  	s4 =	smov.u32 s22;
	s5 =	smul.u32 $0xFFFD0000, s19;
	s8 =	smov.u32 s23  }
0x59: {  	s11 =	sadd.s32 s0, s11;
	s22 =	sadd.s32 $0x1, s22;
	s18 =	smulhi.u32 $0xAAAAAAAB, s28  }
0x5a: {  	s23 =	sadd.s32 $0x10, s23;
	s21 =	smulhi.u32 $0xAAAAAAAB, s30;
	s28 =	sadd.s32 $0x1, s28  }
0x5b: {  	s1 =	smulhi.u32 $0xAAAAAAAB, s3;
	s30 =	sadd.s32 $0x1, s30;
	p1 =	slt.u32 s3, $0x2  }
0x5c: {  	_ =	swait.ge [sflag:s7], $0x4000;
	s15 =	smulhi.u32 $0xAAAAAAAB, s4;
	s13 =	sshra.s32 s2, $0x2  }
0x5d: {  	[sflag:s7] =	ssyncset.done $0x0;
	s14 =	sshra.s32 s5, $0x2;
	s2 =	sshrl.u32 s21, $0x1  }
0x5e: {  	s19 =	sshrl.u32 s1, $0x1;
	s5 =	sadd.s32 $0x2, s3;
	s13 =	sadd.s32 $0x200, s13  }
0x5f: {  	[sflag:s7] =	ssyncadd.s32 $0xFFFFC000;
	s10 =	sadd.s32 s14, s12;
	s12 =	sshra.s32 s20, $0x2  }
0x60: {  	s14 =	sadd.s32 s0, s6;
	s6 =	smov.u32 s25;
	s20 =	smov.u32 s29  }
0x61: {  	s25 =	sadd.s32 $0x4000, s25;
	s29 =	sadd.s32 $0x200, s29;
	s4 =	smul.u32 $0xFFFFFFF4, s2  }
0x62: {  	s15 =	sshrl.u32 s15, $0x1;
	s7 =	sshrl.u32 s18, $0x1;
	s3 =	sadd.s32 $0xFFFFFFFF, s5  }
0x63: {  	_ =	swait.ge [sflag:s11], $0x80;
	s13 =	sadd.s32 s12, s13;
	s12 =	smov.u32 s24  }
0x64: {  	s24 =	sadd.s32 $0x4000, s24;
	s2 =	smul.u32 $0xFFFFFFF4, s7;
	[sflag:s11] =	ssyncset.done $0x0  }
0x65: {  	s21 =	rddreg [dreg:$0x4];
	[sflag:s11] =	ssyncadd.s32 $0xFFFFFF80;
	s11 =	smul.u32 $0xFFFFFFF4, s19  }
0x66: {  	p2 =	sge.u32 s5, s21;
	s5 =	smov.u32 s16;
	s16 =	smul.u32 $0xFFFFFA00, s7  }
0x67: {  	s2 =	sshra.s32 s2, $0x2;
	s7 =	smul.u32 $0xFFFD0000, s7;
	p3 =	sne.s32 s3, s21  }
0x68: {  	[spmem:s17] =	stream.indirect.scatter.add.f32 [tilespmem:s10], [sflag:s14], $0x80, s13, s9, $0xb8;
	[tilespmem:$0x1FC80] =	vst v63  }
0x69: {  	s13 =	smov.u32 s26;
	s14 =	smov.u32 s31;
	s26 =	sadd.s32 $0x10, s26  }
0x6a: {  	s31 =	sadd.s32 $0x4, s31;
	s9 =	sshra.s32 s4, $0x2;
	s10 =	smul.u32 $0xFFFFFFF4, s15  }
0x6b: {  	s15 =	smul.u32 $0xFFFFFA00, s15;
	s0 =	sshra.s32 s14, $0x2;
	s9 =	sadd.s32 $0x8, s9  }
0x6c: {  	s4 =	sshra.s32 @!p1 s14, $0x2;
	s1 =	sshra.s32 @!p2 s14, $0x2;
	s16 =	sshra.s32 s16, $0x2  }
0x6d: {  	s10 =	sshra.s32 s10, $0x2;
	s15 =	sshra.s32 s15, $0x2;
	s4 =	sadd.s32 @!p1 s4, s9  }
0x6e: {  	s9 =	sshra.s32 @!p2 s20, $0x2;
	s15 =	sadd.s32 $0x100, s15;
	_ =	swait.ge @!p1 [sflag:s4], $0x4000  }
0x6f: {  	s10 =	sadd.s32 $0x3, s10;
	s9 =	sadd.s32 @!p2 s9, s15;
	[sflag:s4] =	ssyncset.done @!p1 $0x0  }
0x70: {  	s1 =	sadd.s32 @!p2 s1, s10;
	[sflag:s4] =	ssyncadd.s32 @!p1 $0xFFFFC000;
	p1 =	sge.u32 s3, s21  }
0x71: {  	s4 =	sadd.s32 $0x2, s2;
	s21 =	simm.s32 @!p2 $0x0;
	s10 =	sshra.s32 @!p1 s14, $0x2  }
0x72: {  	s15 =	sshra.s32 @!p1 s20, $0x2;
	s14 =	sadd.s32 $0x5, s2;
	s2 =	sadd.s32 $0x8, s2  }
0x73: {  	[tilespmem:s9], [sflag:s1] =	stream.linear.gather @!p2 [hbm4b:s8+s21], $0x80, $0x38;
	[tilespmem:$0x1FC80] =	vst v63  }
0x74: {  	s9 =	simm.s32 $0x80;
	s8 =	sshra.s32 s7, $0x2;
	s21 =	sshra.s32 s11, $0x2  }
0x75: {  	s18 =	sadd.s32 @!p1 s10, s14;
	s14 =	sadd.s32 @!p1 s10, s2;
	s4 =	sadd.s32 @!p1 s10, s4  }
0x76: {  	s10 =	sadd.s32 $0x80, s16;
	s2 =	sadd.s32 $0x280, s16;
	s16 =	simm.s32 @!p1 $0x80  }
.Ltmp4:
0x77: {  	s1 =	sadd.s32 s8, s6;
	_ =	swait.ge @!p1 [sflag:s4], $0x80;
	(pc) =	sbr.rel @p3 .LBB2_6-.Ltmp4, $4  }
0x78: {  	s11 =	sadd.s32 $0x7, s21;
	s6 =	sadd.s32 $0xA, s21;
	[sflag:s4] =	ssyncset.done @!p1 $0x0  }
0x79: {  	s7 =	sadd.s32 @!p1 s15, s10;
	s8 =	sadd.s32 @!p1 s15, s2;
	[sflag:s4] =	ssyncadd.s32 @!p1 $0xFFFFFF80  }
0x7a: {  	[tilespmem:s1], [sflag:s18] =	stream.indirect.gather @!p1 [hbm4b:s5+s16], $0x80, s7, s16, $0xb8;
	[tilespmem:$0x1FC80] =	vst v63  }
0x7b: {  	s15 =	simm.s32 @!p1 $0x0;
	s16 =	smov.u32 s5;
	s7 =	sadd.s32 $0x4, s21  }
.LBB2_7:
0x7c: {  	[tilespmem:s8], [sflag:s14] =	stream.linear.gather @!p1 [hbm4b:s13+s15], $0x80, $0x38;
	[tilespmem:$0x1FC80] =	vst v63  }
0x7d: {  	s1 =	sadd.s32 s0, s7  }
0x7e: {  	s2 =	smul.u32 $0xFFFFFA00, s19;
	_ =	swait.ge [sflag:s1], $0x4000  }
0x7f: {  	s3 =	smul.u32 $0xFFFD0000, s19;
	s4 =	sadd.s32 s0, s11;
	[sflag:s1] =	ssyncset.done $0x0  }
0x80: {  	s24 =	sshra.s32 s20, $0x2;
	s25 =	sadd.s32 s0, s6;
	[sflag:s1] =	ssyncadd.s32 $0xFFFFC000  }
0x81: {  	s2 =	sshra.s32 s2, $0x2;
	s23 =	sshra.s32 s3, $0x2;
	_ =	swait.ge [sflag:s4], $0x80  }
0x82: {  	s22 =	sadd.s32 $0x200, s2;
	s2 =	sadd.s32 s23, s12;
	[sflag:s4] =	ssyncset.done $0x0  }
0x83: {  	s1 =	sadd.s32 s24, s22;
	s26 =	rddreg [dreg:$0x9];
	[sflag:s4] =	ssyncadd.s32 $0xFFFFFF80  }
0x84: {  	[spmem:s17] =	stream.indirect.scatter.add.f32 [tilespmem:s2], [sflag:s25], $0x80, s1, s9, $0xb8;
	[tilespmem:$0x1FC80] =	vst v63  }
0x85: {  	_ =	swait.ge [sflag:s26], $0x4000  }
0x86: {  	[sflag:s26] =	ssyncset.done $0x0  }
0x87: {  	s28 =	rddreg [dreg:$0xa];
	[sflag:s26] =	ssyncadd.s32 $0xFFFFC000  }
0x88: {  	_ =	swait.ge [sflag:s28], $0x4000  }
0x89: {  	[sflag:s28] =	ssyncset.done $0x0  }
0x8a: {  	[sflag:s28] =	ssyncadd.s32 $0xFFFFC000  }
0x8b: {  	s29 =	stileid.u32;
	[bflag:$0x0] =	sbarrier.arrive $0xFFFF  }
.Ltmp5:
0x8c: {  	s0 =	sshll.u32 s29, $0x6;
	s5 =	rddreg [dreg:$0xc];
	(pc) =	sbr.rel @!p0 .LBB2_9-.Ltmp5, $4  }
0x8d: {  	s0 =	sor.u32 $0x1C0D, s0;
	s31 =	rddreg [dreg:$0xf];
	s30 =	sshrl.u32 s5, $0x3  }
0x8e: {  	[hbm:s31], [sflag:s0] =	dma.local [spmem:s30], $0x80  }
0x8f: {  	s7 =	simm.s32 $0xD;
	s6 =	sadd.s32 $0x80, s31;
	s4 =	rddreg [dreg:$0x4]  }
0x90: {  	s8 =	smov.u32 s5;
	_ =	swait.ge [sflag:s7], $0x80;
	s3 =	sadd.s32 $0xFFFFFFFF, s4  }
.LBB2_8:
0x91: {  	[sflag:s7] =	ssyncset.done $0x0;
	s8 =	sadd.s32 $0x400, s8;
	p0 =	sne.s32 s3, $0x1  }
.Ltmp6:
0x92: {  	s1 =	sshrl.u32 s8, $0x3;
	[sflag:s7] =	ssyncadd.s32 $0xFFFFFF80;
	(pc) =	sbr.rel @p0 .LBB2_8-.Ltmp6, $3  }
0x93: {  	[hbm:s6], [sflag:s0] =	dma.local [spmem:s1], $0x80  }
0x94: {  	s3 =	sadd.s32 $0xFFFFFFFF, s3;
	_ =	sdelay $0x1  }
0x95: {  	s6 =	sadd.s32 $0x80, s6;
	_ =	swait.ge [sflag:s7], $0x80  }
.LBB2_9:
0x96: {  	s2 =	rddreg [dreg:$0x5]  }
0x97: {  	s0 =	rddreg [dreg:$0xb];
	s2 =	sadd.s32 $0x1, s2  }
0x98: {  	p0 =	sne.s32 s2, s0  }
.Ltmp7:
0x99: {  	_ = 	snop;
	(pc) =	sbr.rel @p0 .LBB2_1-.Ltmp7, $3  }
0x9a: {  	_ =	sdelay $0x1  }
0x9b: {  	[sflag:s7] =	ssyncset.done $0x0  }
0x9c: {  	s1 =	simm.s32 $0x400;
	[sflag:s7] =	ssyncadd.s32 $0xFFFFFF80  }
0x9d: {  	_ =	sfence.sel $0x180000  }
0x9e: {  	[bflag:$0x0] =	sbarrier.arrive $0xFFFF  }
0x9f: {  	_ =	strace $0x9000004D  }
0xa0: {  	s0 =	stileid.u32;
	[bflag:$0x2] =	sbarrier.arrive $0xFFFF  }
0xa1: {  	p0 =	sne.s32 s0, $0x0;
	s0 =	rddreg [dreg:$0x3]  }
0xa2: {  	s0 =	sadd.s32 @!p0 $0x100000, s0  }
0xa3: {  	[sflag:s0] =	ssyncadd.tile.s32 @!p0 $0x1;
	_ =	shalt  }
.Lfunc_end2:
_tile_overlayer_lowered:
.L_overlay_start_2:
0xa4: {  	(tag) =	ssettag $0x2  }
0xa5: {  	s0 =	rddreg [dreg:$0x0];
	s2 =	stileid.u32  }
0xa6: {  	s1 =	rddreg [dreg:$0x1];
	p0 =	sne.s32 s2, $0x0  }
0xa7: {  	s3 =	rddreg [dreg:$0x2];
	[bflag:$0x3] =	sbarrier.arrive $0xFFFF;
	s2 =	simm.s32 @!p0 $0x1C0D  }
0xa8: {  	[timem:s3], [sflag:s2] =	dma.local @!p0 [hbm:s0], s1  }
0xa9: {  	s0 =	simm.s32 @!p0 $0xD  }
0xaa: {  	_ =	swait.ge @!p0 [sflag:s0], s1  }
0xab: {  	s1 =	ssub.s32 @!p0 $0x0, s1;
	[sflag:s0] =	ssyncset.done @!p0 $0x0  }
0xac: {  	[sflag:s0] =	ssyncadd.s32 @!p0 s1  }
0xad: {  	[bflag:$0x3] =	sbarrier.arrive $0xFFFF  }
0xae: {  	_ =	shalt  }

</sc_bundles>
